<compile_context>
chip_gen: v7x
topology: tpu7x:2x2x1
jax: 0.10.2.dev20260603
libtpu: 0.0.44.dev20260713+nightly
codegen_flags: <defaults>
</compile_context>

<pallas_src>
import functools

import jax
import jax.numpy as jnp
from jax import lax
from jax.experimental import pallas as pl
from jax.experimental.pallas import tpu as pltpu
from jax.experimental.pallas import tpu_sc as plsc

N = 10000
E = 320000
C = 128
NC = 2
NS = 16
NW = NC * NS
EPW = E // NW
K = 80
NCH = EPW // K
NBUF = 3
RPT = N // NS


def _vsc_mesh():
    return plsc.VectorSubcoreMesh(core_axis_name="c", subcore_axis_name="s")


@functools.partial(
    pl.kernel,
    out_type=jax.ShapeDtypeStruct((NC, 2, N), jnp.float32),
    mesh=_vsc_mesh(),
    scratch_types=[
        pltpu.VMEM((EPW,), jnp.int32),
        pltpu.VMEM((EPW,), jnp.int32),
        pltpu.VMEM((K,), jnp.float32),
        pltpu.VMEM((2000,), jnp.float32),
        pltpu.VMEM_SHARED((N,), jnp.float32),
        pltpu.VMEM_SHARED((N,), jnp.float32),
        pltpu.SemaphoreType.DMA,
    ],
    compiler_params=pltpu.CompilerParams(use_tc_tiling_on_sc=False),
)
def _deg(ei_hbm, degp_hbm, sidx, didx, ones, zbuf, acc_s, acc_d,
         dsem):
    cid = lax.axis_index("c")
    sid = lax.axis_index("s")
    wid = cid * NS + sid

    @pl.when(sid == 0)
    def _init():
        def zrow(i, carry):
            zbuf[pl.ds(i * 16, 16)] = jnp.zeros((16,), jnp.float32)
            return carry
        lax.fori_loop(0, 2000 // 16, zrow, None)
        for t in range(N // 2000):
            pltpu.sync_copy(zbuf, acc_s.at[pl.ds(t * 2000, 2000)])
            pltpu.sync_copy(zbuf, acc_d.at[pl.ds(t * 2000, 2000)])

    for c16 in range(K // 16):
        ones[pl.ds(c16 * 16, 16)] = jnp.ones((16,), jnp.float32)

    plsc.subcore_barrier()

    base = pl.multiple_of(wid * EPW, 8)
    pltpu.sync_copy(ei_hbm.at[pl.ds(base, EPW)], sidx)
    pltpu.sync_copy(ei_hbm.at[pl.ds(E + base, EPW)], didx)

    DB = 5

    def _cidx(ref, j):
        return ref.at[pl.ds(pl.multiple_of(j * K, 8), K)]

    def _fire(b0):
        for b in range(DB):
            pltpu.async_copy(ones, acc_s.at[_cidx(sidx, b0 + b)], dsem,
                             add=True)
            pltpu.async_copy(ones, acc_d.at[_cidx(didx, b0 + b)], dsem,
                             add=True)

    def _drain():
        for _ in range(2 * DB):
            pltpu.make_async_copy(ones, acc_s.at[_cidx(sidx, 0)],
                                  dsem).wait()

    _fire(0)

    def chunk(o, carry):
        _fire((o + 1) * DB)
        _drain()
        return carry
    lax.fori_loop(0, NCH // DB - 1, chunk, None)
    _drain()

    plsc.subcore_barrier()

    @pl.when(sid == 0)
    def _writeout():
        pltpu.sync_copy(acc_s, degp_hbm.at[cid, 0])
        pltpu.sync_copy(acc_d, degp_hbm.at[cid, 1])


@functools.partial(
    pl.kernel,
    out_type=jax.ShapeDtypeStruct((NC, N, C), jnp.float32),
    mesh=_vsc_mesh(),
    scratch_types=[
        pltpu.VMEM((EPW,), jnp.int32),
        pltpu.VMEM((EPW,), jnp.int32),
        [pltpu.VMEM((K, C), jnp.float32) for _ in range(NBUF)],
        [pltpu.SemaphoreType.DMA for _ in range(NBUF)],
        pltpu.VMEM_SHARED((N, C), jnp.float32),
    ],
    compiler_params=pltpu.CompilerParams(use_tc_tiling_on_sc=False),
)
def _agg(ei_hbm, h_hbm, out_hbm, sidx, didx, rows, sems, acc):
    cid = lax.axis_index("c")
    sid = lax.axis_index("s")
    wid = cid * NS + sid

    def zrow(i, carry):
        for c16 in range(C // 16):
            rows[0][i, pl.ds(c16 * 16, 16)] = jnp.zeros((16,), jnp.float32)
        return carry
    lax.fori_loop(0, K, zrow, None)
    for t in range(RPT // K):
        pltpu.sync_copy(rows[0], acc.at[pl.ds(sid * RPT + t * K, K)])
    _REM = RPT - (RPT // K) * K
    if _REM:
        pltpu.sync_copy(rows[0].at[pl.ds(0, _REM)],
                        acc.at[pl.ds(sid * RPT + (RPT // K) * K, _REM)])
    plsc.subcore_barrier()

    base = pl.multiple_of(wid * EPW, 8)
    pltpu.sync_copy(ei_hbm.at[pl.ds(base, EPW)], sidx)
    pltpu.sync_copy(ei_hbm.at[pl.ds(E + base, EPW)], didx)

    def _cidx(ref, j):
        return ref.at[pl.ds(pl.multiple_of(j * K, 8), K)]

    def _gather(j, b):
        pltpu.async_copy(h_hbm.at[_cidx(sidx, j)], rows[b], sems[b])

    def _scat(j, b):
        pltpu.make_async_copy(h_hbm.at[pl.ds(0, K)], rows[b], sems[b]).wait()
        pltpu.sync_copy(rows[b], acc.at[_cidx(didx, j)], add=True)

    OUT = NCH // NBUF - 1
    TAIL = NCH - NBUF * OUT

    for b in range(NBUF):
        _gather(b, b)

    def outer(o, carry):
        jb = o * NBUF
        for b in range(NBUF):
            _scat(jb + b, b)
            _gather(jb + b + NBUF, b)
        return carry
    lax.fori_loop(0, OUT, outer, None)

    jb = OUT * NBUF
    for b in range(NBUF):
        _scat(jb + b, b)
    for t in range(TAIL - NBUF):
        j = jb + NBUF + t
        _gather(j, t)
        _scat(j, t)

    plsc.subcore_barrier()
    pltpu.sync_copy(acc.at[pl.ds(sid * RPT, RPT)],
                    out_hbm.at[cid, pl.ds(sid * RPT, RPT)])


BM = 2048


def _norm_cols(degp_ref):
    deg = degp_ref[0] + degp_ref[1]
    nrm = lax.rsqrt(jnp.maximum(deg, 1.0))
    nt = jnp.transpose(nrm, (1, 0))
    return nt[:, 0:1], nt[:, 1:2]


def _prescale_body(x_ref, degp_ref, h_ref):
    ns, _ = _norm_cols(degp_ref)
    h_ref[...] = x_ref[...] * ns


_prescale = pl.pallas_call(
    _prescale_body,
    grid=((N + BM - 1) // BM,),
    in_specs=[
        pl.BlockSpec((BM, C), lambda i: (i, 0)),
        pl.BlockSpec((NC, 2, BM), lambda i: (0, 0, i)),
    ],
    out_specs=pl.BlockSpec((BM, C), lambda i: (i, 0)),
    out_shape=jax.ShapeDtypeStruct((N, C), jnp.float32),
)


def _mm1_body(aggp_ref, degp_ref, w_ref, o_ref):
    ns, nd = _norm_cols(degp_ref)
    a = (aggp_ref[0] + aggp_ref[1]) * nd
    h = jnp.dot(a, w_ref[...], preferred_element_type=jnp.float32)
    o_ref[...] = jnp.maximum(h, 0.0) * ns


_mm1 = pl.pallas_call(
    _mm1_body,
    grid=((N + BM - 1) // BM,),
    in_specs=[
        pl.BlockSpec((NC, BM, C), lambda i: (0, i, 0)),
        pl.BlockSpec((NC, 2, BM), lambda i: (0, 0, i)),
        pl.BlockSpec((C, C), lambda i: (0, 0)),
    ],
    out_specs=pl.BlockSpec((BM, C), lambda i: (i, 0)),
    out_shape=jax.ShapeDtypeStruct((N, C), jnp.float32),
)


def _mm2_body(aggp_ref, degp_ref, w_ref, o_ref):
    _, nd = _norm_cols(degp_ref)
    a = (aggp_ref[0] + aggp_ref[1]) * nd
    o_ref[...] = jnp.dot(a, w_ref[...], preferred_element_type=jnp.float32)


_mm2 = pl.pallas_call(
    _mm2_body,
    grid=((N + BM - 1) // BM,),
    in_specs=[
        pl.BlockSpec((NC, BM, C), lambda i: (0, i, 0)),
        pl.BlockSpec((NC, 2, BM), lambda i: (0, 0, i)),
        pl.BlockSpec((C, C), lambda i: (0, 0)),
    ],
    out_specs=pl.BlockSpec((BM, C), lambda i: (i, 0)),
    out_shape=jax.ShapeDtypeStruct((N, C), jnp.float32),
)


def kernel(x, edge_index, W1, W2):
    ei = edge_index.astype(jnp.int32).reshape(2 * E)

    degp = _deg(ei)
    h = _prescale(x, degp)
    aggp = _agg(ei, h)
    h1 = _mm1(aggp, degp, W1)
    aggp2 = _agg(ei, h1)
    out = _mm2(aggp2, degp, W2)
    return out

# --- scband reference (transcript-rebuilt; emitter-appended) ---
"""Pipeline reference for scband-dglgcn-2714419331422 (READ-ONLY COPY).

The authoritative reference and input builder live on the scoring server;
editing this copy changes nothing except your own understanding.
"""

import jax, jax.numpy as jnp
import numpy as np

N_NODES = 10000
N_EDGES = 320000
IN_CH = 128
HID_CH = 128
OUT_CH = 128


def setup_inputs(seed: int = 0) -> dict:
    key = jax.random.key(seed)
    k1, k2, k3, k4 = jax.random.split(key, 4)
    x = jax.random.normal(k1, (N_NODES, IN_CH), dtype=jnp.float32)
    edge_index = jax.random.randint(k2, (2, N_EDGES), 0, N_NODES, dtype=jnp.int64)
    # Xavier-uniform-like init as in DGL GraphConv
    lim1 = float(np.sqrt(6.0 / (IN_CH + HID_CH)))
    lim2 = float(np.sqrt(6.0 / (HID_CH + OUT_CH)))
    W1 = jax.random.uniform(k3, (IN_CH, HID_CH), dtype=jnp.float32, minval=-lim1, maxval=lim1)
    W2 = jax.random.uniform(k4, (HID_CH, OUT_CH), dtype=jnp.float32, minval=-lim2, maxval=lim2)
    return {"x": x, "edge_index": edge_index, "W1": W1, "W2": W2}


def _graph_conv(x, edge_index, W):
    # DGL GraphConv with norm='both', bias=False:
    # out = D_dst^{-1/2} * A * D_src^{-1/2} * X * W
    n = x.shape[0]
    src = edge_index[0]
    dst = edge_index[1]
    ones = jnp.ones((edge_index.shape[1],), dtype=jnp.float32)
    deg_out = jax.ops.segment_sum(ones, src, num_segments=n)
    deg_out = jnp.clip(deg_out, 1.0, None)
    norm_src = jax.lax.rsqrt(deg_out)
    h = x * norm_src[:, None]
    # aggregate (copy_u + sum): gather src features, scatter-add to dst
    agg = jax.ops.segment_sum(h[src], dst, num_segments=n)
    deg_in = jax.ops.segment_sum(ones, dst, num_segments=n)
    deg_in = jnp.clip(deg_in, 1.0, None)
    norm_dst = jax.lax.rsqrt(deg_in)
    rst = agg * norm_dst[:, None]
    return rst @ W


def reference(x, edge_index, W1, W2):
    h = _graph_conv(x, edge_index, W1)
    h = jax.nn.relu(h)
    out = _graph_conv(h, edge_index, W2)
    return out

if __name__ == "__main__":
    import jax
    _d = setup_inputs()
    print(jax.jit(kernel)(*tuple(_d.values())))

</pallas_src>

<mosaic_0001>
#map = affine_map<(d0, d1) -> (0)>
#map1 = affine_map<(d0, d1) -> (0, 0, 0)>
module attributes {stable_mosaic.version = 14 : i64} {
  func.func @_deg(%arg0: i32, %arg1: i32, %arg2: memref<640000xi32, #tpu.memory_space<hbm>>, %arg3: memref<2x2x10000xf32, #tpu.memory_space<hbm>>, %arg4: memref<10000xi32, #tpu.memory_space<vmem>>, %arg5: memref<10000xi32, #tpu.memory_space<vmem>>, %arg6: memref<80xf32, #tpu.memory_space<vmem>>, %arg7: memref<2000xf32, #tpu.memory_space<vmem>>, %arg8: memref<10000xf32, #tpu.memory_space<vmem_shared>>, %arg9: memref<10000xf32, #tpu.memory_space<vmem_shared>>, %arg10: memref<!tpu.dma_semaphore, #tpu.memory_space<semaphore_mem>>) attributes {dimension_semantics = [#tpu.dimension_semantics<core_parallel>, #tpu.dimension_semantics<subcore_parallel>], iteration_bounds = array<i64: 2, 16>, scalar_prefetch = 0 : i64, scratch_operands = 7 : i64, tpu.core_type = #tpu.core_type<sc_vector_subcore>, window_params = [{transform_indices = #map}, {transform_indices = #map1}]} {
    %mul3A = arith.constant 16 : i32
    %mul3A_0 = arith.muli %arg0, %mul3A : i32
    %add3A = arith.addi %mul3A_0, %arg1 : i32
    %eq3A = arith.constant 0 : i32
    %eq3A_1 = arith.cmpi eq, %arg1, %eq3A : i32
    %convert_element_type3A = arith.extui %eq3A_1 : i1 to i32
    %cond3A = arith.constant 0 : i32
    %cond3A_2 = arith.cmpi ne, %convert_element_type3A, %cond3A : i32
    scf.if %cond3A_2 {
      %scan3A_143 = arith.constant 0 : i32
      %scan3A_144 = arith.constant 125 : i32
      %scan3A_145 = arith.addi %scan3A_143, %scan3A_144 : i32
      %scan3A_146 = arith.constant 1 : i32
      scf.for %scan3A_148 = %scan3A_143 to %scan3A_145 step %scan3A_146  : i32 {
        %broadcast_in_dim3A_149 = arith.constant 0.000000e+00 : f32
        %broadcast_in_dim3A_150 = vector.broadcast %broadcast_in_dim3A_149 : f32 to vector<16xf32>
        %mul3A_151 = arith.constant 16 : i32
        %mul3A_152 = arith.muli %scan3A_148, %mul3A_151 : i32
        %swap3A_153 = arith.index_cast %mul3A_152 : i32 to index
        %swap3A_154 = tpu.vector_load %arg7[%swap3A_153] {strides = array<i32>} : memref<2000xf32, #tpu.memory_space<vmem>>, vector<16xf32>,
        %swap3A_155 = vector.shape_cast %swap3A_154 : vector<16xf32> to vector<16xf32>
        %swap3A_156 = vector.shape_cast %broadcast_in_dim3A_150 : vector<16xf32> to vector<16xf32>
        tpu.vector_store %arg7[%swap3A_153], %swap3A_156 {strides = array<i32>} : memref<2000xf32, #tpu.memory_space<vmem>>, vector<16xf32>,
      }
      %scan3A_147 = arith.constant 125 : i32
      "tpu.region"() ({
        %run_scoped3A = tpu.sem_alloc : memref<!tpu.dma_semaphore, #tpu.memory_space<semaphore_mem>>
        %dma_start3A_148 = arith.constant 0 : i32
        %dma_start3A_149 = tpu.memref_slice %arg8[%dma_start3A_148] : memref<10000xf32, #tpu.memory_space<vmem_shared>> -> memref<2000xf32, #tpu.memory_space<vmem_shared>>
        %dma_start3A_150 = arith.constant 0 : i32
        %dma_start3A_151 = tpu.memref_slice %arg8[%dma_start3A_150] : memref<10000xf32, #tpu.memory_space<vmem_shared>> -> memref<2000xf32, #tpu.memory_space<vmem_shared>>
        tpu.enqueue_dma source(%arg7 : memref<2000xf32, #tpu.memory_space<vmem>>) target(%dma_start3A_151 : memref<2000xf32, #tpu.memory_space<vmem_shared>>) target_semaphore(%run_scoped3A : memref<!tpu.dma_semaphore, #tpu.memory_space<semaphore_mem>>)
        %dma_wait3A_152 = arith.constant 0 : i32
        %dma_wait3A_153 = tpu.memref_slice %arg8[%dma_wait3A_152] : memref<10000xf32, #tpu.memory_space<vmem_shared>> -> memref<2000xf32, #tpu.memory_space<vmem_shared>>
        %dma_wait3A_154 = arith.constant 0 : i32
        %dma_wait3A_155 = tpu.memref_slice %arg8[%dma_wait3A_154] : memref<10000xf32, #tpu.memory_space<vmem_shared>> -> memref<2000xf32, #tpu.memory_space<vmem_shared>>
        tpu.wait_dma2 semaphore(%run_scoped3A : memref<!tpu.dma_semaphore, #tpu.memory_space<semaphore_mem>>) src(%arg7 : memref<2000xf32, #tpu.memory_space<vmem>>) dst(%dma_wait3A_155 : memref<2000xf32, #tpu.memory_space<vmem_shared>>)
        tpu.yield
      }) : () -> ()
      "tpu.region"() ({
        %run_scoped3A = tpu.sem_alloc : memref<!tpu.dma_semaphore, #tpu.memory_space<semaphore_mem>>
        %dma_start3A_148 = arith.constant 0 : i32
        %dma_start3A_149 = tpu.memref_slice %arg9[%dma_start3A_148] : memref<10000xf32, #tpu.memory_space<vmem_shared>> -> memref<2000xf32, #tpu.memory_space<vmem_shared>>
        %dma_start3A_150 = arith.constant 0 : i32
        %dma_start3A_151 = tpu.memref_slice %arg9[%dma_start3A_150] : memref<10000xf32, #tpu.memory_space<vmem_shared>> -> memref<2000xf32, #tpu.memory_space<vmem_shared>>
        tpu.enqueue_dma source(%arg7 : memref<2000xf32, #tpu.memory_space<vmem>>) target(%dma_start3A_151 : memref<2000xf32, #tpu.memory_space<vmem_shared>>) target_semaphore(%run_scoped3A : memref<!tpu.dma_semaphore, #tpu.memory_space<semaphore_mem>>)
        %dma_wait3A_152 = arith.constant 0 : i32
        %dma_wait3A_153 = tpu.memref_slice %arg9[%dma_wait3A_152] : memref<10000xf32, #tpu.memory_space<vmem_shared>> -> memref<2000xf32, #tpu.memory_space<vmem_shared>>
        %dma_wait3A_154 = arith.constant 0 : i32
        %dma_wait3A_155 = tpu.memref_slice %arg9[%dma_wait3A_154] : memref<10000xf32, #tpu.memory_space<vmem_shared>> -> memref<2000xf32, #tpu.memory_space<vmem_shared>>
        tpu.wait_dma2 semaphore(%run_scoped3A : memref<!tpu.dma_semaphore, #tpu.memory_space<semaphore_mem>>) src(%arg7 : memref<2000xf32, #tpu.memory_space<vmem>>) dst(%dma_wait3A_155 : memref<2000xf32, #tpu.memory_space<vmem_shared>>)
        tpu.yield
      }) : () -> ()
      "tpu.region"() ({
        %run_scoped3A = tpu.sem_alloc : memref<!tpu.dma_semaphore, #tpu.memory_space<semaphore_mem>>
        %dma_start3A_148 = arith.constant 2000 : i32
        %dma_start3A_149 = tpu.memref_slice %arg8[%dma_start3A_148] : memref<10000xf32, #tpu.memory_space<vmem_shared>> -> memref<2000xf32, #tpu.memory_space<vmem_shared>>
        %dma_start3A_150 = arith.constant 2000 : i32
        %dma_start3A_151 = tpu.memref_slice %arg8[%dma_start3A_150] : memref<10000xf32, #tpu.memory_space<vmem_shared>> -> memref<2000xf32, #tpu.memory_space<vmem_shared>>
        tpu.enqueue_dma source(%arg7 : memref<2000xf32, #tpu.memory_space<vmem>>) target(%dma_start3A_151 : memref<2000xf32, #tpu.memory_space<vmem_shared>>) target_semaphore(%run_scoped3A : memref<!tpu.dma_semaphore, #tpu.memory_space<semaphore_mem>>)
        %dma_wait3A_152 = arith.constant 2000 : i32
        %dma_wait3A_153 = tpu.memref_slice %arg8[%dma_wait3A_152] : memref<10000xf32, #tpu.memory_space<vmem_shared>> -> memref<2000xf32, #tpu.memory_space<vmem_shared>>
        %dma_wait3A_154 = arith.constant 2000 : i32
        %dma_wait3A_155 = tpu.memref_slice %arg8[%dma_wait3A_154] : memref<10000xf32, #tpu.memory_space<vmem_shared>> -> memref<2000xf32, #tpu.memory_space<vmem_shared>>
        tpu.wait_dma2 semaphore(%run_scoped3A : memref<!tpu.dma_semaphore, #tpu.memory_space<semaphore_mem>>) src(%arg7 : memref<2000xf32, #tpu.memory_space<vmem>>) dst(%dma_wait3A_155 : memref<2000xf32, #tpu.memory_space<vmem_shared>>)
        tpu.yield
      }) : () -> ()
      "tpu.region"() ({
        %run_scoped3A = tpu.sem_alloc : memref<!tpu.dma_semaphore, #tpu.memory_space<semaphore_mem>>
        %dma_start3A_148 = arith.constant 2000 : i32
        %dma_start3A_149 = tpu.memref_slice %arg9[%dma_start3A_148] : memref<10000xf32, #tpu.memory_space<vmem_shared>> -> memref<2000xf32, #tpu.memory_space<vmem_shared>>
        %dma_start3A_150 = arith.constant 2000 : i32
        %dma_start3A_151 = tpu.memref_slice %arg9[%dma_start3A_150] : memref<10000xf32, #tpu.memory_space<vmem_shared>> -> memref<2000xf32, #tpu.memory_space<vmem_shared>>
        tpu.enqueue_dma source(%arg7 : memref<2000xf32, #tpu.memory_space<vmem>>) target(%dma_start3A_151 : memref<2000xf32, #tpu.memory_space<vmem_shared>>) target_semaphore(%run_scoped3A : memref<!tpu.dma_semaphore, #tpu.memory_space<semaphore_mem>>)
        %dma_wait3A_152 = arith.constant 2000 : i32
        %dma_wait3A_153 = tpu.memref_slice %arg9[%dma_wait3A_152] : memref<10000xf32, #tpu.memory_space<vmem_shared>> -> memref<2000xf32, #tpu.memory_space<vmem_shared>>
        %dma_wait3A_154 = arith.constant 2000 : i32
        %dma_wait3A_155 = tpu.memref_slice %arg9[%dma_wait3A_154] : memref<10000xf32, #tpu.memory_space<vmem_shared>> -> memref<2000xf32, #tpu.memory_space<vmem_shared>>
        tpu.wait_dma2 semaphore(%run_scoped3A : memref<!tpu.dma_semaphore, #tpu.memory_space<semaphore_mem>>) src(%arg7 : memref<2000xf32, #tpu.memory_space<vmem>>) dst(%dma_wait3A_155 : memref<2000xf32, #tpu.memory_space<vmem_shared>>)
        tpu.yield
      }) : () -> ()
      "tpu.region"() ({
        %run_scoped3A = tpu.sem_alloc : memref<!tpu.dma_semaphore, #tpu.memory_space<semaphore_mem>>
        %dma_start3A_148 = arith.constant 4000 : i32
        %dma_start3A_149 = tpu.memref_slice %arg8[%dma_start3A_148] : memref<10000xf32, #tpu.memory_space<vmem_shared>> -> memref<2000xf32, #tpu.memory_space<vmem_shared>>
        %dma_start3A_150 = arith.constant 4000 : i32
        %dma_start3A_151 = tpu.memref_slice %arg8[%dma_start3A_150] : memref<10000xf32, #tpu.memory_space<vmem_shared>> -> memref<2000xf32, #tpu.memory_space<vmem_shared>>
        tpu.enqueue_dma source(%arg7 : memref<2000xf32, #tpu.memory_space<vmem>>) target(%dma_start3A_151 : memref<2000xf32, #tpu.memory_space<vmem_shared>>) target_semaphore(%run_scoped3A : memref<!tpu.dma_semaphore, #tpu.memory_space<semaphore_mem>>)
        %dma_wait3A_152 = arith.constant 4000 : i32
        %dma_wait3A_153 = tpu.memref_slice %arg8[%dma_wait3A_152] : memref<10000xf32, #tpu.memory_space<vmem_shared>> -> memref<2000xf32, #tpu.memory_space<vmem_shared>>
        %dma_wait3A_154 = arith.constant 4000 : i32
        %dma_wait3A_155 = tpu.memref_slice %arg8[%dma_wait3A_154] : memref<10000xf32, #tpu.memory_space<vmem_shared>> -> memref<2000xf32, #tpu.memory_space<vmem_shared>>
        tpu.wait_dma2 semaphore(%run_scoped3A : memref<!tpu.dma_semaphore, #tpu.memory_space<semaphore_mem>>) src(%arg7 : memref<2000xf32, #tpu.memory_space<vmem>>) dst(%dma_wait3A_155 : memref<2000xf32, #tpu.memory_space<vmem_shared>>)
        tpu.yield
      }) : () -> ()
      "tpu.region"() ({
        %run_scoped3A = tpu.sem_alloc : memref<!tpu.dma_semaphore, #tpu.memory_space<semaphore_mem>>
        %dma_start3A_148 = arith.constant 4000 : i32
        %dma_start3A_149 = tpu.memref_slice %arg9[%dma_start3A_148] : memref<10000xf32, #tpu.memory_space<vmem_shared>> -> memref<2000xf32, #tpu.memory_space<vmem_shared>>
        %dma_start3A_150 = arith.constant 4000 : i32
        %dma_start3A_151 = tpu.memref_slice %arg9[%dma_start3A_150] : memref<10000xf32, #tpu.memory_space<vmem_shared>> -> memref<2000xf32, #tpu.memory_space<vmem_shared>>
        tpu.enqueue_dma source(%arg7 : memref<2000xf32, #tpu.memory_space<vmem>>) target(%dma_start3A_151 : memref<2000xf32, #tpu.memory_space<vmem_shared>>) target_semaphore(%run_scoped3A : memref<!tpu.dma_semaphore, #tpu.memory_space<semaphore_mem>>)
        %dma_wait3A_152 = arith.constant 4000 : i32
        %dma_wait3A_153 = tpu.memref_slice %arg9[%dma_wait3A_152] : memref<10000xf32, #tpu.memory_space<vmem_shared>> -> memref<2000xf32, #tpu.memory_space<vmem_shared>>
        %dma_wait3A_154 = arith.constant 4000 : i32
        %dma_wait3A_155 = tpu.memref_slice %arg9[%dma_wait3A_154] : memref<10000xf32, #tpu.memory_space<vmem_shared>> -> memref<2000xf32, #tpu.memory_space<vmem_shared>>
        tpu.wait_dma2 semaphore(%run_scoped3A : memref<!tpu.dma_semaphore, #tpu.memory_space<semaphore_mem>>) src(%arg7 : memref<2000xf32, #tpu.memory_space<vmem>>) dst(%dma_wait3A_155 : memref<2000xf32, #tpu.memory_space<vmem_shared>>)
        tpu.yield
      }) : () -> ()
      "tpu.region"() ({
        %run_scoped3A = tpu.sem_alloc : memref<!tpu.dma_semaphore, #tpu.memory_space<semaphore_mem>>
        %dma_start3A_148 = arith.constant 6000 : i32
        %dma_start3A_149 = tpu.memref_slice %arg8[%dma_start3A_148] : memref<10000xf32, #tpu.memory_space<vmem_shared>> -> memref<2000xf32, #tpu.memory_space<vmem_shared>>
        %dma_start3A_150 = arith.constant 6000 : i32
        %dma_start3A_151 = tpu.memref_slice %arg8[%dma_start3A_150] : memref<10000xf32, #tpu.memory_space<vmem_shared>> -> memref<2000xf32, #tpu.memory_space<vmem_shared>>
        tpu.enqueue_dma source(%arg7 : memref<2000xf32, #tpu.memory_space<vmem>>) target(%dma_start3A_151 : memref<2000xf32, #tpu.memory_space<vmem_shared>>) target_semaphore(%run_scoped3A : memref<!tpu.dma_semaphore, #tpu.memory_space<semaphore_mem>>)
        %dma_wait3A_152 = arith.constant 6000 : i32
        %dma_wait3A_153 = tpu.memref_slice %arg8[%dma_wait3A_152] : memref<10000xf32, #tpu.memory_space<vmem_shared>> -> memref<2000xf32, #tpu.memory_space<vmem_shared>>
        %dma_wait3A_154 = arith.constant 6000 : i32
        %dma_wait3A_155 = tpu.memref_slice %arg8[%dma_wait3A_154] : memref<10000xf32, #tpu.memory_space<vmem_shared>> -> memref<2000xf32, #tpu.memory_space<vmem_shared>>
        tpu.wait_dma2 semaphore(%run_scoped3A : memref<!tpu.dma_semaphore, #tpu.memory_space<semaphore_mem>>) src(%arg7 : memref<2000xf32, #tpu.memory_space<vmem>>) dst(%dma_wait3A_155 : memref<2000xf32, #tpu.memory_space<vmem_shared>>)
        tpu.yield
      }) : () -> ()
      "tpu.region"() ({
        %run_scoped3A = tpu.sem_alloc : memref<!tpu.dma_semaphore, #tpu.memory_space<semaphore_mem>>
        %dma_start3A_148 = arith.constant 6000 : i32
        %dma_start3A_149 = tpu.memref_slice %arg9[%dma_start3A_148] : memref<10000xf32, #tpu.memory_space<vmem_shared>> -> memref<2000xf32, #tpu.memory_space<vmem_shared>>
        %dma_start3A_150 = arith.constant 6000 : i32
        %dma_start3A_151 = tpu.memref_slice %arg9[%dma_start3A_150] : memref<10000xf32, #tpu.memory_space<vmem_shared>> -> memref<2000xf32, #tpu.memory_space<vmem_shared>>
        tpu.enqueue_dma source(%arg7 : memref<2000xf32, #tpu.memory_space<vmem>>) target(%dma_start3A_151 : memref<2000xf32, #tpu.memory_space<vmem_shared>>) target_semaphore(%run_scoped3A : memref<!tpu.dma_semaphore, #tpu.memory_space<semaphore_mem>>)
        %dma_wait3A_152 = arith.constant 6000 : i32
        %dma_wait3A_153 = tpu.memref_slice %arg9[%dma_wait3A_152] : memref<10000xf32, #tpu.memory_space<vmem_shared>> -> memref<2000xf32, #tpu.memory_space<vmem_shared>>
        %dma_wait3A_154 = arith.constant 6000 : i32
        %dma_wait3A_155 = tpu.memref_slice %arg9[%dma_wait3A_154] : memref<10000xf32, #tpu.memory_space<vmem_shared>> -> memref<2000xf32, #tpu.memory_space<vmem_shared>>
        tpu.wait_dma2 semaphore(%run_scoped3A : memref<!tpu.dma_semaphore, #tpu.memory_space<semaphore_mem>>) src(%arg7 : memref<2000xf32, #tpu.memory_space<vmem>>) dst(%dma_wait3A_155 : memref<2000xf32, #tpu.memory_space<vmem_shared>>)
        tpu.yield
      }) : () -> ()
      "tpu.region"() ({
        %run_scoped3A = tpu.sem_alloc : memref<!tpu.dma_semaphore, #tpu.memory_space<semaphore_mem>>
        %dma_start3A_148 = arith.constant 8000 : i32
        %dma_start3A_149 = tpu.memref_slice %arg8[%dma_start3A_148] : memref<10000xf32, #tpu.memory_space<vmem_shared>> -> memref<2000xf32, #tpu.memory_space<vmem_shared>>
        %dma_start3A_150 = arith.constant 8000 : i32
        %dma_start3A_151 = tpu.memref_slice %arg8[%dma_start3A_150] : memref<10000xf32, #tpu.memory_space<vmem_shared>> -> memref<2000xf32, #tpu.memory_space<vmem_shared>>
        tpu.enqueue_dma source(%arg7 : memref<2000xf32, #tpu.memory_space<vmem>>) target(%dma_start3A_151 : memref<2000xf32, #tpu.memory_space<vmem_shared>>) target_semaphore(%run_scoped3A : memref<!tpu.dma_semaphore, #tpu.memory_space<semaphore_mem>>)
        %dma_wait3A_152 = arith.constant 8000 : i32
        %dma_wait3A_153 = tpu.memref_slice %arg8[%dma_wait3A_152] : memref<10000xf32, #tpu.memory_space<vmem_shared>> -> memref<2000xf32, #tpu.memory_space<vmem_shared>>
        %dma_wait3A_154 = arith.constant 8000 : i32
        %dma_wait3A_155 = tpu.memref_slice %arg8[%dma_wait3A_154] : memref<10000xf32, #tpu.memory_space<vmem_shared>> -> memref<2000xf32, #tpu.memory_space<vmem_shared>>
        tpu.wait_dma2 semaphore(%run_scoped3A : memref<!tpu.dma_semaphore, #tpu.memory_space<semaphore_mem>>) src(%arg7 : memref<2000xf32, #tpu.memory_space<vmem>>) dst(%dma_wait3A_155 : memref<2000xf32, #tpu.memory_space<vmem_shared>>)
        tpu.yield
      }) : () -> ()
      "tpu.region"() ({
        %run_scoped3A = tpu.sem_alloc : memref<!tpu.dma_semaphore, #tpu.memory_space<semaphore_mem>>
        %dma_start3A_148 = arith.constant 8000 : i32
        %dma_start3A_149 = tpu.memref_slice %arg9[%dma_start3A_148] : memref<10000xf32, #tpu.memory_space<vmem_shared>> -> memref<2000xf32, #tpu.memory_space<vmem_shared>>
        %dma_start3A_150 = arith.constant 8000 : i32
        %dma_start3A_151 = tpu.memref_slice %arg9[%dma_start3A_150] : memref<10000xf32, #tpu.memory_space<vmem_shared>> -> memref<2000xf32, #tpu.memory_space<vmem_shared>>
        tpu.enqueue_dma source(%arg7 : memref<2000xf32, #tpu.memory_space<vmem>>) target(%dma_start3A_151 : memref<2000xf32, #tpu.memory_space<vmem_shared>>) target_semaphore(%run_scoped3A : memref<!tpu.dma_semaphore, #tpu.memory_space<semaphore_mem>>)
        %dma_wait3A_152 = arith.constant 8000 : i32
        %dma_wait3A_153 = tpu.memref_slice %arg9[%dma_wait3A_152] : memref<10000xf32, #tpu.memory_space<vmem_shared>> -> memref<2000xf32, #tpu.memory_space<vmem_shared>>
        %dma_wait3A_154 = arith.constant 8000 : i32
        %dma_wait3A_155 = tpu.memref_slice %arg9[%dma_wait3A_154] : memref<10000xf32, #tpu.memory_space<vmem_shared>> -> memref<2000xf32, #tpu.memory_space<vmem_shared>>
        tpu.wait_dma2 semaphore(%run_scoped3A : memref<!tpu.dma_semaphore, #tpu.memory_space<semaphore_mem>>) src(%arg7 : memref<2000xf32, #tpu.memory_space<vmem>>) dst(%dma_wait3A_155 : memref<2000xf32, #tpu.memory_space<vmem_shared>>)
        tpu.yield
      }) : () -> ()
    } else {
    }
    %broadcast_in_dim3A = arith.constant 1.000000e+00 : f32
    %broadcast_in_dim3A_3 = vector.broadcast %broadcast_in_dim3A : f32 to vector<16xf32>
    %swap3A = arith.constant 0 : index
    %swap3A_4 = tpu.vector_load %arg6[%swap3A] {strides = array<i32>} : memref<80xf32, #tpu.memory_space<vmem>>, vector<16xf32>,
    %swap3A_5 = vector.shape_cast %swap3A_4 : vector<16xf32> to vector<16xf32>
    %swap3A_6 = vector.shape_cast %broadcast_in_dim3A_3 : vector<16xf32> to vector<16xf32>
    tpu.vector_store %arg6[%swap3A], %swap3A_6 {strides = array<i32>} : memref<80xf32, #tpu.memory_space<vmem>>, vector<16xf32>,
    %broadcast_in_dim3A_7 = arith.constant 1.000000e+00 : f32
    %broadcast_in_dim3A_8 = vector.broadcast %broadcast_in_dim3A_7 : f32 to vector<16xf32>
    %swap3A_9 = arith.constant 16 : index
    %swap3A_10 = tpu.vector_load %arg6[%swap3A_9] {strides = array<i32>} : memref<80xf32, #tpu.memory_space<vmem>>, vector<16xf32>,
    %swap3A_11 = vector.shape_cast %swap3A_10 : vector<16xf32> to vector<16xf32>
    %swap3A_12 = vector.shape_cast %broadcast_in_dim3A_8 : vector<16xf32> to vector<16xf32>
    tpu.vector_store %arg6[%swap3A_9], %swap3A_12 {strides = array<i32>} : memref<80xf32, #tpu.memory_space<vmem>>, vector<16xf32>,
    %broadcast_in_dim3A_13 = arith.constant 1.000000e+00 : f32
    %broadcast_in_dim3A_14 = vector.broadcast %broadcast_in_dim3A_13 : f32 to vector<16xf32>
    %swap3A_15 = arith.constant 32 : index
    %swap3A_16 = tpu.vector_load %arg6[%swap3A_15] {strides = array<i32>} : memref<80xf32, #tpu.memory_space<vmem>>, vector<16xf32>,
    %swap3A_17 = vector.shape_cast %swap3A_16 : vector<16xf32> to vector<16xf32>
    %swap3A_18 = vector.shape_cast %broadcast_in_dim3A_14 : vector<16xf32> to vector<16xf32>
    tpu.vector_store %arg6[%swap3A_15], %swap3A_18 {strides = array<i32>} : memref<80xf32, #tpu.memory_space<vmem>>, vector<16xf32>,
    %broadcast_in_dim3A_19 = arith.constant 1.000000e+00 : f32
    %broadcast_in_dim3A_20 = vector.broadcast %broadcast_in_dim3A_19 : f32 to vector<16xf32>
    %swap3A_21 = arith.constant 48 : index
    %swap3A_22 = tpu.vector_load %arg6[%swap3A_21] {strides = array<i32>} : memref<80xf32, #tpu.memory_space<vmem>>, vector<16xf32>,
    %swap3A_23 = vector.shape_cast %swap3A_22 : vector<16xf32> to vector<16xf32>
    %swap3A_24 = vector.shape_cast %broadcast_in_dim3A_20 : vector<16xf32> to vector<16xf32>
    tpu.vector_store %arg6[%swap3A_21], %swap3A_24 {strides = array<i32>} : memref<80xf32, #tpu.memory_space<vmem>>, vector<16xf32>,
    %broadcast_in_dim3A_25 = arith.constant 1.000000e+00 : f32
    %broadcast_in_dim3A_26 = vector.broadcast %broadcast_in_dim3A_25 : f32 to vector<16xf32>
    %swap3A_27 = arith.constant 64 : index
    %swap3A_28 = tpu.vector_load %arg6[%swap3A_27] {strides = array<i32>} : memref<80xf32, #tpu.memory_space<vmem>>, vector<16xf32>,
    %swap3A_29 = vector.shape_cast %swap3A_28 : vector<16xf32> to vector<16xf32>
    %swap3A_30 = vector.shape_cast %broadcast_in_dim3A_26 : vector<16xf32> to vector<16xf32>
    tpu.vector_store %arg6[%swap3A_27], %swap3A_30 {strides = array<i32>} : memref<80xf32, #tpu.memory_space<vmem>>, vector<16xf32>,
    %barrier3A = arith.constant 0 : index
    tpu.barrier barrier_id(%barrier3A)
    %mul3A_31 = arith.constant 10000 : i32
    %mul3A_32 = arith.muli %add3A, %mul3A_31 : i32
    %multiple_of3A = tpu.assume_multiple %mul3A_32, 8 : i32
    "tpu.region"() ({
      %run_scoped3A = tpu.sem_alloc : memref<!tpu.dma_semaphore, #tpu.memory_space<semaphore_mem>>
      %dma_start3A_143 = tpu.memref_slice %arg2[%multiple_of3A] : memref<640000xi32, #tpu.memory_space<hbm>> -> memref<10000xi32, #tpu.memory_space<hbm>>
      %dma_start3A_144 = tpu.memref_slice %arg2[%multiple_of3A] : memref<640000xi32, #tpu.memory_space<hbm>> -> memref<10000xi32, #tpu.memory_space<hbm>>
      tpu.enqueue_dma source(%dma_start3A_144 : memref<10000xi32, #tpu.memory_space<hbm>>) target(%arg4 : memref<10000xi32, #tpu.memory_space<vmem>>) target_semaphore(%run_scoped3A : memref<!tpu.dma_semaphore, #tpu.memory_space<semaphore_mem>>)
      %dma_wait3A_145 = tpu.memref_slice %arg2[%multiple_of3A] : memref<640000xi32, #tpu.memory_space<hbm>> -> memref<10000xi32, #tpu.memory_space<hbm>>
      %dma_wait3A_146 = tpu.memref_slice %arg2[%multiple_of3A] : memref<640000xi32, #tpu.memory_space<hbm>> -> memref<10000xi32, #tpu.memory_space<hbm>>
      tpu.wait_dma2 semaphore(%run_scoped3A : memref<!tpu.dma_semaphore, #tpu.memory_space<semaphore_mem>>) src(%dma_wait3A_146 : memref<10000xi32, #tpu.memory_space<hbm>>) dst(%arg4 : memref<10000xi32, #tpu.memory_space<vmem>>)
      tpu.yield
    }) : () -> ()
    %add3A_33 = arith.constant 320000 : i32
    %add3A_34 = arith.addi %add3A_33, %multiple_of3A : i32
    "tpu.region"() ({
      %run_scoped3A = tpu.sem_alloc : memref<!tpu.dma_semaphore, #tpu.memory_space<semaphore_mem>>
      %dma_start3A_143 = tpu.memref_slice %arg2[%add3A_34] : memref<640000xi32, #tpu.memory_space<hbm>> -> memref<10000xi32, #tpu.memory_space<hbm>>
      %dma_start3A_144 = tpu.memref_slice %arg2[%add3A_34] : memref<640000xi32, #tpu.memory_space<hbm>> -> memref<10000xi32, #tpu.memory_space<hbm>>
      tpu.enqueue_dma source(%dma_start3A_144 : memref<10000xi32, #tpu.memory_space<hbm>>) target(%arg5 : memref<10000xi32, #tpu.memory_space<vmem>>) target_semaphore(%run_scoped3A : memref<!tpu.dma_semaphore, #tpu.memory_space<semaphore_mem>>)
      %dma_wait3A_145 = tpu.memref_slice %arg2[%add3A_34] : memref<640000xi32, #tpu.memory_space<hbm>> -> memref<10000xi32, #tpu.memory_space<hbm>>
      %dma_wait3A_146 = tpu.memref_slice %arg2[%add3A_34] : memref<640000xi32, #tpu.memory_space<hbm>> -> memref<10000xi32, #tpu.memory_space<hbm>>
      tpu.wait_dma2 semaphore(%run_scoped3A : memref<!tpu.dma_semaphore, #tpu.memory_space<semaphore_mem>>) src(%dma_wait3A_146 : memref<10000xi32, #tpu.memory_space<hbm>>) dst(%arg5 : memref<10000xi32, #tpu.memory_space<vmem>>)
      tpu.yield
    }) : () -> ()
    %multiple_of3A_35 = arith.constant 0 : i32
    %multiple_of3A_36 = tpu.assume_multiple %multiple_of3A_35, 8 : i32
    %dma_start3A = tpu.memref_slice %arg4[%multiple_of3A_36] : memref<10000xi32, #tpu.memory_space<vmem>> -> memref<80xi32, #tpu.memory_space<vmem>>
    %dma_start3A_37 = arith.constant 0 : i32
    %dma_start3A_38 = tpu.memref_slice %arg8[%dma_start3A_37] : memref<10000xf32, #tpu.memory_space<vmem_shared>> -> memref<10000xf32, #tpu.memory_space<vmem_shared>>
    tpu.enqueue_indirect_dma source(%arg6 : memref<80xf32, #tpu.memory_space<vmem>>) target(%dma_start3A_38 : memref<10000xf32, #tpu.memory_space<vmem_shared>>) offsets(%dma_start3A : memref<80xi32, #tpu.memory_space<vmem>>) semaphore(%arg10 : memref<!tpu.dma_semaphore, #tpu.memory_space<semaphore_mem>>) {add = true}
    %multiple_of3A_39 = arith.constant 0 : i32
    %multiple_of3A_40 = tpu.assume_multiple %multiple_of3A_39, 8 : i32
    %dma_start3A_41 = tpu.memref_slice %arg5[%multiple_of3A_40] : memref<10000xi32, #tpu.memory_space<vmem>> -> memref<80xi32, #tpu.memory_space<vmem>>
    %dma_start3A_42 = arith.constant 0 : i32
    %dma_start3A_43 = tpu.memref_slice %arg9[%dma_start3A_42] : memref<10000xf32, #tpu.memory_space<vmem_shared>> -> memref<10000xf32, #tpu.memory_space<vmem_shared>>
    tpu.enqueue_indirect_dma source(%arg6 : memref<80xf32, #tpu.memory_space<vmem>>) target(%dma_start3A_43 : memref<10000xf32, #tpu.memory_space<vmem_shared>>) offsets(%dma_start3A_41 : memref<80xi32, #tpu.memory_space<vmem>>) semaphore(%arg10 : memref<!tpu.dma_semaphore, #tpu.memory_space<semaphore_mem>>) {add = true}
    %multiple_of3A_44 = arith.constant 80 : i32
    %multiple_of3A_45 = tpu.assume_multiple %multiple_of3A_44, 8 : i32
    %dma_start3A_46 = tpu.memref_slice %arg4[%multiple_of3A_45] : memref<10000xi32, #tpu.memory_space<vmem>> -> memref<80xi32, #tpu.memory_space<vmem>>
    %dma_start3A_47 = arith.constant 0 : i32
    %dma_start3A_48 = tpu.memref_slice %arg8[%dma_start3A_47] : memref<10000xf32, #tpu.memory_space<vmem_shared>> -> memref<10000xf32, #tpu.memory_space<vmem_shared>>
    tpu.enqueue_indirect_dma source(%arg6 : memref<80xf32, #tpu.memory_space<vmem>>) target(%dma_start3A_48 : memref<10000xf32, #tpu.memory_space<vmem_shared>>) offsets(%dma_start3A_46 : memref<80xi32, #tpu.memory_space<vmem>>) semaphore(%arg10 : memref<!tpu.dma_semaphore, #tpu.memory_space<semaphore_mem>>) {add = true}
    %multiple_of3A_49 = arith.constant 80 : i32
    %multiple_of3A_50 = tpu.assume_multiple %multiple_of3A_49, 8 : i32
    %dma_start3A_51 = tpu.memref_slice %arg5[%multiple_of3A_50] : memref<10000xi32, #tpu.memory_space<vmem>> -> memref<80xi32, #tpu.memory_space<vmem>>
    %dma_start3A_52 = arith.constant 0 : i32
    %dma_start3A_53 = tpu.memref_slice %arg9[%dma_start3A_52] : memref<10000xf32, #tpu.memory_space<vmem_shared>> -> memref<10000xf32, #tpu.memory_space<vmem_shared>>
    tpu.enqueue_indirect_dma source(%arg6 : memref<80xf32, #tpu.memory_space<vmem>>) target(%dma_start3A_53 : memref<10000xf32, #tpu.memory_space<vmem_shared>>) offsets(%dma_start3A_51 : memref<80xi32, #tpu.memory_space<vmem>>) semaphore(%arg10 : memref<!tpu.dma_semaphore, #tpu.memory_space<semaphore_mem>>) {add = true}
    %multiple_of3A_54 = arith.constant 160 : i32
    %multiple_of3A_55 = tpu.assume_multiple %multiple_of3A_54, 8 : i32
    %dma_start3A_56 = tpu.memref_slice %arg4[%multiple_of3A_55] : memref<10000xi32, #tpu.memory_space<vmem>> -> memref<80xi32, #tpu.memory_space<vmem>>
    %dma_start3A_57 = arith.constant 0 : i32
    %dma_start3A_58 = tpu.memref_slice %arg8[%dma_start3A_57] : memref<10000xf32, #tpu.memory_space<vmem_shared>> -> memref<10000xf32, #tpu.memory_space<vmem_shared>>
    tpu.enqueue_indirect_dma source(%arg6 : memref<80xf32, #tpu.memory_space<vmem>>) target(%dma_start3A_58 : memref<10000xf32, #tpu.memory_space<vmem_shared>>) offsets(%dma_start3A_56 : memref<80xi32, #tpu.memory_space<vmem>>) semaphore(%arg10 : memref<!tpu.dma_semaphore, #tpu.memory_space<semaphore_mem>>) {add = true}
    %multiple_of3A_59 = arith.constant 160 : i32
    %multiple_of3A_60 = tpu.assume_multiple %multiple_of3A_59, 8 : i32
    %dma_start3A_61 = tpu.memref_slice %arg5[%multiple_of3A_60] : memref<10000xi32, #tpu.memory_space<vmem>> -> memref<80xi32, #tpu.memory_space<vmem>>
    %dma_start3A_62 = arith.constant 0 : i32
    %dma_start3A_63 = tpu.memref_slice %arg9[%dma_start3A_62] : memref<10000xf32, #tpu.memory_space<vmem_shared>> -> memref<10000xf32, #tpu.memory_space<vmem_shared>>
    tpu.enqueue_indirect_dma source(%arg6 : memref<80xf32, #tpu.memory_space<vmem>>) target(%dma_start3A_63 : memref<10000xf32, #tpu.memory_space<vmem_shared>>) offsets(%dma_start3A_61 : memref<80xi32, #tpu.memory_space<vmem>>) semaphore(%arg10 : memref<!tpu.dma_semaphore, #tpu.memory_space<semaphore_mem>>) {add = true}
    %multiple_of3A_64 = arith.constant 240 : i32
    %multiple_of3A_65 = tpu.assume_multiple %multiple_of3A_64, 8 : i32
    %dma_start3A_66 = tpu.memref_slice %arg4[%multiple_of3A_65] : memref<10000xi32, #tpu.memory_space<vmem>> -> memref<80xi32, #tpu.memory_space<vmem>>
    %dma_start3A_67 = arith.constant 0 : i32
    %dma_start3A_68 = tpu.memref_slice %arg8[%dma_start3A_67] : memref<10000xf32, #tpu.memory_space<vmem_shared>> -> memref<10000xf32, #tpu.memory_space<vmem_shared>>
    tpu.enqueue_indirect_dma source(%arg6 : memref<80xf32, #tpu.memory_space<vmem>>) target(%dma_start3A_68 : memref<10000xf32, #tpu.memory_space<vmem_shared>>) offsets(%dma_start3A_66 : memref<80xi32, #tpu.memory_space<vmem>>) semaphore(%arg10 : memref<!tpu.dma_semaphore, #tpu.memory_space<semaphore_mem>>) {add = true}
    %multiple_of3A_69 = arith.constant 240 : i32
    %multiple_of3A_70 = tpu.assume_multiple %multiple_of3A_69, 8 : i32
    %dma_start3A_71 = tpu.memref_slice %arg5[%multiple_of3A_70] : memref<10000xi32, #tpu.memory_space<vmem>> -> memref<80xi32, #tpu.memory_space<vmem>>
    %dma_start3A_72 = arith.constant 0 : i32
    %dma_start3A_73 = tpu.memref_slice %arg9[%dma_start3A_72] : memref<10000xf32, #tpu.memory_space<vmem_shared>> -> memref<10000xf32, #tpu.memory_space<vmem_shared>>
    tpu.enqueue_indirect_dma source(%arg6 : memref<80xf32, #tpu.memory_space<vmem>>) target(%dma_start3A_73 : memref<10000xf32, #tpu.memory_space<vmem_shared>>) offsets(%dma_start3A_71 : memref<80xi32, #tpu.memory_space<vmem>>) semaphore(%arg10 : memref<!tpu.dma_semaphore, #tpu.memory_space<semaphore_mem>>) {add = true}
    %multiple_of3A_74 = arith.constant 320 : i32
    %multiple_of3A_75 = tpu.assume_multiple %multiple_of3A_74, 8 : i32
    %dma_start3A_76 = tpu.memref_slice %arg4[%multiple_of3A_75] : memref<10000xi32, #tpu.memory_space<vmem>> -> memref<80xi32, #tpu.memory_space<vmem>>
    %dma_start3A_77 = arith.constant 0 : i32
    %dma_start3A_78 = tpu.memref_slice %arg8[%dma_start3A_77] : memref<10000xf32, #tpu.memory_space<vmem_shared>> -> memref<10000xf32, #tpu.memory_space<vmem_shared>>
    tpu.enqueue_indirect_dma source(%arg6 : memref<80xf32, #tpu.memory_space<vmem>>) target(%dma_start3A_78 : memref<10000xf32, #tpu.memory_space<vmem_shared>>) offsets(%dma_start3A_76 : memref<80xi32, #tpu.memory_space<vmem>>) semaphore(%arg10 : memref<!tpu.dma_semaphore, #tpu.memory_space<semaphore_mem>>) {add = true}
    %multiple_of3A_79 = arith.constant 320 : i32
    %multiple_of3A_80 = tpu.assume_multiple %multiple_of3A_79, 8 : i32
    %dma_start3A_81 = tpu.memref_slice %arg5[%multiple_of3A_80] : memref<10000xi32, #tpu.memory_space<vmem>> -> memref<80xi32, #tpu.memory_space<vmem>>
    %dma_start3A_82 = arith.constant 0 : i32
    %dma_start3A_83 = tpu.memref_slice %arg9[%dma_start3A_82] : memref<10000xf32, #tpu.memory_space<vmem_shared>> -> memref<10000xf32, #tpu.memory_space<vmem_shared>>
    tpu.enqueue_indirect_dma source(%arg6 : memref<80xf32, #tpu.memory_space<vmem>>) target(%dma_start3A_83 : memref<10000xf32, #tpu.memory_space<vmem_shared>>) offsets(%dma_start3A_81 : memref<80xi32, #tpu.memory_space<vmem>>) semaphore(%arg10 : memref<!tpu.dma_semaphore, #tpu.memory_space<semaphore_mem>>) {add = true}
    %scan3A = arith.constant 0 : i32
    %scan3A_84 = arith.constant 24 : i32
    %scan3A_85 = arith.addi %scan3A, %scan3A_84 : i32
    %scan3A_86 = arith.constant 1 : i32
    scf.for %scan3A_143 = %scan3A to %scan3A_85 step %scan3A_86  : i32 {
      %add3A_144 = arith.constant 1 : i32
      %add3A_145 = arith.addi %scan3A_143, %add3A_144 : i32
      %mul3A_146 = arith.constant 5 : i32
      %mul3A_147 = arith.muli %add3A_145, %mul3A_146 : i32
      %add3A_148 = arith.constant 0 : i32
      %add3A_149 = arith.addi %mul3A_147, %add3A_148 : i32
      %mul3A_150 = arith.constant 80 : i32
      %mul3A_151 = arith.muli %add3A_149, %mul3A_150 : i32
      %multiple_of3A_152 = tpu.assume_multiple %mul3A_151, 8 : i32
      %dma_start3A_153 = tpu.memref_slice %arg4[%multiple_of3A_152] : memref<10000xi32, #tpu.memory_space<vmem>> -> memref<80xi32, #tpu.memory_space<vmem>>
      %dma_start3A_154 = arith.constant 0 : i32
      %dma_start3A_155 = tpu.memref_slice %arg8[%dma_start3A_154] : memref<10000xf32, #tpu.memory_space<vmem_shared>> -> memref<10000xf32, #tpu.memory_space<vmem_shared>>
      tpu.enqueue_indirect_dma source(%arg6 : memref<80xf32, #tpu.memory_space<vmem>>) target(%dma_start3A_155 : memref<10000xf32, #tpu.memory_space<vmem_shared>>) offsets(%dma_start3A_153 : memref<80xi32, #tpu.memory_space<vmem>>) semaphore(%arg10 : memref<!tpu.dma_semaphore, #tpu.memory_space<semaphore_mem>>) {add = true}
      %add3A_156 = arith.constant 0 : i32
      %add3A_157 = arith.addi %mul3A_147, %add3A_156 : i32
      %mul3A_158 = arith.constant 80 : i32
      %mul3A_159 = arith.muli %add3A_157, %mul3A_158 : i32
      %multiple_of3A_160 = tpu.assume_multiple %mul3A_159, 8 : i32
      %dma_start3A_161 = tpu.memref_slice %arg5[%multiple_of3A_160] : memref<10000xi32, #tpu.memory_space<vmem>> -> memref<80xi32, #tpu.memory_space<vmem>>
      %dma_start3A_162 = arith.constant 0 : i32
      %dma_start3A_163 = tpu.memref_slice %arg9[%dma_start3A_162] : memref<10000xf32, #tpu.memory_space<vmem_shared>> -> memref<10000xf32, #tpu.memory_space<vmem_shared>>
      tpu.enqueue_indirect_dma source(%arg6 : memref<80xf32, #tpu.memory_space<vmem>>) target(%dma_start3A_163 : memref<10000xf32, #tpu.memory_space<vmem_shared>>) offsets(%dma_start3A_161 : memref<80xi32, #tpu.memory_space<vmem>>) semaphore(%arg10 : memref<!tpu.dma_semaphore, #tpu.memory_space<semaphore_mem>>) {add = true}
      %add3A_164 = arith.constant 1 : i32
      %add3A_165 = arith.addi %mul3A_147, %add3A_164 : i32
      %mul3A_166 = arith.constant 80 : i32
      %mul3A_167 = arith.muli %add3A_165, %mul3A_166 : i32
      %multiple_of3A_168 = tpu.assume_multiple %mul3A_167, 8 : i32
      %dma_start3A_169 = tpu.memref_slice %arg4[%multiple_of3A_168] : memref<10000xi32, #tpu.memory_space<vmem>> -> memref<80xi32, #tpu.memory_space<vmem>>
      %dma_start3A_170 = arith.constant 0 : i32
      %dma_start3A_171 = tpu.memref_slice %arg8[%dma_start3A_170] : memref<10000xf32, #tpu.memory_space<vmem_shared>> -> memref<10000xf32, #tpu.memory_space<vmem_shared>>
      tpu.enqueue_indirect_dma source(%arg6 : memref<80xf32, #tpu.memory_space<vmem>>) target(%dma_start3A_171 : memref<10000xf32, #tpu.memory_space<vmem_shared>>) offsets(%dma_start3A_169 : memref<80xi32, #tpu.memory_space<vmem>>) semaphore(%arg10 : memref<!tpu.dma_semaphore, #tpu.memory_space<semaphore_mem>>) {add = true}
      %add3A_172 = arith.constant 1 : i32
      %add3A_173 = arith.addi %mul3A_147, %add3A_172 : i32
      %mul3A_174 = arith.constant 80 : i32
      %mul3A_175 = arith.muli %add3A_173, %mul3A_174 : i32
      %multiple_of3A_176 = tpu.assume_multiple %mul3A_175, 8 : i32
      %dma_start3A_177 = tpu.memref_slice %arg5[%multiple_of3A_176] : memref<10000xi32, #tpu.memory_space<vmem>> -> memref<80xi32, #tpu.memory_space<vmem>>
      %dma_start3A_178 = arith.constant 0 : i32
      %dma_start3A_179 = tpu.memref_slice %arg9[%dma_start3A_178] : memref<10000xf32, #tpu.memory_space<vmem_shared>> -> memref<10000xf32, #tpu.memory_space<vmem_shared>>
      tpu.enqueue_indirect_dma source(%arg6 : memref<80xf32, #tpu.memory_space<vmem>>) target(%dma_start3A_179 : memref<10000xf32, #tpu.memory_space<vmem_shared>>) offsets(%dma_start3A_177 : memref<80xi32, #tpu.memory_space<vmem>>) semaphore(%arg10 : memref<!tpu.dma_semaphore, #tpu.memory_space<semaphore_mem>>) {add = true}
      %add3A_180 = arith.constant 2 : i32
      %add3A_181 = arith.addi %mul3A_147, %add3A_180 : i32
      %mul3A_182 = arith.constant 80 : i32
      %mul3A_183 = arith.muli %add3A_181, %mul3A_182 : i32
      %multiple_of3A_184 = tpu.assume_multiple %mul3A_183, 8 : i32
      %dma_start3A_185 = tpu.memref_slice %arg4[%multiple_of3A_184] : memref<10000xi32, #tpu.memory_space<vmem>> -> memref<80xi32, #tpu.memory_space<vmem>>
      %dma_start3A_186 = arith.constant 0 : i32
      %dma_start3A_187 = tpu.memref_slice %arg8[%dma_start3A_186] : memref<10000xf32, #tpu.memory_space<vmem_shared>> -> memref<10000xf32, #tpu.memory_space<vmem_shared>>
      tpu.enqueue_indirect_dma source(%arg6 : memref<80xf32, #tpu.memory_space<vmem>>) target(%dma_start3A_187 : memref<10000xf32, #tpu.memory_space<vmem_shared>>) offsets(%dma_start3A_185 : memref<80xi32, #tpu.memory_space<vmem>>) semaphore(%arg10 : memref<!tpu.dma_semaphore, #tpu.memory_space<semaphore_mem>>) {add = true}
      %add3A_188 = arith.constant 2 : i32
      %add3A_189 = arith.addi %mul3A_147, %add3A_188 : i32
      %mul3A_190 = arith.constant 80 : i32
      %mul3A_191 = arith.muli %add3A_189, %mul3A_190 : i32
      %multiple_of3A_192 = tpu.assume_multiple %mul3A_191, 8 : i32
      %dma_start3A_193 = tpu.memref_slice %arg5[%multiple_of3A_192] : memref<10000xi32, #tpu.memory_space<vmem>> -> memref<80xi32, #tpu.memory_space<vmem>>
      %dma_start3A_194 = arith.constant 0 : i32
      %dma_start3A_195 = tpu.memref_slice %arg9[%dma_start3A_194] : memref<10000xf32, #tpu.memory_space<vmem_shared>> -> memref<10000xf32, #tpu.memory_space<vmem_shared>>
      tpu.enqueue_indirect_dma source(%arg6 : memref<80xf32, #tpu.memory_space<vmem>>) target(%dma_start3A_195 : memref<10000xf32, #tpu.memory_space<vmem_shared>>) offsets(%dma_start3A_193 : memref<80xi32, #tpu.memory_space<vmem>>) semaphore(%arg10 : memref<!tpu.dma_semaphore, #tpu.memory_space<semaphore_mem>>) {add = true}
      %add3A_196 = arith.constant 3 : i32
      %add3A_197 = arith.addi %mul3A_147, %add3A_196 : i32
      %mul3A_198 = arith.constant 80 : i32
      %mul3A_199 = arith.muli %add3A_197, %mul3A_198 : i32
      %multiple_of3A_200 = tpu.assume_multiple %mul3A_199, 8 : i32
      %dma_start3A_201 = tpu.memref_slice %arg4[%multiple_of3A_200] : memref<10000xi32, #tpu.memory_space<vmem>> -> memref<80xi32, #tpu.memory_space<vmem>>
      %dma_start3A_202 = arith.constant 0 : i32
      %dma_start3A_203 = tpu.memref_slice %arg8[%dma_start3A_202] : memref<10000xf32, #tpu.memory_space<vmem_shared>> -> memref<10000xf32, #tpu.memory_space<vmem_shared>>
      tpu.enqueue_indirect_dma source(%arg6 : memref<80xf32, #tpu.memory_space<vmem>>) target(%dma_start3A_203 : memref<10000xf32, #tpu.memory_space<vmem_shared>>) offsets(%dma_start3A_201 : memref<80xi32, #tpu.memory_space<vmem>>) semaphore(%arg10 : memref<!tpu.dma_semaphore, #tpu.memory_space<semaphore_mem>>) {add = true}
      %add3A_204 = arith.constant 3 : i32
      %add3A_205 = arith.addi %mul3A_147, %add3A_204 : i32
      %mul3A_206 = arith.constant 80 : i32
      %mul3A_207 = arith.muli %add3A_205, %mul3A_206 : i32
      %multiple_of3A_208 = tpu.assume_multiple %mul3A_207, 8 : i32
      %dma_start3A_209 = tpu.memref_slice %arg5[%multiple_of3A_208] : memref<10000xi32, #tpu.memory_space<vmem>> -> memref<80xi32, #tpu.memory_space<vmem>>
      %dma_start3A_210 = arith.constant 0 : i32
      %dma_start3A_211 = tpu.memref_slice %arg9[%dma_start3A_210] : memref<10000xf32, #tpu.memory_space<vmem_shared>> -> memref<10000xf32, #tpu.memory_space<vmem_shared>>
      tpu.enqueue_indirect_dma source(%arg6 : memref<80xf32, #tpu.memory_space<vmem>>) target(%dma_start3A_211 : memref<10000xf32, #tpu.memory_space<vmem_shared>>) offsets(%dma_start3A_209 : memref<80xi32, #tpu.memory_space<vmem>>) semaphore(%arg10 : memref<!tpu.dma_semaphore, #tpu.memory_space<semaphore_mem>>) {add = true}
      %add3A_212 = arith.constant 4 : i32
      %add3A_213 = arith.addi %mul3A_147, %add3A_212 : i32
      %mul3A_214 = arith.constant 80 : i32
      %mul3A_215 = arith.muli %add3A_213, %mul3A_214 : i32
      %multiple_of3A_216 = tpu.assume_multiple %mul3A_215, 8 : i32
      %dma_start3A_217 = tpu.memref_slice %arg4[%multiple_of3A_216] : memref<10000xi32, #tpu.memory_space<vmem>> -> memref<80xi32, #tpu.memory_space<vmem>>
      %dma_start3A_218 = arith.constant 0 : i32
      %dma_start3A_219 = tpu.memref_slice %arg8[%dma_start3A_218] : memref<10000xf32, #tpu.memory_space<vmem_shared>> -> memref<10000xf32, #tpu.memory_space<vmem_shared>>
      tpu.enqueue_indirect_dma source(%arg6 : memref<80xf32, #tpu.memory_space<vmem>>) target(%dma_start3A_219 : memref<10000xf32, #tpu.memory_space<vmem_shared>>) offsets(%dma_start3A_217 : memref<80xi32, #tpu.memory_space<vmem>>) semaphore(%arg10 : memref<!tpu.dma_semaphore, #tpu.memory_space<semaphore_mem>>) {add = true}
      %add3A_220 = arith.constant 4 : i32
      %add3A_221 = arith.addi %mul3A_147, %add3A_220 : i32
      %mul3A_222 = arith.constant 80 : i32
      %mul3A_223 = arith.muli %add3A_221, %mul3A_222 : i32
      %multiple_of3A_224 = tpu.assume_multiple %mul3A_223, 8 : i32
      %dma_start3A_225 = tpu.memref_slice %arg5[%multiple_of3A_224] : memref<10000xi32, #tpu.memory_space<vmem>> -> memref<80xi32, #tpu.memory_space<vmem>>
      %dma_start3A_226 = arith.constant 0 : i32
      %dma_start3A_227 = tpu.memref_slice %arg9[%dma_start3A_226] : memref<10000xf32, #tpu.memory_space<vmem_shared>> -> memref<10000xf32, #tpu.memory_space<vmem_shared>>
      tpu.enqueue_indirect_dma source(%arg6 : memref<80xf32, #tpu.memory_space<vmem>>) target(%dma_start3A_227 : memref<10000xf32, #tpu.memory_space<vmem_shared>>) offsets(%dma_start3A_225 : memref<80xi32, #tpu.memory_space<vmem>>) semaphore(%arg10 : memref<!tpu.dma_semaphore, #tpu.memory_space<semaphore_mem>>) {add = true}
      %multiple_of3A_228 = arith.constant 0 : i32
      %multiple_of3A_229 = tpu.assume_multiple %multiple_of3A_228, 8 : i32
      %dma_wait3A_230 = tpu.memref_slice %arg4[%multiple_of3A_229] : memref<10000xi32, #tpu.memory_space<vmem>> -> memref<80xi32, #tpu.memory_space<vmem>>
      %dma_wait3A_231 = arith.constant 0 : i32
      %dma_wait3A_232 = tpu.memref_slice %arg8[%dma_wait3A_231] : memref<10000xf32, #tpu.memory_space<vmem_shared>> -> memref<10000xf32, #tpu.memory_space<vmem_shared>>
      tpu.wait_indirect_dma semaphore(%arg10 : memref<!tpu.dma_semaphore, #tpu.memory_space<semaphore_mem>>) src(%arg6 : memref<80xf32, #tpu.memory_space<vmem>>) dst(%dma_wait3A_232 : memref<10000xf32, #tpu.memory_space<vmem_shared>>)
      %multiple_of3A_233 = arith.constant 0 : i32
      %multiple_of3A_234 = tpu.assume_multiple %multiple_of3A_233, 8 : i32
      %dma_wait3A_235 = tpu.memref_slice %arg4[%multiple_of3A_234] : memref<10000xi32, #tpu.memory_space<vmem>> -> memref<80xi32, #tpu.memory_space<vmem>>
      %dma_wait3A_236 = arith.constant 0 : i32
      %dma_wait3A_237 = tpu.memref_slice %arg8[%dma_wait3A_236] : memref<10000xf32, #tpu.memory_space<vmem_shared>> -> memref<10000xf32, #tpu.memory_space<vmem_shared>>
      tpu.wait_indirect_dma semaphore(%arg10 : memref<!tpu.dma_semaphore, #tpu.memory_space<semaphore_mem>>) src(%arg6 : memref<80xf32, #tpu.memory_space<vmem>>) dst(%dma_wait3A_237 : memref<10000xf32, #tpu.memory_space<vmem_shared>>)
      %multiple_of3A_238 = arith.constant 0 : i32
      %multiple_of3A_239 = tpu.assume_multiple %multiple_of3A_238, 8 : i32
      %dma_wait3A_240 = tpu.memref_slice %arg4[%multiple_of3A_239] : memref<10000xi32, #tpu.memory_space<vmem>> -> memref<80xi32, #tpu.memory_space<vmem>>
      %dma_wait3A_241 = arith.constant 0 : i32
      %dma_wait3A_242 = tpu.memref_slice %arg8[%dma_wait3A_241] : memref<10000xf32, #tpu.memory_space<vmem_shared>> -> memref<10000xf32, #tpu.memory_space<vmem_shared>>
      tpu.wait_indirect_dma semaphore(%arg10 : memref<!tpu.dma_semaphore, #tpu.memory_space<semaphore_mem>>) src(%arg6 : memref<80xf32, #tpu.memory_space<vmem>>) dst(%dma_wait3A_242 : memref<10000xf32, #tpu.memory_space<vmem_shared>>)
      %multiple_of3A_243 = arith.constant 0 : i32
      %multiple_of3A_244 = tpu.assume_multiple %multiple_of3A_243, 8 : i32
      %dma_wait3A_245 = tpu.memref_slice %arg4[%multiple_of3A_244] : memref<10000xi32, #tpu.memory_space<vmem>> -> memref<80xi32, #tpu.memory_space<vmem>>
      %dma_wait3A_246 = arith.constant 0 : i32
      %dma_wait3A_247 = tpu.memref_slice %arg8[%dma_wait3A_246] : memref<10000xf32, #tpu.memory_space<vmem_shared>> -> memref<10000xf32, #tpu.memory_space<vmem_shared>>
      tpu.wait_indirect_dma semaphore(%arg10 : memref<!tpu.dma_semaphore, #tpu.memory_space<semaphore_mem>>) src(%arg6 : memref<80xf32, #tpu.memory_space<vmem>>) dst(%dma_wait3A_247 : memref<10000xf32, #tpu.memory_space<vmem_shared>>)
      %multiple_of3A_248 = arith.constant 0 : i32
      %multiple_of3A_249 = tpu.assume_multiple %multiple_of3A_248, 8 : i32
      %dma_wait3A_250 = tpu.memref_slice %arg4[%multiple_of3A_249] : memref<10000xi32, #tpu.memory_space<vmem>> -> memref<80xi32, #tpu.memory_space<vmem>>
      %dma_wait3A_251 = arith.constant 0 : i32
      %dma_wait3A_252 = tpu.memref_slice %arg8[%dma_wait3A_251] : memref<10000xf32, #tpu.memory_space<vmem_shared>> -> memref<10000xf32, #tpu.memory_space<vmem_shared>>
      tpu.wait_indirect_dma semaphore(%arg10 : memref<!tpu.dma_semaphore, #tpu.memory_space<semaphore_mem>>) src(%arg6 : memref<80xf32, #tpu.memory_space<vmem>>) dst(%dma_wait3A_252 : memref<10000xf32, #tpu.memory_space<vmem_shared>>)
      %multiple_of3A_253 = arith.constant 0 : i32
      %multiple_of3A_254 = tpu.assume_multiple %multiple_of3A_253, 8 : i32
      %dma_wait3A_255 = tpu.memref_slice %arg4[%multiple_of3A_254] : memref<10000xi32, #tpu.memory_space<vmem>> -> memref<80xi32, #tpu.memory_space<vmem>>
      %dma_wait3A_256 = arith.constant 0 : i32
      %dma_wait3A_257 = tpu.memref_slice %arg8[%dma_wait3A_256] : memref<10000xf32, #tpu.memory_space<vmem_shared>> -> memref<10000xf32, #tpu.memory_space<vmem_shared>>
      tpu.wait_indirect_dma semaphore(%arg10 : memref<!tpu.dma_semaphore, #tpu.memory_space<semaphore_mem>>) src(%arg6 : memref<80xf32, #tpu.memory_space<vmem>>) dst(%dma_wait3A_257 : memref<10000xf32, #tpu.memory_space<vmem_shared>>)
      %multiple_of3A_258 = arith.constant 0 : i32
      %multiple_of3A_259 = tpu.assume_multiple %multiple_of3A_258, 8 : i32
      %dma_wait3A_260 = tpu.memref_slice %arg4[%multiple_of3A_259] : memref<10000xi32, #tpu.memory_space<vmem>> -> memref<80xi32, #tpu.memory_space<vmem>>
      %dma_wait3A_261 = arith.constant 0 : i32
      %dma_wait3A_262 = tpu.memref_slice %arg8[%dma_wait3A_261] : memref<10000xf32, #tpu.memory_space<vmem_shared>> -> memref<10000xf32, #tpu.memory_space<vmem_shared>>
      tpu.wait_indirect_dma semaphore(%arg10 : memref<!tpu.dma_semaphore, #tpu.memory_space<semaphore_mem>>) src(%arg6 : memref<80xf32, #tpu.memory_space<vmem>>) dst(%dma_wait3A_262 : memref<10000xf32, #tpu.memory_space<vmem_shared>>)
      %multiple_of3A_263 = arith.constant 0 : i32
      %multiple_of3A_264 = tpu.assume_multiple %multiple_of3A_263, 8 : i32
      %dma_wait3A_265 = tpu.memref_slice %arg4[%multiple_of3A_264] : memref<10000xi32, #tpu.memory_space<vmem>> -> memref<80xi32, #tpu.memory_space<vmem>>
      %dma_wait3A_266 = arith.constant 0 : i32
      %dma_wait3A_267 = tpu.memref_slice %arg8[%dma_wait3A_266] : memref<10000xf32, #tpu.memory_space<vmem_shared>> -> memref<10000xf32, #tpu.memory_space<vmem_shared>>
      tpu.wait_indirect_dma semaphore(%arg10 : memref<!tpu.dma_semaphore, #tpu.memory_space<semaphore_mem>>) src(%arg6 : memref<80xf32, #tpu.memory_space<vmem>>) dst(%dma_wait3A_267 : memref<10000xf32, #tpu.memory_space<vmem_shared>>)
      %multiple_of3A_268 = arith.constant 0 : i32
      %multiple_of3A_269 = tpu.assume_multiple %multiple_of3A_268, 8 : i32
      %dma_wait3A_270 = tpu.memref_slice %arg4[%multiple_of3A_269] : memref<10000xi32, #tpu.memory_space<vmem>> -> memref<80xi32, #tpu.memory_space<vmem>>
      %dma_wait3A_271 = arith.constant 0 : i32
      %dma_wait3A_272 = tpu.memref_slice %arg8[%dma_wait3A_271] : memref<10000xf32, #tpu.memory_space<vmem_shared>> -> memref<10000xf32, #tpu.memory_space<vmem_shared>>
      tpu.wait_indirect_dma semaphore(%arg10 : memref<!tpu.dma_semaphore, #tpu.memory_space<semaphore_mem>>) src(%arg6 : memref<80xf32, #tpu.memory_space<vmem>>) dst(%dma_wait3A_272 : memref<10000xf32, #tpu.memory_space<vmem_shared>>)
      %multiple_of3A_273 = arith.constant 0 : i32
      %multiple_of3A_274 = tpu.assume_multiple %multiple_of3A_273, 8 : i32
      %dma_wait3A_275 = tpu.memref_slice %arg4[%multiple_of3A_274] : memref<10000xi32, #tpu.memory_space<vmem>> -> memref<80xi32, #tpu.memory_space<vmem>>
      %dma_wait3A_276 = arith.constant 0 : i32
      %dma_wait3A_277 = tpu.memref_slice %arg8[%dma_wait3A_276] : memref<10000xf32, #tpu.memory_space<vmem_shared>> -> memref<10000xf32, #tpu.memory_space<vmem_shared>>
      tpu.wait_indirect_dma semaphore(%arg10 : memref<!tpu.dma_semaphore, #tpu.memory_space<semaphore_mem>>) src(%arg6 : memref<80xf32, #tpu.memory_space<vmem>>) dst(%dma_wait3A_277 : memref<10000xf32, #tpu.memory_space<vmem_shared>>)
    }
    %scan3A_87 = arith.constant 24 : i32
    %multiple_of3A_88 = arith.constant 0 : i32
    %multiple_of3A_89 = tpu.assume_multiple %multiple_of3A_88, 8 : i32
    %dma_wait3A = tpu.memref_slice %arg4[%multiple_of3A_89] : memref<10000xi32, #tpu.memory_space<vmem>> -> memref<80xi32, #tpu.memory_space<vmem>>
    %dma_wait3A_90 = arith.constant 0 : i32
    %dma_wait3A_91 = tpu.memref_slice %arg8[%dma_wait3A_90] : memref<10000xf32, #tpu.memory_space<vmem_shared>> -> memref<10000xf32, #tpu.memory_space<vmem_shared>>
    tpu.wait_indirect_dma semaphore(%arg10 : memref<!tpu.dma_semaphore, #tpu.memory_space<semaphore_mem>>) src(%arg6 : memref<80xf32, #tpu.memory_space<vmem>>) dst(%dma_wait3A_91 : memref<10000xf32, #tpu.memory_space<vmem_shared>>)
    %multiple_of3A_92 = arith.constant 0 : i32
    %multiple_of3A_93 = tpu.assume_multiple %multiple_of3A_92, 8 : i32
    %dma_wait3A_94 = tpu.memref_slice %arg4[%multiple_of3A_93] : memref<10000xi32, #tpu.memory_space<vmem>> -> memref<80xi32, #tpu.memory_space<vmem>>
    %dma_wait3A_95 = arith.constant 0 : i32
    %dma_wait3A_96 = tpu.memref_slice %arg8[%dma_wait3A_95] : memref<10000xf32, #tpu.memory_space<vmem_shared>> -> memref<10000xf32, #tpu.memory_space<vmem_shared>>
    tpu.wait_indirect_dma semaphore(%arg10 : memref<!tpu.dma_semaphore, #tpu.memory_space<semaphore_mem>>) src(%arg6 : memref<80xf32, #tpu.memory_space<vmem>>) dst(%dma_wait3A_96 : memref<10000xf32, #tpu.memory_space<vmem_shared>>)
    %multiple_of3A_97 = arith.constant 0 : i32
    %multiple_of3A_98 = tpu.assume_multiple %multiple_of3A_97, 8 : i32
    %dma_wait3A_99 = tpu.memref_slice %arg4[%multiple_of3A_98] : memref<10000xi32, #tpu.memory_space<vmem>> -> memref<80xi32, #tpu.memory_space<vmem>>
    %dma_wait3A_100 = arith.constant 0 : i32
    %dma_wait3A_101 = tpu.memref_slice %arg8[%dma_wait3A_100] : memref<10000xf32, #tpu.memory_space<vmem_shared>> -> memref<10000xf32, #tpu.memory_space<vmem_shared>>
    tpu.wait_indirect_dma semaphore(%arg10 : memref<!tpu.dma_semaphore, #tpu.memory_space<semaphore_mem>>) src(%arg6 : memref<80xf32, #tpu.memory_space<vmem>>) dst(%dma_wait3A_101 : memref<10000xf32, #tpu.memory_space<vmem_shared>>)
    %multiple_of3A_102 = arith.constant 0 : i32
    %multiple_of3A_103 = tpu.assume_multiple %multiple_of3A_102, 8 : i32
    %dma_wait3A_104 = tpu.memref_slice %arg4[%multiple_of3A_103] : memref<10000xi32, #tpu.memory_space<vmem>> -> memref<80xi32, #tpu.memory_space<vmem>>
    %dma_wait3A_105 = arith.constant 0 : i32
    %dma_wait3A_106 = tpu.memref_slice %arg8[%dma_wait3A_105] : memref<10000xf32, #tpu.memory_space<vmem_shared>> -> memref<10000xf32, #tpu.memory_space<vmem_shared>>
    tpu.wait_indirect_dma semaphore(%arg10 : memref<!tpu.dma_semaphore, #tpu.memory_space<semaphore_mem>>) src(%arg6 : memref<80xf32, #tpu.memory_space<vmem>>) dst(%dma_wait3A_106 : memref<10000xf32, #tpu.memory_space<vmem_shared>>)
    %multiple_of3A_107 = arith.constant 0 : i32
    %multiple_of3A_108 = tpu.assume_multiple %multiple_of3A_107, 8 : i32
    %dma_wait3A_109 = tpu.memref_slice %arg4[%multiple_of3A_108] : memref<10000xi32, #tpu.memory_space<vmem>> -> memref<80xi32, #tpu.memory_space<vmem>>
    %dma_wait3A_110 = arith.constant 0 : i32
    %dma_wait3A_111 = tpu.memref_slice %arg8[%dma_wait3A_110] : memref<10000xf32, #tpu.memory_space<vmem_shared>> -> memref<10000xf32, #tpu.memory_space<vmem_shared>>
    tpu.wait_indirect_dma semaphore(%arg10 : memref<!tpu.dma_semaphore, #tpu.memory_space<semaphore_mem>>) src(%arg6 : memref<80xf32, #tpu.memory_space<vmem>>) dst(%dma_wait3A_111 : memref<10000xf32, #tpu.memory_space<vmem_shared>>)
    %multiple_of3A_112 = arith.constant 0 : i32
    %multiple_of3A_113 = tpu.assume_multiple %multiple_of3A_112, 8 : i32
    %dma_wait3A_114 = tpu.memref_slice %arg4[%multiple_of3A_113] : memref<10000xi32, #tpu.memory_space<vmem>> -> memref<80xi32, #tpu.memory_space<vmem>>
    %dma_wait3A_115 = arith.constant 0 : i32
    %dma_wait3A_116 = tpu.memref_slice %arg8[%dma_wait3A_115] : memref<10000xf32, #tpu.memory_space<vmem_shared>> -> memref<10000xf32, #tpu.memory_space<vmem_shared>>
    tpu.wait_indirect_dma semaphore(%arg10 : memref<!tpu.dma_semaphore, #tpu.memory_space<semaphore_mem>>) src(%arg6 : memref<80xf32, #tpu.memory_space<vmem>>) dst(%dma_wait3A_116 : memref<10000xf32, #tpu.memory_space<vmem_shared>>)
    %multiple_of3A_117 = arith.constant 0 : i32
    %multiple_of3A_118 = tpu.assume_multiple %multiple_of3A_117, 8 : i32
    %dma_wait3A_119 = tpu.memref_slice %arg4[%multiple_of3A_118] : memref<10000xi32, #tpu.memory_space<vmem>> -> memref<80xi32, #tpu.memory_space<vmem>>
    %dma_wait3A_120 = arith.constant 0 : i32
    %dma_wait3A_121 = tpu.memref_slice %arg8[%dma_wait3A_120] : memref<10000xf32, #tpu.memory_space<vmem_shared>> -> memref<10000xf32, #tpu.memory_space<vmem_shared>>
    tpu.wait_indirect_dma semaphore(%arg10 : memref<!tpu.dma_semaphore, #tpu.memory_space<semaphore_mem>>) src(%arg6 : memref<80xf32, #tpu.memory_space<vmem>>) dst(%dma_wait3A_121 : memref<10000xf32, #tpu.memory_space<vmem_shared>>)
    %multiple_of3A_122 = arith.constant 0 : i32
    %multiple_of3A_123 = tpu.assume_multiple %multiple_of3A_122, 8 : i32
    %dma_wait3A_124 = tpu.memref_slice %arg4[%multiple_of3A_123] : memref<10000xi32, #tpu.memory_space<vmem>> -> memref<80xi32, #tpu.memory_space<vmem>>
    %dma_wait3A_125 = arith.constant 0 : i32
    %dma_wait3A_126 = tpu.memref_slice %arg8[%dma_wait3A_125] : memref<10000xf32, #tpu.memory_space<vmem_shared>> -> memref<10000xf32, #tpu.memory_space<vmem_shared>>
    tpu.wait_indirect_dma semaphore(%arg10 : memref<!tpu.dma_semaphore, #tpu.memory_space<semaphore_mem>>) src(%arg6 : memref<80xf32, #tpu.memory_space<vmem>>) dst(%dma_wait3A_126 : memref<10000xf32, #tpu.memory_space<vmem_shared>>)
    %multiple_of3A_127 = arith.constant 0 : i32
    %multiple_of3A_128 = tpu.assume_multiple %multiple_of3A_127, 8 : i32
    %dma_wait3A_129 = tpu.memref_slice %arg4[%multiple_of3A_128] : memref<10000xi32, #tpu.memory_space<vmem>> -> memref<80xi32, #tpu.memory_space<vmem>>
    %dma_wait3A_130 = arith.constant 0 : i32
    %dma_wait3A_131 = tpu.memref_slice %arg8[%dma_wait3A_130] : memref<10000xf32, #tpu.memory_space<vmem_shared>> -> memref<10000xf32, #tpu.memory_space<vmem_shared>>
    tpu.wait_indirect_dma semaphore(%arg10 : memref<!tpu.dma_semaphore, #tpu.memory_space<semaphore_mem>>) src(%arg6 : memref<80xf32, #tpu.memory_space<vmem>>) dst(%dma_wait3A_131 : memref<10000xf32, #tpu.memory_space<vmem_shared>>)
    %multiple_of3A_132 = arith.constant 0 : i32
    %multiple_of3A_133 = tpu.assume_multiple %multiple_of3A_132, 8 : i32
    %dma_wait3A_134 = tpu.memref_slice %arg4[%multiple_of3A_133] : memref<10000xi32, #tpu.memory_space<vmem>> -> memref<80xi32, #tpu.memory_space<vmem>>
    %dma_wait3A_135 = arith.constant 0 : i32
    %dma_wait3A_136 = tpu.memref_slice %arg8[%dma_wait3A_135] : memref<10000xf32, #tpu.memory_space<vmem_shared>> -> memref<10000xf32, #tpu.memory_space<vmem_shared>>
    tpu.wait_indirect_dma semaphore(%arg10 : memref<!tpu.dma_semaphore, #tpu.memory_space<semaphore_mem>>) src(%arg6 : memref<80xf32, #tpu.memory_space<vmem>>) dst(%dma_wait3A_136 : memref<10000xf32, #tpu.memory_space<vmem_shared>>)
    %barrier3A_137 = arith.constant 0 : index
    tpu.barrier barrier_id(%barrier3A_137)
    %eq3A_138 = arith.constant 0 : i32
    %eq3A_139 = arith.cmpi eq, %arg1, %eq3A_138 : i32
    %convert_element_type3A_140 = arith.extui %eq3A_139 : i1 to i32
    %cond3A_141 = arith.constant 0 : i32
    %cond3A_142 = arith.cmpi ne, %convert_element_type3A_140, %cond3A_141 : i32
    scf.if %cond3A_142 {
      %run_scoped3A = arith.constant 0 : i32
      "tpu.region"() ({
        %run_scoped3A_144 = tpu.sem_alloc : memref<!tpu.dma_semaphore, #tpu.memory_space<semaphore_mem>>
        %dma_start3A_145 = arith.constant 0 : i32
        %dma_start3A_146 = tpu.memref_slice %arg3[%arg0, %run_scoped3A, %dma_start3A_145] : memref<2x2x10000xf32, #tpu.memory_space<hbm>> -> memref<1x1x10000xf32, #tpu.memory_space<hbm>>
        %dma_start3A_147 = tpu.memref_squeeze %dma_start3A_146 : memref<1x1x10000xf32, #tpu.memory_space<hbm>> -> memref<10000xf32, #tpu.memory_space<hbm>>
        tpu.enqueue_dma source(%arg8 : memref<10000xf32, #tpu.memory_space<vmem_shared>>) target(%dma_start3A_147 : memref<10000xf32, #tpu.memory_space<hbm>>) target_semaphore(%run_scoped3A_144 : memref<!tpu.dma_semaphore, #tpu.memory_space<semaphore_mem>>)
        %dma_wait3A_148 = arith.constant 0 : i32
        %dma_wait3A_149 = tpu.memref_slice %arg3[%arg0, %run_scoped3A, %dma_wait3A_148] : memref<2x2x10000xf32, #tpu.memory_space<hbm>> -> memref<1x1x10000xf32, #tpu.memory_space<hbm>>
        %dma_wait3A_150 = tpu.memref_squeeze %dma_wait3A_149 : memref<1x1x10000xf32, #tpu.memory_space<hbm>> -> memref<10000xf32, #tpu.memory_space<hbm>>
        tpu.wait_dma2 semaphore(%run_scoped3A_144 : memref<!tpu.dma_semaphore, #tpu.memory_space<semaphore_mem>>) src(%arg8 : memref<10000xf32, #tpu.memory_space<vmem_shared>>) dst(%dma_wait3A_150 : memref<10000xf32, #tpu.memory_space<hbm>>)
        tpu.yield
      }) : () -> ()
      %run_scoped3A_143 = arith.constant 1 : i32
      "tpu.region"() ({
        %run_scoped3A_144 = tpu.sem_alloc : memref<!tpu.dma_semaphore, #tpu.memory_space<semaphore_mem>>
        %dma_start3A_145 = arith.constant 0 : i32
        %dma_start3A_146 = tpu.memref_slice %arg3[%arg0, %run_scoped3A_143, %dma_start3A_145] : memref<2x2x10000xf32, #tpu.memory_space<hbm>> -> memref<1x1x10000xf32, #tpu.memory_space<hbm>>
        %dma_start3A_147 = tpu.memref_squeeze %dma_start3A_146 : memref<1x1x10000xf32, #tpu.memory_space<hbm>> -> memref<10000xf32, #tpu.memory_space<hbm>>
        tpu.enqueue_dma source(%arg9 : memref<10000xf32, #tpu.memory_space<vmem_shared>>) target(%dma_start3A_147 : memref<10000xf32, #tpu.memory_space<hbm>>) target_semaphore(%run_scoped3A_144 : memref<!tpu.dma_semaphore, #tpu.memory_space<semaphore_mem>>)
        %dma_wait3A_148 = arith.constant 0 : i32
        %dma_wait3A_149 = tpu.memref_slice %arg3[%arg0, %run_scoped3A_143, %dma_wait3A_148] : memref<2x2x10000xf32, #tpu.memory_space<hbm>> -> memref<1x1x10000xf32, #tpu.memory_space<hbm>>
        %dma_wait3A_150 = tpu.memref_squeeze %dma_wait3A_149 : memref<1x1x10000xf32, #tpu.memory_space<hbm>> -> memref<10000xf32, #tpu.memory_space<hbm>>
        tpu.wait_dma2 semaphore(%run_scoped3A_144 : memref<!tpu.dma_semaphore, #tpu.memory_space<semaphore_mem>>) src(%arg9 : memref<10000xf32, #tpu.memory_space<vmem_shared>>) dst(%dma_wait3A_150 : memref<10000xf32, #tpu.memory_space<hbm>>)
        tpu.yield
      }) : () -> ()
    } else {
    }
    return
  }
}

#map = affine_map<(d0, d1) -> (0)>
#map1 = affine_map<(d0, d1) -> (0, 0)>
#map2 = affine_map<(d0, d1) -> (0, 0, 0)>
module attributes {stable_mosaic.version = 14 : i64} {
  func.func @_agg(%arg0: i32, %arg1: i32, %arg2: memref<640000xi32, #tpu.memory_space<hbm>>, %arg3: memref<10000x128xf32, #tpu.memory_space<hbm>>, %arg4: memref<2x10000x128xf32, #tpu.memory_space<hbm>>, %arg5: memref<10000xi32, #tpu.memory_space<vmem>>, %arg6: memref<10000xi32, #tpu.memory_space<vmem>>, %arg7: memref<80x128xf32, #tpu.memory_space<vmem>>, %arg8: memref<80x128xf32, #tpu.memory_space<vmem>>, %arg9: memref<80x128xf32, #tpu.memory_space<vmem>>, %arg10: memref<!tpu.dma_semaphore, #tpu.memory_space<semaphore_mem>>, %arg11: memref<!tpu.dma_semaphore, #tpu.memory_space<semaphore_mem>>, %arg12: memref<!tpu.dma_semaphore, #tpu.memory_space<semaphore_mem>>, %arg13: memref<10000x128xf32, #tpu.memory_space<vmem_shared>>) attributes {dimension_semantics = [#tpu.dimension_semantics<core_parallel>, #tpu.dimension_semantics<subcore_parallel>], iteration_bounds = array<i64: 2, 16>, scalar_prefetch = 0 : i64, scratch_operands = 9 : i64, tpu.core_type = #tpu.core_type<sc_vector_subcore>, window_params = [{transform_indices = #map}, {transform_indices = #map1}, {transform_indices = #map2}]} {
    %mul3A = arith.constant 16 : i32
    %mul3A_0 = arith.muli %arg0, %mul3A : i32
    %add3A = arith.addi %mul3A_0, %arg1 : i32
    %scan3A = arith.constant 0 : i32
    %scan3A_1 = arith.constant 80 : i32
    %scan3A_2 = arith.addi %scan3A, %scan3A_1 : i32
    %scan3A_3 = arith.constant 1 : i32
    scf.for %scan3A_119 = %scan3A to %scan3A_2 step %scan3A_3  : i32 {
      %broadcast_in_dim3A = arith.constant 0.000000e+00 : f32
      %broadcast_in_dim3A_120 = vector.broadcast %broadcast_in_dim3A : f32 to vector<16xf32>
      %swap3A = arith.index_cast %scan3A_119 : i32 to index
      %swap3A_121 = arith.constant 0 : index
      %swap3A_122 = tpu.vector_load %arg7[%swap3A, %swap3A_121] {strides = array<i32>} : memref<80x128xf32, #tpu.memory_space<vmem>>, vector<1x16xf32>,
      %swap3A_123 = vector.shape_cast %swap3A_122 : vector<1x16xf32> to vector<16xf32>
      %swap3A_124 = vector.shape_cast %broadcast_in_dim3A_120 : vector<16xf32> to vector<1x16xf32>
      tpu.vector_store %arg7[%swap3A, %swap3A_121], %swap3A_124 {strides = array<i32>} : memref<80x128xf32, #tpu.memory_space<vmem>>, vector<1x16xf32>,
      %broadcast_in_dim3A_125 = arith.constant 0.000000e+00 : f32
      %broadcast_in_dim3A_126 = vector.broadcast %broadcast_in_dim3A_125 : f32 to vector<16xf32>
      %swap3A_127 = arith.index_cast %scan3A_119 : i32 to index
      %swap3A_128 = arith.constant 16 : index
      %swap3A_129 = tpu.vector_load %arg7[%swap3A_127, %swap3A_128] {strides = array<i32>} : memref<80x128xf32, #tpu.memory_space<vmem>>, vector<1x16xf32>,
      %swap3A_130 = vector.shape_cast %swap3A_129 : vector<1x16xf32> to vector<16xf32>
      %swap3A_131 = vector.shape_cast %broadcast_in_dim3A_126 : vector<16xf32> to vector<1x16xf32>
      tpu.vector_store %arg7[%swap3A_127, %swap3A_128], %swap3A_131 {strides = array<i32>} : memref<80x128xf32, #tpu.memory_space<vmem>>, vector<1x16xf32>,
      %broadcast_in_dim3A_132 = arith.constant 0.000000e+00 : f32
      %broadcast_in_dim3A_133 = vector.broadcast %broadcast_in_dim3A_132 : f32 to vector<16xf32>
      %swap3A_134 = arith.index_cast %scan3A_119 : i32 to index
      %swap3A_135 = arith.constant 32 : index
      %swap3A_136 = tpu.vector_load %arg7[%swap3A_134, %swap3A_135] {strides = array<i32>} : memref<80x128xf32, #tpu.memory_space<vmem>>, vector<1x16xf32>,
      %swap3A_137 = vector.shape_cast %swap3A_136 : vector<1x16xf32> to vector<16xf32>
      %swap3A_138 = vector.shape_cast %broadcast_in_dim3A_133 : vector<16xf32> to vector<1x16xf32>
      tpu.vector_store %arg7[%swap3A_134, %swap3A_135], %swap3A_138 {strides = array<i32>} : memref<80x128xf32, #tpu.memory_space<vmem>>, vector<1x16xf32>,
      %broadcast_in_dim3A_139 = arith.constant 0.000000e+00 : f32
      %broadcast_in_dim3A_140 = vector.broadcast %broadcast_in_dim3A_139 : f32 to vector<16xf32>
      %swap3A_141 = arith.index_cast %scan3A_119 : i32 to index
      %swap3A_142 = arith.constant 48 : index
      %swap3A_143 = tpu.vector_load %arg7[%swap3A_141, %swap3A_142] {strides = array<i32>} : memref<80x128xf32, #tpu.memory_space<vmem>>, vector<1x16xf32>,
      %swap3A_144 = vector.shape_cast %swap3A_143 : vector<1x16xf32> to vector<16xf32>
      %swap3A_145 = vector.shape_cast %broadcast_in_dim3A_140 : vector<16xf32> to vector<1x16xf32>
      tpu.vector_store %arg7[%swap3A_141, %swap3A_142], %swap3A_145 {strides = array<i32>} : memref<80x128xf32, #tpu.memory_space<vmem>>, vector<1x16xf32>,
      %broadcast_in_dim3A_146 = arith.constant 0.000000e+00 : f32
      %broadcast_in_dim3A_147 = vector.broadcast %broadcast_in_dim3A_146 : f32 to vector<16xf32>
      %swap3A_148 = arith.index_cast %scan3A_119 : i32 to index
      %swap3A_149 = arith.constant 64 : index
      %swap3A_150 = tpu.vector_load %arg7[%swap3A_148, %swap3A_149] {strides = array<i32>} : memref<80x128xf32, #tpu.memory_space<vmem>>, vector<1x16xf32>,
      %swap3A_151 = vector.shape_cast %swap3A_150 : vector<1x16xf32> to vector<16xf32>
      %swap3A_152 = vector.shape_cast %broadcast_in_dim3A_147 : vector<16xf32> to vector<1x16xf32>
      tpu.vector_store %arg7[%swap3A_148, %swap3A_149], %swap3A_152 {strides = array<i32>} : memref<80x128xf32, #tpu.memory_space<vmem>>, vector<1x16xf32>,
      %broadcast_in_dim3A_153 = arith.constant 0.000000e+00 : f32
      %broadcast_in_dim3A_154 = vector.broadcast %broadcast_in_dim3A_153 : f32 to vector<16xf32>
      %swap3A_155 = arith.index_cast %scan3A_119 : i32 to index
      %swap3A_156 = arith.constant 80 : index
      %swap3A_157 = tpu.vector_load %arg7[%swap3A_155, %swap3A_156] {strides = array<i32>} : memref<80x128xf32, #tpu.memory_space<vmem>>, vector<1x16xf32>,
      %swap3A_158 = vector.shape_cast %swap3A_157 : vector<1x16xf32> to vector<16xf32>
      %swap3A_159 = vector.shape_cast %broadcast_in_dim3A_154 : vector<16xf32> to vector<1x16xf32>
      tpu.vector_store %arg7[%swap3A_155, %swap3A_156], %swap3A_159 {strides = array<i32>} : memref<80x128xf32, #tpu.memory_space<vmem>>, vector<1x16xf32>,
      %broadcast_in_dim3A_160 = arith.constant 0.000000e+00 : f32
      %broadcast_in_dim3A_161 = vector.broadcast %broadcast_in_dim3A_160 : f32 to vector<16xf32>
      %swap3A_162 = arith.index_cast %scan3A_119 : i32 to index
      %swap3A_163 = arith.constant 96 : index
      %swap3A_164 = tpu.vector_load %arg7[%swap3A_162, %swap3A_163] {strides = array<i32>} : memref<80x128xf32, #tpu.memory_space<vmem>>, vector<1x16xf32>,
      %swap3A_165 = vector.shape_cast %swap3A_164 : vector<1x16xf32> to vector<16xf32>
      %swap3A_166 = vector.shape_cast %broadcast_in_dim3A_161 : vector<16xf32> to vector<1x16xf32>
      tpu.vector_store %arg7[%swap3A_162, %swap3A_163], %swap3A_166 {strides = array<i32>} : memref<80x128xf32, #tpu.memory_space<vmem>>, vector<1x16xf32>,
      %broadcast_in_dim3A_167 = arith.constant 0.000000e+00 : f32
      %broadcast_in_dim3A_168 = vector.broadcast %broadcast_in_dim3A_167 : f32 to vector<16xf32>
      %swap3A_169 = arith.index_cast %scan3A_119 : i32 to index
      %swap3A_170 = arith.constant 112 : index
      %swap3A_171 = tpu.vector_load %arg7[%swap3A_169, %swap3A_170] {strides = array<i32>} : memref<80x128xf32, #tpu.memory_space<vmem>>, vector<1x16xf32>,
      %swap3A_172 = vector.shape_cast %swap3A_171 : vector<1x16xf32> to vector<16xf32>
      %swap3A_173 = vector.shape_cast %broadcast_in_dim3A_168 : vector<16xf32> to vector<1x16xf32>
      tpu.vector_store %arg7[%swap3A_169, %swap3A_170], %swap3A_173 {strides = array<i32>} : memref<80x128xf32, #tpu.memory_space<vmem>>, vector<1x16xf32>,
    }
    %scan3A_4 = arith.constant 80 : i32
    %mul3A_5 = arith.constant 625 : i32
    %mul3A_6 = arith.muli %arg1, %mul3A_5 : i32
    %add3A_7 = arith.constant 0 : i32
    %add3A_8 = arith.addi %mul3A_6, %add3A_7 : i32
    "tpu.region"() ({
      %run_scoped3A = tpu.sem_alloc : memref<!tpu.dma_semaphore, #tpu.memory_space<semaphore_mem>>
      %dma_start3A_119 = arith.constant 0 : i32
      %dma_start3A_120 = tpu.memref_slice %arg13[%add3A_8, %dma_start3A_119] : memref<10000x128xf32, #tpu.memory_space<vmem_shared>> -> memref<80x128xf32, #tpu.memory_space<vmem_shared>>
      %dma_start3A_121 = arith.constant 0 : i32
      %dma_start3A_122 = tpu.memref_slice %arg13[%add3A_8, %dma_start3A_121] : memref<10000x128xf32, #tpu.memory_space<vmem_shared>> -> memref<80x128xf32, #tpu.memory_space<vmem_shared>>
      tpu.enqueue_dma source(%arg7 : memref<80x128xf32, #tpu.memory_space<vmem>>) target(%dma_start3A_122 : memref<80x128xf32, #tpu.memory_space<vmem_shared>>) target_semaphore(%run_scoped3A : memref<!tpu.dma_semaphore, #tpu.memory_space<semaphore_mem>>)
      %dma_wait3A_123 = arith.constant 0 : i32
      %dma_wait3A_124 = tpu.memref_slice %arg13[%add3A_8, %dma_wait3A_123] : memref<10000x128xf32, #tpu.memory_space<vmem_shared>> -> memref<80x128xf32, #tpu.memory_space<vmem_shared>>
      %dma_wait3A_125 = arith.constant 0 : i32
      %dma_wait3A_126 = tpu.memref_slice %arg13[%add3A_8, %dma_wait3A_125] : memref<10000x128xf32, #tpu.memory_space<vmem_shared>> -> memref<80x128xf32, #tpu.memory_space<vmem_shared>>
      tpu.wait_dma2 semaphore(%run_scoped3A : memref<!tpu.dma_semaphore, #tpu.memory_space<semaphore_mem>>) src(%arg7 : memref<80x128xf32, #tpu.memory_space<vmem>>) dst(%dma_wait3A_126 : memref<80x128xf32, #tpu.memory_space<vmem_shared>>)
      tpu.yield
    }) : () -> ()
    %mul3A_9 = arith.constant 625 : i32
    %mul3A_10 = arith.muli %arg1, %mul3A_9 : i32
    %add3A_11 = arith.constant 80 : i32
    %add3A_12 = arith.addi %mul3A_10, %add3A_11 : i32
    "tpu.region"() ({
      %run_scoped3A = tpu.sem_alloc : memref<!tpu.dma_semaphore, #tpu.memory_space<semaphore_mem>>
      %dma_start3A_119 = arith.constant 0 : i32
      %dma_start3A_120 = tpu.memref_slice %arg13[%add3A_12, %dma_start3A_119] : memref<10000x128xf32, #tpu.memory_space<vmem_shared>> -> memref<80x128xf32, #tpu.memory_space<vmem_shared>>
      %dma_start3A_121 = arith.constant 0 : i32
      %dma_start3A_122 = tpu.memref_slice %arg13[%add3A_12, %dma_start3A_121] : memref<10000x128xf32, #tpu.memory_space<vmem_shared>> -> memref<80x128xf32, #tpu.memory_space<vmem_shared>>
      tpu.enqueue_dma source(%arg7 : memref<80x128xf32, #tpu.memory_space<vmem>>) target(%dma_start3A_122 : memref<80x128xf32, #tpu.memory_space<vmem_shared>>) target_semaphore(%run_scoped3A : memref<!tpu.dma_semaphore, #tpu.memory_space<semaphore_mem>>)
      %dma_wait3A_123 = arith.constant 0 : i32
      %dma_wait3A_124 = tpu.memref_slice %arg13[%add3A_12, %dma_wait3A_123] : memref<10000x128xf32, #tpu.memory_space<vmem_shared>> -> memref<80x128xf32, #tpu.memory_space<vmem_shared>>
      %dma_wait3A_125 = arith.constant 0 : i32
      %dma_wait3A_126 = tpu.memref_slice %arg13[%add3A_12, %dma_wait3A_125] : memref<10000x128xf32, #tpu.memory_space<vmem_shared>> -> memref<80x128xf32, #tpu.memory_space<vmem_shared>>
      tpu.wait_dma2 semaphore(%run_scoped3A : memref<!tpu.dma_semaphore, #tpu.memory_space<semaphore_mem>>) src(%arg7 : memref<80x128xf32, #tpu.memory_space<vmem>>) dst(%dma_wait3A_126 : memref<80x128xf32, #tpu.memory_space<vmem_shared>>)
      tpu.yield
    }) : () -> ()
    %mul3A_13 = arith.constant 625 : i32
    %mul3A_14 = arith.muli %arg1, %mul3A_13 : i32
    %add3A_15 = arith.constant 160 : i32
    %add3A_16 = arith.addi %mul3A_14, %add3A_15 : i32
    "tpu.region"() ({
      %run_scoped3A = tpu.sem_alloc : memref<!tpu.dma_semaphore, #tpu.memory_space<semaphore_mem>>
      %dma_start3A_119 = arith.constant 0 : i32
      %dma_start3A_120 = tpu.memref_slice %arg13[%add3A_16, %dma_start3A_119] : memref<10000x128xf32, #tpu.memory_space<vmem_shared>> -> memref<80x128xf32, #tpu.memory_space<vmem_shared>>
      %dma_start3A_121 = arith.constant 0 : i32
      %dma_start3A_122 = tpu.memref_slice %arg13[%add3A_16, %dma_start3A_121] : memref<10000x128xf32, #tpu.memory_space<vmem_shared>> -> memref<80x128xf32, #tpu.memory_space<vmem_shared>>
      tpu.enqueue_dma source(%arg7 : memref<80x128xf32, #tpu.memory_space<vmem>>) target(%dma_start3A_122 : memref<80x128xf32, #tpu.memory_space<vmem_shared>>) target_semaphore(%run_scoped3A : memref<!tpu.dma_semaphore, #tpu.memory_space<semaphore_mem>>)
      %dma_wait3A_123 = arith.constant 0 : i32
      %dma_wait3A_124 = tpu.memref_slice %arg13[%add3A_16, %dma_wait3A_123] : memref<10000x128xf32, #tpu.memory_space<vmem_shared>> -> memref<80x128xf32, #tpu.memory_space<vmem_shared>>
      %dma_wait3A_125 = arith.constant 0 : i32
      %dma_wait3A_126 = tpu.memref_slice %arg13[%add3A_16, %dma_wait3A_125] : memref<10000x128xf32, #tpu.memory_space<vmem_shared>> -> memref<80x128xf32, #tpu.memory_space<vmem_shared>>
      tpu.wait_dma2 semaphore(%run_scoped3A : memref<!tpu.dma_semaphore, #tpu.memory_space<semaphore_mem>>) src(%arg7 : memref<80x128xf32, #tpu.memory_space<vmem>>) dst(%dma_wait3A_126 : memref<80x128xf32, #tpu.memory_space<vmem_shared>>)
      tpu.yield
    }) : () -> ()
    %mul3A_17 = arith.constant 625 : i32
    %mul3A_18 = arith.muli %arg1, %mul3A_17 : i32
    %add3A_19 = arith.constant 240 : i32
    %add3A_20 = arith.addi %mul3A_18, %add3A_19 : i32
    "tpu.region"() ({
      %run_scoped3A = tpu.sem_alloc : memref<!tpu.dma_semaphore, #tpu.memory_space<semaphore_mem>>
      %dma_start3A_119 = arith.constant 0 : i32
      %dma_start3A_120 = tpu.memref_slice %arg13[%add3A_20, %dma_start3A_119] : memref<10000x128xf32, #tpu.memory_space<vmem_shared>> -> memref<80x128xf32, #tpu.memory_space<vmem_shared>>
      %dma_start3A_121 = arith.constant 0 : i32
      %dma_start3A_122 = tpu.memref_slice %arg13[%add3A_20, %dma_start3A_121] : memref<10000x128xf32, #tpu.memory_space<vmem_shared>> -> memref<80x128xf32, #tpu.memory_space<vmem_shared>>
      tpu.enqueue_dma source(%arg7 : memref<80x128xf32, #tpu.memory_space<vmem>>) target(%dma_start3A_122 : memref<80x128xf32, #tpu.memory_space<vmem_shared>>) target_semaphore(%run_scoped3A : memref<!tpu.dma_semaphore, #tpu.memory_space<semaphore_mem>>)
      %dma_wait3A_123 = arith.constant 0 : i32
      %dma_wait3A_124 = tpu.memref_slice %arg13[%add3A_20, %dma_wait3A_123] : memref<10000x128xf32, #tpu.memory_space<vmem_shared>> -> memref<80x128xf32, #tpu.memory_space<vmem_shared>>
      %dma_wait3A_125 = arith.constant 0 : i32
      %dma_wait3A_126 = tpu.memref_slice %arg13[%add3A_20, %dma_wait3A_125] : memref<10000x128xf32, #tpu.memory_space<vmem_shared>> -> memref<80x128xf32, #tpu.memory_space<vmem_shared>>
      tpu.wait_dma2 semaphore(%run_scoped3A : memref<!tpu.dma_semaphore, #tpu.memory_space<semaphore_mem>>) src(%arg7 : memref<80x128xf32, #tpu.memory_space<vmem>>) dst(%dma_wait3A_126 : memref<80x128xf32, #tpu.memory_space<vmem_shared>>)
      tpu.yield
    }) : () -> ()
    %mul3A_21 = arith.constant 625 : i32
    %mul3A_22 = arith.muli %arg1, %mul3A_21 : i32
    %add3A_23 = arith.constant 320 : i32
    %add3A_24 = arith.addi %mul3A_22, %add3A_23 : i32
    "tpu.region"() ({
      %run_scoped3A = tpu.sem_alloc : memref<!tpu.dma_semaphore, #tpu.memory_space<semaphore_mem>>
      %dma_start3A_119 = arith.constant 0 : i32
      %dma_start3A_120 = tpu.memref_slice %arg13[%add3A_24, %dma_start3A_119] : memref<10000x128xf32, #tpu.memory_space<vmem_shared>> -> memref<80x128xf32, #tpu.memory_space<vmem_shared>>
      %dma_start3A_121 = arith.constant 0 : i32
      %dma_start3A_122 = tpu.memref_slice %arg13[%add3A_24, %dma_start3A_121] : memref<10000x128xf32, #tpu.memory_space<vmem_shared>> -> memref<80x128xf32, #tpu.memory_space<vmem_shared>>
      tpu.enqueue_dma source(%arg7 : memref<80x128xf32, #tpu.memory_space<vmem>>) target(%dma_start3A_122 : memref<80x128xf32, #tpu.memory_space<vmem_shared>>) target_semaphore(%run_scoped3A : memref<!tpu.dma_semaphore, #tpu.memory_space<semaphore_mem>>)
      %dma_wait3A_123 = arith.constant 0 : i32
      %dma_wait3A_124 = tpu.memref_slice %arg13[%add3A_24, %dma_wait3A_123] : memref<10000x128xf32, #tpu.memory_space<vmem_shared>> -> memref<80x128xf32, #tpu.memory_space<vmem_shared>>
      %dma_wait3A_125 = arith.constant 0 : i32
      %dma_wait3A_126 = tpu.memref_slice %arg13[%add3A_24, %dma_wait3A_125] : memref<10000x128xf32, #tpu.memory_space<vmem_shared>> -> memref<80x128xf32, #tpu.memory_space<vmem_shared>>
      tpu.wait_dma2 semaphore(%run_scoped3A : memref<!tpu.dma_semaphore, #tpu.memory_space<semaphore_mem>>) src(%arg7 : memref<80x128xf32, #tpu.memory_space<vmem>>) dst(%dma_wait3A_126 : memref<80x128xf32, #tpu.memory_space<vmem_shared>>)
      tpu.yield
    }) : () -> ()
    %mul3A_25 = arith.constant 625 : i32
    %mul3A_26 = arith.muli %arg1, %mul3A_25 : i32
    %add3A_27 = arith.constant 400 : i32
    %add3A_28 = arith.addi %mul3A_26, %add3A_27 : i32
    "tpu.region"() ({
      %run_scoped3A = tpu.sem_alloc : memref<!tpu.dma_semaphore, #tpu.memory_space<semaphore_mem>>
      %dma_start3A_119 = arith.constant 0 : i32
      %dma_start3A_120 = tpu.memref_slice %arg13[%add3A_28, %dma_start3A_119] : memref<10000x128xf32, #tpu.memory_space<vmem_shared>> -> memref<80x128xf32, #tpu.memory_space<vmem_shared>>
      %dma_start3A_121 = arith.constant 0 : i32
      %dma_start3A_122 = tpu.memref_slice %arg13[%add3A_28, %dma_start3A_121] : memref<10000x128xf32, #tpu.memory_space<vmem_shared>> -> memref<80x128xf32, #tpu.memory_space<vmem_shared>>
      tpu.enqueue_dma source(%arg7 : memref<80x128xf32, #tpu.memory_space<vmem>>) target(%dma_start3A_122 : memref<80x128xf32, #tpu.memory_space<vmem_shared>>) target_semaphore(%run_scoped3A : memref<!tpu.dma_semaphore, #tpu.memory_space<semaphore_mem>>)
      %dma_wait3A_123 = arith.constant 0 : i32
      %dma_wait3A_124 = tpu.memref_slice %arg13[%add3A_28, %dma_wait3A_123] : memref<10000x128xf32, #tpu.memory_space<vmem_shared>> -> memref<80x128xf32, #tpu.memory_space<vmem_shared>>
      %dma_wait3A_125 = arith.constant 0 : i32
      %dma_wait3A_126 = tpu.memref_slice %arg13[%add3A_28, %dma_wait3A_125] : memref<10000x128xf32, #tpu.memory_space<vmem_shared>> -> memref<80x128xf32, #tpu.memory_space<vmem_shared>>
      tpu.wait_dma2 semaphore(%run_scoped3A : memref<!tpu.dma_semaphore, #tpu.memory_space<semaphore_mem>>) src(%arg7 : memref<80x128xf32, #tpu.memory_space<vmem>>) dst(%dma_wait3A_126 : memref<80x128xf32, #tpu.memory_space<vmem_shared>>)
      tpu.yield
    }) : () -> ()
    %mul3A_29 = arith.constant 625 : i32
    %mul3A_30 = arith.muli %arg1, %mul3A_29 : i32
    %add3A_31 = arith.constant 480 : i32
    %add3A_32 = arith.addi %mul3A_30, %add3A_31 : i32
    "tpu.region"() ({
      %run_scoped3A = tpu.sem_alloc : memref<!tpu.dma_semaphore, #tpu.memory_space<semaphore_mem>>
      %dma_start3A_119 = arith.constant 0 : i32
      %dma_start3A_120 = tpu.memref_slice %arg13[%add3A_32, %dma_start3A_119] : memref<10000x128xf32, #tpu.memory_space<vmem_shared>> -> memref<80x128xf32, #tpu.memory_space<vmem_shared>>
      %dma_start3A_121 = arith.constant 0 : i32
      %dma_start3A_122 = tpu.memref_slice %arg13[%add3A_32, %dma_start3A_121] : memref<10000x128xf32, #tpu.memory_space<vmem_shared>> -> memref<80x128xf32, #tpu.memory_space<vmem_shared>>
      tpu.enqueue_dma source(%arg7 : memref<80x128xf32, #tpu.memory_space<vmem>>) target(%dma_start3A_122 : memref<80x128xf32, #tpu.memory_space<vmem_shared>>) target_semaphore(%run_scoped3A : memref<!tpu.dma_semaphore, #tpu.memory_space<semaphore_mem>>)
      %dma_wait3A_123 = arith.constant 0 : i32
      %dma_wait3A_124 = tpu.memref_slice %arg13[%add3A_32, %dma_wait3A_123] : memref<10000x128xf32, #tpu.memory_space<vmem_shared>> -> memref<80x128xf32, #tpu.memory_space<vmem_shared>>
      %dma_wait3A_125 = arith.constant 0 : i32
      %dma_wait3A_126 = tpu.memref_slice %arg13[%add3A_32, %dma_wait3A_125] : memref<10000x128xf32, #tpu.memory_space<vmem_shared>> -> memref<80x128xf32, #tpu.memory_space<vmem_shared>>
      tpu.wait_dma2 semaphore(%run_scoped3A : memref<!tpu.dma_semaphore, #tpu.memory_space<semaphore_mem>>) src(%arg7 : memref<80x128xf32, #tpu.memory_space<vmem>>) dst(%dma_wait3A_126 : memref<80x128xf32, #tpu.memory_space<vmem_shared>>)
      tpu.yield
    }) : () -> ()
    %mul3A_33 = arith.constant 625 : i32
    %mul3A_34 = arith.muli %arg1, %mul3A_33 : i32
    %add3A_35 = arith.constant 560 : i32
    %add3A_36 = arith.addi %mul3A_34, %add3A_35 : i32
    "tpu.region"() ({
      %run_scoped3A = tpu.sem_alloc : memref<!tpu.dma_semaphore, #tpu.memory_space<semaphore_mem>>
      %dma_start3A_119 = arith.constant 0 : i32
      %dma_start3A_120 = arith.constant 0 : i32
      %dma_start3A_121 = tpu.memref_slice %arg7[%dma_start3A_119, %dma_start3A_120] : memref<80x128xf32, #tpu.memory_space<vmem>> -> memref<65x128xf32, #tpu.memory_space<vmem>>
      %dma_start3A_122 = arith.constant 0 : i32
      %dma_start3A_123 = tpu.memref_slice %arg13[%add3A_36, %dma_start3A_122] : memref<10000x128xf32, #tpu.memory_space<vmem_shared>> -> memref<65x128xf32, #tpu.memory_space<vmem_shared>>
      %dma_start3A_124 = arith.constant 0 : i32
      %dma_start3A_125 = tpu.memref_slice %arg13[%add3A_36, %dma_start3A_124] : memref<10000x128xf32, #tpu.memory_space<vmem_shared>> -> memref<65x128xf32, #tpu.memory_space<vmem_shared>>
      %dma_start3A_126 = arith.constant 0 : i32
      %dma_start3A_127 = arith.constant 0 : i32
      %dma_start3A_128 = tpu.memref_slice %arg7[%dma_start3A_126, %dma_start3A_127] : memref<80x128xf32, #tpu.memory_space<vmem>> -> memref<65x128xf32, #tpu.memory_space<vmem>>
      tpu.enqueue_dma source(%dma_start3A_128 : memref<65x128xf32, #tpu.memory_space<vmem>>) target(%dma_start3A_125 : memref<65x128xf32, #tpu.memory_space<vmem_shared>>) target_semaphore(%run_scoped3A : memref<!tpu.dma_semaphore, #tpu.memory_space<semaphore_mem>>)
      %dma_wait3A_129 = arith.constant 0 : i32
      %dma_wait3A_130 = arith.constant 0 : i32
      %dma_wait3A_131 = tpu.memref_slice %arg7[%dma_wait3A_129, %dma_wait3A_130] : memref<80x128xf32, #tpu.memory_space<vmem>> -> memref<65x128xf32, #tpu.memory_space<vmem>>
      %dma_wait3A_132 = arith.constant 0 : i32
      %dma_wait3A_133 = tpu.memref_slice %arg13[%add3A_36, %dma_wait3A_132] : memref<10000x128xf32, #tpu.memory_space<vmem_shared>> -> memref<65x128xf32, #tpu.memory_space<vmem_shared>>
      %dma_wait3A_134 = arith.constant 0 : i32
      %dma_wait3A_135 = tpu.memref_slice %arg13[%add3A_36, %dma_wait3A_134] : memref<10000x128xf32, #tpu.memory_space<vmem_shared>> -> memref<65x128xf32, #tpu.memory_space<vmem_shared>>
      %dma_wait3A_136 = arith.constant 0 : i32
      %dma_wait3A_137 = arith.constant 0 : i32
      %dma_wait3A_138 = tpu.memref_slice %arg7[%dma_wait3A_136, %dma_wait3A_137] : memref<80x128xf32, #tpu.memory_space<vmem>> -> memref<65x128xf32, #tpu.memory_space<vmem>>
      tpu.wait_dma2 semaphore(%run_scoped3A : memref<!tpu.dma_semaphore, #tpu.memory_space<semaphore_mem>>) src(%dma_wait3A_138 : memref<65x128xf32, #tpu.memory_space<vmem>>) dst(%dma_wait3A_135 : memref<65x128xf32, #tpu.memory_space<vmem_shared>>)
      tpu.yield
    }) : () -> ()
    %barrier3A = arith.constant 0 : index
    tpu.barrier barrier_id(%barrier3A)
    %mul3A_37 = arith.constant 10000 : i32
    %mul3A_38 = arith.muli %add3A, %mul3A_37 : i32
    %multiple_of3A = tpu.assume_multiple %mul3A_38, 8 : i32
    "tpu.region"() ({
      %run_scoped3A = tpu.sem_alloc : memref<!tpu.dma_semaphore, #tpu.memory_space<semaphore_mem>>
      %dma_start3A_119 = tpu.memref_slice %arg2[%multiple_of3A] : memref<640000xi32, #tpu.memory_space<hbm>> -> memref<10000xi32, #tpu.memory_space<hbm>>
      %dma_start3A_120 = tpu.memref_slice %arg2[%multiple_of3A] : memref<640000xi32, #tpu.memory_space<hbm>> -> memref<10000xi32, #tpu.memory_space<hbm>>
      tpu.enqueue_dma source(%dma_start3A_120 : memref<10000xi32, #tpu.memory_space<hbm>>) target(%arg5 : memref<10000xi32, #tpu.memory_space<vmem>>) target_semaphore(%run_scoped3A : memref<!tpu.dma_semaphore, #tpu.memory_space<semaphore_mem>>)
      %dma_wait3A_121 = tpu.memref_slice %arg2[%multiple_of3A] : memref<640000xi32, #tpu.memory_space<hbm>> -> memref<10000xi32, #tpu.memory_space<hbm>>
      %dma_wait3A_122 = tpu.memref_slice %arg2[%multiple_of3A] : memref<640000xi32, #tpu.memory_space<hbm>> -> memref<10000xi32, #tpu.memory_space<hbm>>
      tpu.wait_dma2 semaphore(%run_scoped3A : memref<!tpu.dma_semaphore, #tpu.memory_space<semaphore_mem>>) src(%dma_wait3A_122 : memref<10000xi32, #tpu.memory_space<hbm>>) dst(%arg5 : memref<10000xi32, #tpu.memory_space<vmem>>)
      tpu.yield
    }) : () -> ()
    %add3A_39 = arith.constant 320000 : i32
    %add3A_40 = arith.addi %add3A_39, %multiple_of3A : i32
    "tpu.region"() ({
      %run_scoped3A = tpu.sem_alloc : memref<!tpu.dma_semaphore, #tpu.memory_space<semaphore_mem>>
      %dma_start3A_119 = tpu.memref_slice %arg2[%add3A_40] : memref<640000xi32, #tpu.memory_space<hbm>> -> memref<10000xi32, #tpu.memory_space<hbm>>
      %dma_start3A_120 = tpu.memref_slice %arg2[%add3A_40] : memref<640000xi32, #tpu.memory_space<hbm>> -> memref<10000xi32, #tpu.memory_space<hbm>>
      tpu.enqueue_dma source(%dma_start3A_120 : memref<10000xi32, #tpu.memory_space<hbm>>) target(%arg6 : memref<10000xi32, #tpu.memory_space<vmem>>) target_semaphore(%run_scoped3A : memref<!tpu.dma_semaphore, #tpu.memory_space<semaphore_mem>>)
      %dma_wait3A_121 = tpu.memref_slice %arg2[%add3A_40] : memref<640000xi32, #tpu.memory_space<hbm>> -> memref<10000xi32, #tpu.memory_space<hbm>>
      %dma_wait3A_122 = tpu.memref_slice %arg2[%add3A_40] : memref<640000xi32, #tpu.memory_space<hbm>> -> memref<10000xi32, #tpu.memory_space<hbm>>
      tpu.wait_dma2 semaphore(%run_scoped3A : memref<!tpu.dma_semaphore, #tpu.memory_space<semaphore_mem>>) src(%dma_wait3A_122 : memref<10000xi32, #tpu.memory_space<hbm>>) dst(%arg6 : memref<10000xi32, #tpu.memory_space<vmem>>)
      tpu.yield
    }) : () -> ()
    %multiple_of3A_41 = arith.constant 0 : i32
    %multiple_of3A_42 = tpu.assume_multiple %multiple_of3A_41, 8 : i32
    %dma_start3A = tpu.memref_slice %arg5[%multiple_of3A_42] : memref<10000xi32, #tpu.memory_space<vmem>> -> memref<80xi32, #tpu.memory_space<vmem>>
    %dma_start3A_43 = arith.constant 0 : i32
    %dma_start3A_44 = arith.constant 0 : i32
    %dma_start3A_45 = tpu.memref_slice %arg3[%dma_start3A_43, %dma_start3A_44] : memref<10000x128xf32, #tpu.memory_space<hbm>> -> memref<10000x128xf32, #tpu.memory_space<hbm>>
    tpu.enqueue_indirect_dma source(%dma_start3A_45 : memref<10000x128xf32, #tpu.memory_space<hbm>>) target(%arg7 : memref<80x128xf32, #tpu.memory_space<vmem>>) offsets(%dma_start3A : memref<80xi32, #tpu.memory_space<vmem>>) semaphore(%arg10 : memref<!tpu.dma_semaphore, #tpu.memory_space<semaphore_mem>>)
    %multiple_of3A_46 = arith.constant 80 : i32
    %multiple_of3A_47 = tpu.assume_multiple %multiple_of3A_46, 8 : i32
    %dma_start3A_48 = tpu.memref_slice %arg5[%multiple_of3A_47] : memref<10000xi32, #tpu.memory_space<vmem>> -> memref<80xi32, #tpu.memory_space<vmem>>
    %dma_start3A_49 = arith.constant 0 : i32
    %dma_start3A_50 = arith.constant 0 : i32
    %dma_start3A_51 = tpu.memref_slice %arg3[%dma_start3A_49, %dma_start3A_50] : memref<10000x128xf32, #tpu.memory_space<hbm>> -> memref<10000x128xf32, #tpu.memory_space<hbm>>
    tpu.enqueue_indirect_dma source(%dma_start3A_51 : memref<10000x128xf32, #tpu.memory_space<hbm>>) target(%arg8 : memref<80x128xf32, #tpu.memory_space<vmem>>) offsets(%dma_start3A_48 : memref<80xi32, #tpu.memory_space<vmem>>) semaphore(%arg11 : memref<!tpu.dma_semaphore, #tpu.memory_space<semaphore_mem>>)
    %multiple_of3A_52 = arith.constant 160 : i32
    %multiple_of3A_53 = tpu.assume_multiple %multiple_of3A_52, 8 : i32
    %dma_start3A_54 = tpu.memref_slice %arg5[%multiple_of3A_53] : memref<10000xi32, #tpu.memory_space<vmem>> -> memref<80xi32, #tpu.memory_space<vmem>>
    %dma_start3A_55 = arith.constant 0 : i32
    %dma_start3A_56 = arith.constant 0 : i32
    %dma_start3A_57 = tpu.memref_slice %arg3[%dma_start3A_55, %dma_start3A_56] : memref<10000x128xf32, #tpu.memory_space<hbm>> -> memref<10000x128xf32, #tpu.memory_space<hbm>>
    tpu.enqueue_indirect_dma source(%dma_start3A_57 : memref<10000x128xf32, #tpu.memory_space<hbm>>) target(%arg9 : memref<80x128xf32, #tpu.memory_space<vmem>>) offsets(%dma_start3A_54 : memref<80xi32, #tpu.memory_space<vmem>>) semaphore(%arg12 : memref<!tpu.dma_semaphore, #tpu.memory_space<semaphore_mem>>)
    %scan3A_58 = arith.constant 0 : i32
    %scan3A_59 = arith.constant 40 : i32
    %scan3A_60 = arith.addi %scan3A_58, %scan3A_59 : i32
    %scan3A_61 = arith.constant 1 : i32
    scf.for %scan3A_119 = %scan3A_58 to %scan3A_60 step %scan3A_61  : i32 {
      %mul3A_120 = arith.constant 3 : i32
      %mul3A_121 = arith.muli %scan3A_119, %mul3A_120 : i32
      %add3A_122 = arith.constant 0 : i32
      %add3A_123 = arith.addi %mul3A_121, %add3A_122 : i32
      %dma_wait3A_124 = arith.constant 0 : i32
      %dma_wait3A_125 = arith.constant 0 : i32
      %dma_wait3A_126 = tpu.memref_slice %arg3[%dma_wait3A_124, %dma_wait3A_125] : memref<10000x128xf32, #tpu.memory_space<hbm>> -> memref<80x128xf32, #tpu.memory_space<hbm>>
      %dma_wait3A_127 = arith.constant 0 : i32
      %dma_wait3A_128 = arith.constant 0 : i32
      %dma_wait3A_129 = tpu.memref_slice %arg3[%dma_wait3A_127, %dma_wait3A_128] : memref<10000x128xf32, #tpu.memory_space<hbm>> -> memref<80x128xf32, #tpu.memory_space<hbm>>
      tpu.wait_dma2 semaphore(%arg10 : memref<!tpu.dma_semaphore, #tpu.memory_space<semaphore_mem>>) src(%dma_wait3A_129 : memref<80x128xf32, #tpu.memory_space<hbm>>) dst(%arg7 : memref<80x128xf32, #tpu.memory_space<vmem>>)
      %mul3A_130 = arith.constant 80 : i32
      %mul3A_131 = arith.muli %add3A_123, %mul3A_130 : i32
      %multiple_of3A_132 = tpu.assume_multiple %mul3A_131, 8 : i32
      "tpu.region"() ({
        %run_scoped3A = tpu.sem_alloc : memref<!tpu.dma_semaphore, #tpu.memory_space<semaphore_mem>>
        %dma_start3A_188 = tpu.memref_slice %arg6[%multiple_of3A_132] : memref<10000xi32, #tpu.memory_space<vmem>> -> memref<80xi32, #tpu.memory_space<vmem>>
        %dma_start3A_189 = arith.constant 0 : i32
        %dma_start3A_190 = arith.constant 0 : i32
        %dma_start3A_191 = tpu.memref_slice %arg13[%dma_start3A_189, %dma_start3A_190] : memref<10000x128xf32, #tpu.memory_space<vmem_shared>> -> memref<10000x128xf32, #tpu.memory_space<vmem_shared>>
        tpu.enqueue_indirect_dma source(%arg7 : memref<80x128xf32, #tpu.memory_space<vmem>>) target(%dma_start3A_191 : memref<10000x128xf32, #tpu.memory_space<vmem_shared>>) offsets(%dma_start3A_188 : memref<80xi32, #tpu.memory_space<vmem>>) semaphore(%run_scoped3A : memref<!tpu.dma_semaphore, #tpu.memory_space<semaphore_mem>>) {add = true}
        %dma_wait3A_192 = tpu.memref_slice %arg6[%multiple_of3A_132] : memref<10000xi32, #tpu.memory_space<vmem>> -> memref<80xi32, #tpu.memory_space<vmem>>
        %dma_wait3A_193 = arith.constant 0 : i32
        %dma_wait3A_194 = arith.constant 0 : i32
        %dma_wait3A_195 = tpu.memref_slice %arg13[%dma_wait3A_193, %dma_wait3A_194] : memref<10000x128xf32, #tpu.memory_space<vmem_shared>> -> memref<10000x128xf32, #tpu.memory_space<vmem_shared>>
        tpu.wait_indirect_dma semaphore(%run_scoped3A : memref<!tpu.dma_semaphore, #tpu.memory_space<semaphore_mem>>) src(%arg7 : memref<80x128xf32, #tpu.memory_space<vmem>>) dst(%dma_wait3A_195 : memref<10000x128xf32, #tpu.memory_space<vmem_shared>>)
        tpu.yield
      }) : () -> ()
      %add3A_133 = arith.constant 0 : i32
      %add3A_134 = arith.addi %mul3A_121, %add3A_133 : i32
      %add3A_135 = arith.constant 3 : i32
      %add3A_136 = arith.addi %add3A_134, %add3A_135 : i32
      %mul3A_137 = arith.constant 80 : i32
      %mul3A_138 = arith.muli %add3A_136, %mul3A_137 : i32
      %multiple_of3A_139 = tpu.assume_multiple %mul3A_138, 8 : i32
      %dma_start3A_140 = tpu.memref_slice %arg5[%multiple_of3A_139] : memref<10000xi32, #tpu.memory_space<vmem>> -> memref<80xi32, #tpu.memory_space<vmem>>
      %dma_start3A_141 = arith.constant 0 : i32
      %dma_start3A_142 = arith.constant 0 : i32
      %dma_start3A_143 = tpu.memref_slice %arg3[%dma_start3A_141, %dma_start3A_142] : memref<10000x128xf32, #tpu.memory_space<hbm>> -> memref<10000x128xf32, #tpu.memory_space<hbm>>
      tpu.enqueue_indirect_dma source(%dma_start3A_143 : memref<10000x128xf32, #tpu.memory_space<hbm>>) target(%arg7 : memref<80x128xf32, #tpu.memory_space<vmem>>) offsets(%dma_start3A_140 : memref<80xi32, #tpu.memory_space<vmem>>) semaphore(%arg10 : memref<!tpu.dma_semaphore, #tpu.memory_space<semaphore_mem>>)
      %add3A_144 = arith.constant 1 : i32
      %add3A_145 = arith.addi %mul3A_121, %add3A_144 : i32
      %dma_wait3A_146 = arith.constant 0 : i32
      %dma_wait3A_147 = arith.constant 0 : i32
      %dma_wait3A_148 = tpu.memref_slice %arg3[%dma_wait3A_146, %dma_wait3A_147] : memref<10000x128xf32, #tpu.memory_space<hbm>> -> memref<80x128xf32, #tpu.memory_space<hbm>>
      %dma_wait3A_149 = arith.constant 0 : i32
      %dma_wait3A_150 = arith.constant 0 : i32
      %dma_wait3A_151 = tpu.memref_slice %arg3[%dma_wait3A_149, %dma_wait3A_150] : memref<10000x128xf32, #tpu.memory_space<hbm>> -> memref<80x128xf32, #tpu.memory_space<hbm>>
      tpu.wait_dma2 semaphore(%arg11 : memref<!tpu.dma_semaphore, #tpu.memory_space<semaphore_mem>>) src(%dma_wait3A_151 : memref<80x128xf32, #tpu.memory_space<hbm>>) dst(%arg8 : memref<80x128xf32, #tpu.memory_space<vmem>>)
      %mul3A_152 = arith.constant 80 : i32
      %mul3A_153 = arith.muli %add3A_145, %mul3A_152 : i32
      %multiple_of3A_154 = tpu.assume_multiple %mul3A_153, 8 : i32
      "tpu.region"() ({
        %run_scoped3A = tpu.sem_alloc : memref<!tpu.dma_semaphore, #tpu.memory_space<semaphore_mem>>
        %dma_start3A_188 = tpu.memref_slice %arg6[%multiple_of3A_154] : memref<10000xi32, #tpu.memory_space<vmem>> -> memref<80xi32, #tpu.memory_space<vmem>>
        %dma_start3A_189 = arith.constant 0 : i32
        %dma_start3A_190 = arith.constant 0 : i32
        %dma_start3A_191 = tpu.memref_slice %arg13[%dma_start3A_189, %dma_start3A_190] : memref<10000x128xf32, #tpu.memory_space<vmem_shared>> -> memref<10000x128xf32, #tpu.memory_space<vmem_shared>>
        tpu.enqueue_indirect_dma source(%arg8 : memref<80x128xf32, #tpu.memory_space<vmem>>) target(%dma_start3A_191 : memref<10000x128xf32, #tpu.memory_space<vmem_shared>>) offsets(%dma_start3A_188 : memref<80xi32, #tpu.memory_space<vmem>>) semaphore(%run_scoped3A : memref<!tpu.dma_semaphore, #tpu.memory_space<semaphore_mem>>) {add = true}
        %dma_wait3A_192 = tpu.memref_slice %arg6[%multiple_of3A_154] : memref<10000xi32, #tpu.memory_space<vmem>> -> memref<80xi32, #tpu.memory_space<vmem>>
        %dma_wait3A_193 = arith.constant 0 : i32
        %dma_wait3A_194 = arith.constant 0 : i32
        %dma_wait3A_195 = tpu.memref_slice %arg13[%dma_wait3A_193, %dma_wait3A_194] : memref<10000x128xf32, #tpu.memory_space<vmem_shared>> -> memref<10000x128xf32, #tpu.memory_space<vmem_shared>>
        tpu.wait_indirect_dma semaphore(%run_scoped3A : memref<!tpu.dma_semaphore, #tpu.memory_space<semaphore_mem>>) src(%arg8 : memref<80x128xf32, #tpu.memory_space<vmem>>) dst(%dma_wait3A_195 : memref<10000x128xf32, #tpu.memory_space<vmem_shared>>)
        tpu.yield
      }) : () -> ()
      %add3A_155 = arith.constant 1 : i32
      %add3A_156 = arith.addi %mul3A_121, %add3A_155 : i32
      %add3A_157 = arith.constant 3 : i32
      %add3A_158 = arith.addi %add3A_156, %add3A_157 : i32
      %mul3A_159 = arith.constant 80 : i32
      %mul3A_160 = arith.muli %add3A_158, %mul3A_159 : i32
      %multiple_of3A_161 = tpu.assume_multiple %mul3A_160, 8 : i32
      %dma_start3A_162 = tpu.memref_slice %arg5[%multiple_of3A_161] : memref<10000xi32, #tpu.memory_space<vmem>> -> memref<80xi32, #tpu.memory_space<vmem>>
      %dma_start3A_163 = arith.constant 0 : i32
      %dma_start3A_164 = arith.constant 0 : i32
      %dma_start3A_165 = tpu.memref_slice %arg3[%dma_start3A_163, %dma_start3A_164] : memref<10000x128xf32, #tpu.memory_space<hbm>> -> memref<10000x128xf32, #tpu.memory_space<hbm>>
      tpu.enqueue_indirect_dma source(%dma_start3A_165 : memref<10000x128xf32, #tpu.memory_space<hbm>>) target(%arg8 : memref<80x128xf32, #tpu.memory_space<vmem>>) offsets(%dma_start3A_162 : memref<80xi32, #tpu.memory_space<vmem>>) semaphore(%arg11 : memref<!tpu.dma_semaphore, #tpu.memory_space<semaphore_mem>>)
      %add3A_166 = arith.constant 2 : i32
      %add3A_167 = arith.addi %mul3A_121, %add3A_166 : i32
      %dma_wait3A_168 = arith.constant 0 : i32
      %dma_wait3A_169 = arith.constant 0 : i32
      %dma_wait3A_170 = tpu.memref_slice %arg3[%dma_wait3A_168, %dma_wait3A_169] : memref<10000x128xf32, #tpu.memory_space<hbm>> -> memref<80x128xf32, #tpu.memory_space<hbm>>
      %dma_wait3A_171 = arith.constant 0 : i32
      %dma_wait3A_172 = arith.constant 0 : i32
      %dma_wait3A_173 = tpu.memref_slice %arg3[%dma_wait3A_171, %dma_wait3A_172] : memref<10000x128xf32, #tpu.memory_space<hbm>> -> memref<80x128xf32, #tpu.memory_space<hbm>>
      tpu.wait_dma2 semaphore(%arg12 : memref<!tpu.dma_semaphore, #tpu.memory_space<semaphore_mem>>) src(%dma_wait3A_173 : memref<80x128xf32, #tpu.memory_space<hbm>>) dst(%arg9 : memref<80x128xf32, #tpu.memory_space<vmem>>)
      %mul3A_174 = arith.constant 80 : i32
      %mul3A_175 = arith.muli %add3A_167, %mul3A_174 : i32
      %multiple_of3A_176 = tpu.assume_multiple %mul3A_175, 8 : i32
      "tpu.region"() ({
        %run_scoped3A = tpu.sem_alloc : memref<!tpu.dma_semaphore, #tpu.memory_space<semaphore_mem>>
        %dma_start3A_188 = tpu.memref_slice %arg6[%multiple_of3A_176] : memref<10000xi32, #tpu.memory_space<vmem>> -> memref<80xi32, #tpu.memory_space<vmem>>
        %dma_start3A_189 = arith.constant 0 : i32
        %dma_start3A_190 = arith.constant 0 : i32
        %dma_start3A_191 = tpu.memref_slice %arg13[%dma_start3A_189, %dma_start3A_190] : memref<10000x128xf32, #tpu.memory_space<vmem_shared>> -> memref<10000x128xf32, #tpu.memory_space<vmem_shared>>
        tpu.enqueue_indirect_dma source(%arg9 : memref<80x128xf32, #tpu.memory_space<vmem>>) target(%dma_start3A_191 : memref<10000x128xf32, #tpu.memory_space<vmem_shared>>) offsets(%dma_start3A_188 : memref<80xi32, #tpu.memory_space<vmem>>) semaphore(%run_scoped3A : memref<!tpu.dma_semaphore, #tpu.memory_space<semaphore_mem>>) {add = true}
        %dma_wait3A_192 = tpu.memref_slice %arg6[%multiple_of3A_176] : memref<10000xi32, #tpu.memory_space<vmem>> -> memref<80xi32, #tpu.memory_space<vmem>>
        %dma_wait3A_193 = arith.constant 0 : i32
        %dma_wait3A_194 = arith.constant 0 : i32
        %dma_wait3A_195 = tpu.memref_slice %arg13[%dma_wait3A_193, %dma_wait3A_194] : memref<10000x128xf32, #tpu.memory_space<vmem_shared>> -> memref<10000x128xf32, #tpu.memory_space<vmem_shared>>
        tpu.wait_indirect_dma semaphore(%run_scoped3A : memref<!tpu.dma_semaphore, #tpu.memory_space<semaphore_mem>>) src(%arg9 : memref<80x128xf32, #tpu.memory_space<vmem>>) dst(%dma_wait3A_195 : memref<10000x128xf32, #tpu.memory_space<vmem_shared>>)
        tpu.yield
      }) : () -> ()
      %add3A_177 = arith.constant 2 : i32
      %add3A_178 = arith.addi %mul3A_121, %add3A_177 : i32
      %add3A_179 = arith.constant 3 : i32
      %add3A_180 = arith.addi %add3A_178, %add3A_179 : i32
      %mul3A_181 = arith.constant 80 : i32
      %mul3A_182 = arith.muli %add3A_180, %mul3A_181 : i32
      %multiple_of3A_183 = tpu.assume_multiple %mul3A_182, 8 : i32
      %dma_start3A_184 = tpu.memref_slice %arg5[%multiple_of3A_183] : memref<10000xi32, #tpu.memory_space<vmem>> -> memref<80xi32, #tpu.memory_space<vmem>>
      %dma_start3A_185 = arith.constant 0 : i32
      %dma_start3A_186 = arith.constant 0 : i32
      %dma_start3A_187 = tpu.memref_slice %arg3[%dma_start3A_185, %dma_start3A_186] : memref<10000x128xf32, #tpu.memory_space<hbm>> -> memref<10000x128xf32, #tpu.memory_space<hbm>>
      tpu.enqueue_indirect_dma source(%dma_start3A_187 : memref<10000x128xf32, #tpu.memory_space<hbm>>) target(%arg9 : memref<80x128xf32, #tpu.memory_space<vmem>>) offsets(%dma_start3A_184 : memref<80xi32, #tpu.memory_space<vmem>>) semaphore(%arg12 : memref<!tpu.dma_semaphore, #tpu.memory_space<semaphore_mem>>)
    }
    %scan3A_62 = arith.constant 40 : i32
    %dma_wait3A = arith.constant 0 : i32
    %dma_wait3A_63 = arith.constant 0 : i32
    %dma_wait3A_64 = tpu.memref_slice %arg3[%dma_wait3A, %dma_wait3A_63] : memref<10000x128xf32, #tpu.memory_space<hbm>> -> memref<80x128xf32, #tpu.memory_space<hbm>>
    %dma_wait3A_65 = arith.constant 0 : i32
    %dma_wait3A_66 = arith.constant 0 : i32
    %dma_wait3A_67 = tpu.memref_slice %arg3[%dma_wait3A_65, %dma_wait3A_66] : memref<10000x128xf32, #tpu.memory_space<hbm>> -> memref<80x128xf32, #tpu.memory_space<hbm>>
    tpu.wait_dma2 semaphore(%arg10 : memref<!tpu.dma_semaphore, #tpu.memory_space<semaphore_mem>>) src(%dma_wait3A_67 : memref<80x128xf32, #tpu.memory_space<hbm>>) dst(%arg7 : memref<80x128xf32, #tpu.memory_space<vmem>>)
    %multiple_of3A_68 = arith.constant 9600 : i32
    %multiple_of3A_69 = tpu.assume_multiple %multiple_of3A_68, 8 : i32
    "tpu.region"() ({
      %run_scoped3A = tpu.sem_alloc : memref<!tpu.dma_semaphore, #tpu.memory_space<semaphore_mem>>
      %dma_start3A_119 = tpu.memref_slice %arg6[%multiple_of3A_69] : memref<10000xi32, #tpu.memory_space<vmem>> -> memref<80xi32, #tpu.memory_space<vmem>>
      %dma_start3A_120 = arith.constant 0 : i32
      %dma_start3A_121 = arith.constant 0 : i32
      %dma_start3A_122 = tpu.memref_slice %arg13[%dma_start3A_120, %dma_start3A_121] : memref<10000x128xf32, #tpu.memory_space<vmem_shared>> -> memref<10000x128xf32, #tpu.memory_space<vmem_shared>>
      tpu.enqueue_indirect_dma source(%arg7 : memref<80x128xf32, #tpu.memory_space<vmem>>) target(%dma_start3A_122 : memref<10000x128xf32, #tpu.memory_space<vmem_shared>>) offsets(%dma_start3A_119 : memref<80xi32, #tpu.memory_space<vmem>>) semaphore(%run_scoped3A : memref<!tpu.dma_semaphore, #tpu.memory_space<semaphore_mem>>) {add = true}
      %dma_wait3A_123 = tpu.memref_slice %arg6[%multiple_of3A_69] : memref<10000xi32, #tpu.memory_space<vmem>> -> memref<80xi32, #tpu.memory_space<vmem>>
      %dma_wait3A_124 = arith.constant 0 : i32
      %dma_wait3A_125 = arith.constant 0 : i32
      %dma_wait3A_126 = tpu.memref_slice %arg13[%dma_wait3A_124, %dma_wait3A_125] : memref<10000x128xf32, #tpu.memory_space<vmem_shared>> -> memref<10000x128xf32, #tpu.memory_space<vmem_shared>>
      tpu.wait_indirect_dma semaphore(%run_scoped3A : memref<!tpu.dma_semaphore, #tpu.memory_space<semaphore_mem>>) src(%arg7 : memref<80x128xf32, #tpu.memory_space<vmem>>) dst(%dma_wait3A_126 : memref<10000x128xf32, #tpu.memory_space<vmem_shared>>)
      tpu.yield
    }) : () -> ()
    %dma_wait3A_70 = arith.constant 0 : i32
    %dma_wait3A_71 = arith.constant 0 : i32
    %dma_wait3A_72 = tpu.memref_slice %arg3[%dma_wait3A_70, %dma_wait3A_71] : memref<10000x128xf32, #tpu.memory_space<hbm>> -> memref<80x128xf32, #tpu.memory_space<hbm>>
    %dma_wait3A_73 = arith.constant 0 : i32
    %dma_wait3A_74 = arith.constant 0 : i32
    %dma_wait3A_75 = tpu.memref_slice %arg3[%dma_wait3A_73, %dma_wait3A_74] : memref<10000x128xf32, #tpu.memory_space<hbm>> -> memref<80x128xf32, #tpu.memory_space<hbm>>
    tpu.wait_dma2 semaphore(%arg11 : memref<!tpu.dma_semaphore, #tpu.memory_space<semaphore_mem>>) src(%dma_wait3A_75 : memref<80x128xf32, #tpu.memory_space<hbm>>) dst(%arg8 : memref<80x128xf32, #tpu.memory_space<vmem>>)
    %multiple_of3A_76 = arith.constant 9680 : i32
    %multiple_of3A_77 = tpu.assume_multiple %multiple_of3A_76, 8 : i32
    "tpu.region"() ({
      %run_scoped3A = tpu.sem_alloc : memref<!tpu.dma_semaphore, #tpu.memory_space<semaphore_mem>>
      %dma_start3A_119 = tpu.memref_slice %arg6[%multiple_of3A_77] : memref<10000xi32, #tpu.memory_space<vmem>> -> memref<80xi32, #tpu.memory_space<vmem>>
      %dma_start3A_120 = arith.constant 0 : i32
      %dma_start3A_121 = arith.constant 0 : i32
      %dma_start3A_122 = tpu.memref_slice %arg13[%dma_start3A_120, %dma_start3A_121] : memref<10000x128xf32, #tpu.memory_space<vmem_shared>> -> memref<10000x128xf32, #tpu.memory_space<vmem_shared>>
      tpu.enqueue_indirect_dma source(%arg8 : memref<80x128xf32, #tpu.memory_space<vmem>>) target(%dma_start3A_122 : memref<10000x128xf32, #tpu.memory_space<vmem_shared>>) offsets(%dma_start3A_119 : memref<80xi32, #tpu.memory_space<vmem>>) semaphore(%run_scoped3A : memref<!tpu.dma_semaphore, #tpu.memory_space<semaphore_mem>>) {add = true}
      %dma_wait3A_123 = tpu.memref_slice %arg6[%multiple_of3A_77] : memref<10000xi32, #tpu.memory_space<vmem>> -> memref<80xi32, #tpu.memory_space<vmem>>
      %dma_wait3A_124 = arith.constant 0 : i32
      %dma_wait3A_125 = arith.constant 0 : i32
      %dma_wait3A_126 = tpu.memref_slice %arg13[%dma_wait3A_124, %dma_wait3A_125] : memref<10000x128xf32, #tpu.memory_space<vmem_shared>> -> memref<10000x128xf32, #tpu.memory_space<vmem_shared>>
      tpu.wait_indirect_dma semaphore(%run_scoped3A : memref<!tpu.dma_semaphore, #tpu.memory_space<semaphore_mem>>) src(%arg8 : memref<80x128xf32, #tpu.memory_space<vmem>>) dst(%dma_wait3A_126 : memref<10000x128xf32, #tpu.memory_space<vmem_shared>>)
      tpu.yield
    }) : () -> ()
    %dma_wait3A_78 = arith.constant 0 : i32
    %dma_wait3A_79 = arith.constant 0 : i32
    %dma_wait3A_80 = tpu.memref_slice %arg3[%dma_wait3A_78, %dma_wait3A_79] : memref<10000x128xf32, #tpu.memory_space<hbm>> -> memref<80x128xf32, #tpu.memory_space<hbm>>
    %dma_wait3A_81 = arith.constant 0 : i32
    %dma_wait3A_82 = arith.constant 0 : i32
    %dma_wait3A_83 = tpu.memref_slice %arg3[%dma_wait3A_81, %dma_wait3A_82] : memref<10000x128xf32, #tpu.memory_space<hbm>> -> memref<80x128xf32, #tpu.memory_space<hbm>>
    tpu.wait_dma2 semaphore(%arg12 : memref<!tpu.dma_semaphore, #tpu.memory_space<semaphore_mem>>) src(%dma_wait3A_83 : memref<80x128xf32, #tpu.memory_space<hbm>>) dst(%arg9 : memref<80x128xf32, #tpu.memory_space<vmem>>)
    %multiple_of3A_84 = arith.constant 9760 : i32
    %multiple_of3A_85 = tpu.assume_multiple %multiple_of3A_84, 8 : i32
    "tpu.region"() ({
      %run_scoped3A = tpu.sem_alloc : memref<!tpu.dma_semaphore, #tpu.memory_space<semaphore_mem>>
      %dma_start3A_119 = tpu.memref_slice %arg6[%multiple_of3A_85] : memref<10000xi32, #tpu.memory_space<vmem>> -> memref<80xi32, #tpu.memory_space<vmem>>
      %dma_start3A_120 = arith.constant 0 : i32
      %dma_start3A_121 = arith.constant 0 : i32
      %dma_start3A_122 = tpu.memref_slice %arg13[%dma_start3A_120, %dma_start3A_121] : memref<10000x128xf32, #tpu.memory_space<vmem_shared>> -> memref<10000x128xf32, #tpu.memory_space<vmem_shared>>
      tpu.enqueue_indirect_dma source(%arg9 : memref<80x128xf32, #tpu.memory_space<vmem>>) target(%dma_start3A_122 : memref<10000x128xf32, #tpu.memory_space<vmem_shared>>) offsets(%dma_start3A_119 : memref<80xi32, #tpu.memory_space<vmem>>) semaphore(%run_scoped3A : memref<!tpu.dma_semaphore, #tpu.memory_space<semaphore_mem>>) {add = true}
      %dma_wait3A_123 = tpu.memref_slice %arg6[%multiple_of3A_85] : memref<10000xi32, #tpu.memory_space<vmem>> -> memref<80xi32, #tpu.memory_space<vmem>>
      %dma_wait3A_124 = arith.constant 0 : i32
      %dma_wait3A_125 = arith.constant 0 : i32
      %dma_wait3A_126 = tpu.memref_slice %arg13[%dma_wait3A_124, %dma_wait3A_125] : memref<10000x128xf32, #tpu.memory_space<vmem_shared>> -> memref<10000x128xf32, #tpu.memory_space<vmem_shared>>
      tpu.wait_indirect_dma semaphore(%run_scoped3A : memref<!tpu.dma_semaphore, #tpu.memory_space<semaphore_mem>>) src(%arg9 : memref<80x128xf32, #tpu.memory_space<vmem>>) dst(%dma_wait3A_126 : memref<10000x128xf32, #tpu.memory_space<vmem_shared>>)
      tpu.yield
    }) : () -> ()
    %multiple_of3A_86 = arith.constant 9840 : i32
    %multiple_of3A_87 = tpu.assume_multiple %multiple_of3A_86, 8 : i32
    %dma_start3A_88 = tpu.memref_slice %arg5[%multiple_of3A_87] : memref<10000xi32, #tpu.memory_space<vmem>> -> memref<80xi32, #tpu.memory_space<vmem>>
    %dma_start3A_89 = arith.constant 0 : i32
    %dma_start3A_90 = arith.constant 0 : i32
    %dma_start3A_91 = tpu.memref_slice %arg3[%dma_start3A_89, %dma_start3A_90] : memref<10000x128xf32, #tpu.memory_space<hbm>> -> memref<10000x128xf32, #tpu.memory_space<hbm>>
    tpu.enqueue_indirect_dma source(%dma_start3A_91 : memref<10000x128xf32, #tpu.memory_space<hbm>>) target(%arg7 : memref<80x128xf32, #tpu.memory_space<vmem>>) offsets(%dma_start3A_88 : memref<80xi32, #tpu.memory_space<vmem>>) semaphore(%arg10 : memref<!tpu.dma_semaphore, #tpu.memory_space<semaphore_mem>>)
    %dma_wait3A_92 = arith.constant 0 : i32
    %dma_wait3A_93 = arith.constant 0 : i32
    %dma_wait3A_94 = tpu.memref_slice %arg3[%dma_wait3A_92, %dma_wait3A_93] : memref<10000x128xf32, #tpu.memory_space<hbm>> -> memref<80x128xf32, #tpu.memory_space<hbm>>
    %dma_wait3A_95 = arith.constant 0 : i32
    %dma_wait3A_96 = arith.constant 0 : i32
    %dma_wait3A_97 = tpu.memref_slice %arg3[%dma_wait3A_95, %dma_wait3A_96] : memref<10000x128xf32, #tpu.memory_space<hbm>> -> memref<80x128xf32, #tpu.memory_space<hbm>>
    tpu.wait_dma2 semaphore(%arg10 : memref<!tpu.dma_semaphore, #tpu.memory_space<semaphore_mem>>) src(%dma_wait3A_97 : memref<80x128xf32, #tpu.memory_space<hbm>>) dst(%arg7 : memref<80x128xf32, #tpu.memory_space<vmem>>)
    %multiple_of3A_98 = arith.constant 9840 : i32
    %multiple_of3A_99 = tpu.assume_multiple %multiple_of3A_98, 8 : i32
    "tpu.region"() ({
      %run_scoped3A = tpu.sem_alloc : memref<!tpu.dma_semaphore, #tpu.memory_space<semaphore_mem>>
      %dma_start3A_119 = tpu.memref_slice %arg6[%multiple_of3A_99] : memref<10000xi32, #tpu.memory_space<vmem>> -> memref<80xi32, #tpu.memory_space<vmem>>
      %dma_start3A_120 = arith.constant 0 : i32
      %dma_start3A_121 = arith.constant 0 : i32
      %dma_start3A_122 = tpu.memref_slice %arg13[%dma_start3A_120, %dma_start3A_121] : memref<10000x128xf32, #tpu.memory_space<vmem_shared>> -> memref<10000x128xf32, #tpu.memory_space<vmem_shared>>
      tpu.enqueue_indirect_dma source(%arg7 : memref<80x128xf32, #tpu.memory_space<vmem>>) target(%dma_start3A_122 : memref<10000x128xf32, #tpu.memory_space<vmem_shared>>) offsets(%dma_start3A_119 : memref<80xi32, #tpu.memory_space<vmem>>) semaphore(%run_scoped3A : memref<!tpu.dma_semaphore, #tpu.memory_space<semaphore_mem>>) {add = true}
      %dma_wait3A_123 = tpu.memref_slice %arg6[%multiple_of3A_99] : memref<10000xi32, #tpu.memory_space<vmem>> -> memref<80xi32, #tpu.memory_space<vmem>>
      %dma_wait3A_124 = arith.constant 0 : i32
      %dma_wait3A_125 = arith.constant 0 : i32
      %dma_wait3A_126 = tpu.memref_slice %arg13[%dma_wait3A_124, %dma_wait3A_125] : memref<10000x128xf32, #tpu.memory_space<vmem_shared>> -> memref<10000x128xf32, #tpu.memory_space<vmem_shared>>
      tpu.wait_indirect_dma semaphore(%run_scoped3A : memref<!tpu.dma_semaphore, #tpu.memory_space<semaphore_mem>>) src(%arg7 : memref<80x128xf32, #tpu.memory_space<vmem>>) dst(%dma_wait3A_126 : memref<10000x128xf32, #tpu.memory_space<vmem_shared>>)
      tpu.yield
    }) : () -> ()
    %multiple_of3A_100 = arith.constant 9920 : i32
    %multiple_of3A_101 = tpu.assume_multiple %multiple_of3A_100, 8 : i32
    %dma_start3A_102 = tpu.memref_slice %arg5[%multiple_of3A_101] : memref<10000xi32, #tpu.memory_space<vmem>> -> memref<80xi32, #tpu.memory_space<vmem>>
    %dma_start3A_103 = arith.constant 0 : i32
    %dma_start3A_104 = arith.constant 0 : i32
    %dma_start3A_105 = tpu.memref_slice %arg3[%dma_start3A_103, %dma_start3A_104] : memref<10000x128xf32, #tpu.memory_space<hbm>> -> memref<10000x128xf32, #tpu.memory_space<hbm>>
    tpu.enqueue_indirect_dma source(%dma_start3A_105 : memref<10000x128xf32, #tpu.memory_space<hbm>>) target(%arg8 : memref<80x128xf32, #tpu.memory_space<vmem>>) offsets(%dma_start3A_102 : memref<80xi32, #tpu.memory_space<vmem>>) semaphore(%arg11 : memref<!tpu.dma_semaphore, #tpu.memory_space<semaphore_mem>>)
    %dma_wait3A_106 = arith.constant 0 : i32
    %dma_wait3A_107 = arith.constant 0 : i32
    %dma_wait3A_108 = tpu.memref_slice %arg3[%dma_wait3A_106, %dma_wait3A_107] : memref<10000x128xf32, #tpu.memory_space<hbm>> -> memref<80x128xf32, #tpu.memory_space<hbm>>
    %dma_wait3A_109 = arith.constant 0 : i32
    %dma_wait3A_110 = arith.constant 0 : i32
    %dma_wait3A_111 = tpu.memref_slice %arg3[%dma_wait3A_109, %dma_wait3A_110] : memref<10000x128xf32, #tpu.memory_space<hbm>> -> memref<80x128xf32, #tpu.memory_space<hbm>>
    tpu.wait_dma2 semaphore(%arg11 : memref<!tpu.dma_semaphore, #tpu.memory_space<semaphore_mem>>) src(%dma_wait3A_111 : memref<80x128xf32, #tpu.memory_space<hbm>>) dst(%arg8 : memref<80x128xf32, #tpu.memory_space<vmem>>)
    %multiple_of3A_112 = arith.constant 9920 : i32
    %multiple_of3A_113 = tpu.assume_multiple %multiple_of3A_112, 8 : i32
    "tpu.region"() ({
      %run_scoped3A = tpu.sem_alloc : memref<!tpu.dma_semaphore, #tpu.memory_space<semaphore_mem>>
      %dma_start3A_119 = tpu.memref_slice %arg6[%multiple_of3A_113] : memref<10000xi32, #tpu.memory_space<vmem>> -> memref<80xi32, #tpu.memory_space<vmem>>
      %dma_start3A_120 = arith.constant 0 : i32
      %dma_start3A_121 = arith.constant 0 : i32
      %dma_start3A_122 = tpu.memref_slice %arg13[%dma_start3A_120, %dma_start3A_121] : memref<10000x128xf32, #tpu.memory_space<vmem_shared>> -> memref<10000x128xf32, #tpu.memory_space<vmem_shared>>
      tpu.enqueue_indirect_dma source(%arg8 : memref<80x128xf32, #tpu.memory_space<vmem>>) target(%dma_start3A_122 : memref<10000x128xf32, #tpu.memory_space<vmem_shared>>) offsets(%dma_start3A_119 : memref<80xi32, #tpu.memory_space<vmem>>) semaphore(%run_scoped3A : memref<!tpu.dma_semaphore, #tpu.memory_space<semaphore_mem>>) {add = true}
      %dma_wait3A_123 = tpu.memref_slice %arg6[%multiple_of3A_113] : memref<10000xi32, #tpu.memory_space<vmem>> -> memref<80xi32, #tpu.memory_space<vmem>>
      %dma_wait3A_124 = arith.constant 0 : i32
      %dma_wait3A_125 = arith.constant 0 : i32
      %dma_wait3A_126 = tpu.memref_slice %arg13[%dma_wait3A_124, %dma_wait3A_125] : memref<10000x128xf32, #tpu.memory_space<vmem_shared>> -> memref<10000x128xf32, #tpu.memory_space<vmem_shared>>
      tpu.wait_indirect_dma semaphore(%run_scoped3A : memref<!tpu.dma_semaphore, #tpu.memory_space<semaphore_mem>>) src(%arg8 : memref<80x128xf32, #tpu.memory_space<vmem>>) dst(%dma_wait3A_126 : memref<10000x128xf32, #tpu.memory_space<vmem_shared>>)
      tpu.yield
    }) : () -> ()
    %barrier3A_114 = arith.constant 0 : index
    tpu.barrier barrier_id(%barrier3A_114)
    %mul3A_115 = arith.constant 625 : i32
    %mul3A_116 = arith.muli %arg1, %mul3A_115 : i32
    %mul3A_117 = arith.constant 625 : i32
    %mul3A_118 = arith.muli %arg1, %mul3A_117 : i32
    "tpu.region"() ({
      %run_scoped3A = tpu.sem_alloc : memref<!tpu.dma_semaphore, #tpu.memory_space<semaphore_mem>>
      %dma_start3A_119 = arith.constant 0 : i32
      %dma_start3A_120 = tpu.memref_slice %arg4[%arg0, %mul3A_118, %dma_start3A_119] : memref<2x10000x128xf32, #tpu.memory_space<hbm>> -> memref<1x625x128xf32, #tpu.memory_space<hbm>>
      %dma_start3A_121 = tpu.memref_squeeze %dma_start3A_120 : memref<1x625x128xf32, #tpu.memory_space<hbm>> -> memref<625x128xf32, #tpu.memory_space<hbm>>
      %dma_start3A_122 = arith.constant 0 : i32
      %dma_start3A_123 = tpu.memref_slice %arg13[%mul3A_116, %dma_start3A_122] : memref<10000x128xf32, #tpu.memory_space<vmem_shared>> -> memref<625x128xf32, #tpu.memory_space<vmem_shared>>
      tpu.enqueue_dma source(%dma_start3A_123 : memref<625x128xf32, #tpu.memory_space<vmem_shared>>) target(%dma_start3A_121 : memref<625x128xf32, #tpu.memory_space<hbm>>) target_semaphore(%run_scoped3A : memref<!tpu.dma_semaphore, #tpu.memory_space<semaphore_mem>>)
      %dma_wait3A_124 = arith.constant 0 : i32
      %dma_wait3A_125 = tpu.memref_slice %arg4[%arg0, %mul3A_118, %dma_wait3A_124] : memref<2x10000x128xf32, #tpu.memory_space<hbm>> -> memref<1x625x128xf32, #tpu.memory_space<hbm>>
      %dma_wait3A_126 = tpu.memref_squeeze %dma_wait3A_125 : memref<1x625x128xf32, #tpu.memory_space<hbm>> -> memref<625x128xf32, #tpu.memory_space<hbm>>
      %dma_wait3A_127 = arith.constant 0 : i32
      %dma_wait3A_128 = tpu.memref_slice %arg13[%mul3A_116, %dma_wait3A_127] : memref<10000x128xf32, #tpu.memory_space<vmem_shared>> -> memref<625x128xf32, #tpu.memory_space<vmem_shared>>
      tpu.wait_dma2 semaphore(%run_scoped3A : memref<!tpu.dma_semaphore, #tpu.memory_space<semaphore_mem>>) src(%dma_wait3A_128 : memref<625x128xf32, #tpu.memory_space<vmem_shared>>) dst(%dma_wait3A_126 : memref<625x128xf32, #tpu.memory_space<hbm>>)
      tpu.yield
    }) : () -> ()
    return
  }
}

#map = affine_map<(d0, d1) -> (0)>
#map1 = affine_map<(d0, d1) -> (0, 0)>
#map2 = affine_map<(d0, d1) -> (0, 0, 0)>
module attributes {stable_mosaic.version = 14 : i64} {
  func.func @_agg(%arg0: i32, %arg1: i32, %arg2: memref<640000xi32, #tpu.memory_space<hbm>>, %arg3: memref<10000x128xf32, #tpu.memory_space<hbm>>, %arg4: memref<2x10000x128xf32, #tpu.memory_space<hbm>>, %arg5: memref<10000xi32, #tpu.memory_space<vmem>>, %arg6: memref<10000xi32, #tpu.memory_space<vmem>>, %arg7: memref<80x128xf32, #tpu.memory_space<vmem>>, %arg8: memref<80x128xf32, #tpu.memory_space<vmem>>, %arg9: memref<80x128xf32, #tpu.memory_space<vmem>>, %arg10: memref<!tpu.dma_semaphore, #tpu.memory_space<semaphore_mem>>, %arg11: memref<!tpu.dma_semaphore, #tpu.memory_space<semaphore_mem>>, %arg12: memref<!tpu.dma_semaphore, #tpu.memory_space<semaphore_mem>>, %arg13: memref<10000x128xf32, #tpu.memory_space<vmem_shared>>) attributes {dimension_semantics = [#tpu.dimension_semantics<core_parallel>, #tpu.dimension_semantics<subcore_parallel>], iteration_bounds = array<i64: 2, 16>, scalar_prefetch = 0 : i64, scratch_operands = 9 : i64, tpu.core_type = #tpu.core_type<sc_vector_subcore>, window_params = [{transform_indices = #map}, {transform_indices = #map1}, {transform_indices = #map2}]} {
    %mul3A = arith.constant 16 : i32
    %mul3A_0 = arith.muli %arg0, %mul3A : i32
    %add3A = arith.addi %mul3A_0, %arg1 : i32
    %scan3A = arith.constant 0 : i32
    %scan3A_1 = arith.constant 80 : i32
    %scan3A_2 = arith.addi %scan3A, %scan3A_1 : i32
    %scan3A_3 = arith.constant 1 : i32
    scf.for %scan3A_119 = %scan3A to %scan3A_2 step %scan3A_3  : i32 {
      %broadcast_in_dim3A = arith.constant 0.000000e+00 : f32
      %broadcast_in_dim3A_120 = vector.broadcast %broadcast_in_dim3A : f32 to vector<16xf32>
      %swap3A = arith.index_cast %scan3A_119 : i32 to index
      %swap3A_121 = arith.constant 0 : index
      %swap3A_122 = tpu.vector_load %arg7[%swap3A, %swap3A_121] {strides = array<i32>} : memref<80x128xf32, #tpu.memory_space<vmem>>, vector<1x16xf32>,
      %swap3A_123 = vector.shape_cast %swap3A_122 : vector<1x16xf32> to vector<16xf32>
      %swap3A_124 = vector.shape_cast %broadcast_in_dim3A_120 : vector<16xf32> to vector<1x16xf32>
      tpu.vector_store %arg7[%swap3A, %swap3A_121], %swap3A_124 {strides = array<i32>} : memref<80x128xf32, #tpu.memory_space<vmem>>, vector<1x16xf32>,
      %broadcast_in_dim3A_125 = arith.constant 0.000000e+00 : f32
      %broadcast_in_dim3A_126 = vector.broadcast %broadcast_in_dim3A_125 : f32 to vector<16xf32>
      %swap3A_127 = arith.index_cast %scan3A_119 : i32 to index
      %swap3A_128 = arith.constant 16 : index
      %swap3A_129 = tpu.vector_load %arg7[%swap3A_127, %swap3A_128] {strides = array<i32>} : memref<80x128xf32, #tpu.memory_space<vmem>>, vector<1x16xf32>,
      %swap3A_130 = vector.shape_cast %swap3A_129 : vector<1x16xf32> to vector<16xf32>
      %swap3A_131 = vector.shape_cast %broadcast_in_dim3A_126 : vector<16xf32> to vector<1x16xf32>
      tpu.vector_store %arg7[%swap3A_127, %swap3A_128], %swap3A_131 {strides = array<i32>} : memref<80x128xf32, #tpu.memory_space<vmem>>, vector<1x16xf32>,
      %broadcast_in_dim3A_132 = arith.constant 0.000000e+00 : f32
      %broadcast_in_dim3A_133 = vector.broadcast %broadcast_in_dim3A_132 : f32 to vector<16xf32>
      %swap3A_134 = arith.index_cast %scan3A_119 : i32 to index
      %swap3A_135 = arith.constant 32 : index
      %swap3A_136 = tpu.vector_load %arg7[%swap3A_134, %swap3A_135] {strides = array<i32>} : memref<80x128xf32, #tpu.memory_space<vmem>>, vector<1x16xf32>,
      %swap3A_137 = vector.shape_cast %swap3A_136 : vector<1x16xf32> to vector<16xf32>
      %swap3A_138 = vector.shape_cast %broadcast_in_dim3A_133 : vector<16xf32> to vector<1x16xf32>
      tpu.vector_store %arg7[%swap3A_134, %swap3A_135], %swap3A_138 {strides = array<i32>} : memref<80x128xf32, #tpu.memory_space<vmem>>, vector<1x16xf32>,
      %broadcast_in_dim3A_139 = arith.constant 0.000000e+00 : f32
      %broadcast_in_dim3A_140 = vector.broadcast %broadcast_in_dim3A_139 : f32 to vector<16xf32>
      %swap3A_141 = arith.index_cast %scan3A_119 : i32 to index
      %swap3A_142 = arith.constant 48 : index
      %swap3A_143 = tpu.vector_load %arg7[%swap3A_141, %swap3A_142] {strides = array<i32>} : memref<80x128xf32, #tpu.memory_space<vmem>>, vector<1x16xf32>,
      %swap3A_144 = vector.shape_cast %swap3A_143 : vector<1x16xf32> to vector<16xf32>
      %swap3A_145 = vector.shape_cast %broadcast_in_dim3A_140 : vector<16xf32> to vector<1x16xf32>
      tpu.vector_store %arg7[%swap3A_141, %swap3A_142], %swap3A_145 {strides = array<i32>} : memref<80x128xf32, #tpu.memory_space<vmem>>, vector<1x16xf32>,
      %broadcast_in_dim3A_146 = arith.constant 0.000000e+00 : f32
      %broadcast_in_dim3A_147 = vector.broadcast %broadcast_in_dim3A_146 : f32 to vector<16xf32>
      %swap3A_148 = arith.index_cast %scan3A_119 : i32 to index
      %swap3A_149 = arith.constant 64 : index
      %swap3A_150 = tpu.vector_load %arg7[%swap3A_148, %swap3A_149] {strides = array<i32>} : memref<80x128xf32, #tpu.memory_space<vmem>>, vector<1x16xf32>,
      %swap3A_151 = vector.shape_cast %swap3A_150 : vector<1x16xf32> to vector<16xf32>
      %swap3A_152 = vector.shape_cast %broadcast_in_dim3A_147 : vector<16xf32> to vector<1x16xf32>
      tpu.vector_store %arg7[%swap3A_148, %swap3A_149], %swap3A_152 {strides = array<i32>} : memref<80x128xf32, #tpu.memory_space<vmem>>, vector<1x16xf32>,
      %broadcast_in_dim3A_153 = arith.constant 0.000000e+00 : f32
      %broadcast_in_dim3A_154 = vector.broadcast %broadcast_in_dim3A_153 : f32 to vector<16xf32>
      %swap3A_155 = arith.index_cast %scan3A_119 : i32 to index
      %swap3A_156 = arith.constant 80 : index
      %swap3A_157 = tpu.vector_load %arg7[%swap3A_155, %swap3A_156] {strides = array<i32>} : memref<80x128xf32, #tpu.memory_space<vmem>>, vector<1x16xf32>,
      %swap3A_158 = vector.shape_cast %swap3A_157 : vector<1x16xf32> to vector<16xf32>
      %swap3A_159 = vector.shape_cast %broadcast_in_dim3A_154 : vector<16xf32> to vector<1x16xf32>
      tpu.vector_store %arg7[%swap3A_155, %swap3A_156], %swap3A_159 {strides = array<i32>} : memref<80x128xf32, #tpu.memory_space<vmem>>, vector<1x16xf32>,
      %broadcast_in_dim3A_160 = arith.constant 0.000000e+00 : f32
      %broadcast_in_dim3A_161 = vector.broadcast %broadcast_in_dim3A_160 : f32 to vector<16xf32>
      %swap3A_162 = arith.index_cast %scan3A_119 : i32 to index
      %swap3A_163 = arith.constant 96 : index
      %swap3A_164 = tpu.vector_load %arg7[%swap3A_162, %swap3A_163] {strides = array<i32>} : memref<80x128xf32, #tpu.memory_space<vmem>>, vector<1x16xf32>,
      %swap3A_165 = vector.shape_cast %swap3A_164 : vector<1x16xf32> to vector<16xf32>
      %swap3A_166 = vector.shape_cast %broadcast_in_dim3A_161 : vector<16xf32> to vector<1x16xf32>
      tpu.vector_store %arg7[%swap3A_162, %swap3A_163], %swap3A_166 {strides = array<i32>} : memref<80x128xf32, #tpu.memory_space<vmem>>, vector<1x16xf32>,
      %broadcast_in_dim3A_167 = arith.constant 0.000000e+00 : f32
      %broadcast_in_dim3A_168 = vector.broadcast %broadcast_in_dim3A_167 : f32 to vector<16xf32>
      %swap3A_169 = arith.index_cast %scan3A_119 : i32 to index
      %swap3A_170 = arith.constant 112 : index
      %swap3A_171 = tpu.vector_load %arg7[%swap3A_169, %swap3A_170] {strides = array<i32>} : memref<80x128xf32, #tpu.memory_space<vmem>>, vector<1x16xf32>,
      %swap3A_172 = vector.shape_cast %swap3A_171 : vector<1x16xf32> to vector<16xf32>
      %swap3A_173 = vector.shape_cast %broadcast_in_dim3A_168 : vector<16xf32> to vector<1x16xf32>
      tpu.vector_store %arg7[%swap3A_169, %swap3A_170], %swap3A_173 {strides = array<i32>} : memref<80x128xf32, #tpu.memory_space<vmem>>, vector<1x16xf32>,
    }
    %scan3A_4 = arith.constant 80 : i32
    %mul3A_5 = arith.constant 625 : i32
    %mul3A_6 = arith.muli %arg1, %mul3A_5 : i32
    %add3A_7 = arith.constant 0 : i32
    %add3A_8 = arith.addi %mul3A_6, %add3A_7 : i32
    "tpu.region"() ({
      %run_scoped3A = tpu.sem_alloc : memref<!tpu.dma_semaphore, #tpu.memory_space<semaphore_mem>>
      %dma_start3A_119 = arith.constant 0 : i32
      %dma_start3A_120 = tpu.memref_slice %arg13[%add3A_8, %dma_start3A_119] : memref<10000x128xf32, #tpu.memory_space<vmem_shared>> -> memref<80x128xf32, #tpu.memory_space<vmem_shared>>
      %dma_start3A_121 = arith.constant 0 : i32
      %dma_start3A_122 = tpu.memref_slice %arg13[%add3A_8, %dma_start3A_121] : memref<10000x128xf32, #tpu.memory_space<vmem_shared>> -> memref<80x128xf32, #tpu.memory_space<vmem_shared>>
      tpu.enqueue_dma source(%arg7 : memref<80x128xf32, #tpu.memory_space<vmem>>) target(%dma_start3A_122 : memref<80x128xf32, #tpu.memory_space<vmem_shared>>) target_semaphore(%run_scoped3A : memref<!tpu.dma_semaphore, #tpu.memory_space<semaphore_mem>>)
      %dma_wait3A_123 = arith.constant 0 : i32
      %dma_wait3A_124 = tpu.memref_slice %arg13[%add3A_8, %dma_wait3A_123] : memref<10000x128xf32, #tpu.memory_space<vmem_shared>> -> memref<80x128xf32, #tpu.memory_space<vmem_shared>>
      %dma_wait3A_125 = arith.constant 0 : i32
      %dma_wait3A_126 = tpu.memref_slice %arg13[%add3A_8, %dma_wait3A_125] : memref<10000x128xf32, #tpu.memory_space<vmem_shared>> -> memref<80x128xf32, #tpu.memory_space<vmem_shared>>
      tpu.wait_dma2 semaphore(%run_scoped3A : memref<!tpu.dma_semaphore, #tpu.memory_space<semaphore_mem>>) src(%arg7 : memref<80x128xf32, #tpu.memory_space<vmem>>) dst(%dma_wait3A_126 : memref<80x128xf32, #tpu.memory_space<vmem_shared>>)
      tpu.yield
    }) : () -> ()
    %mul3A_9 = arith.constant 625 : i32
    %mul3A_10 = arith.muli %arg1, %mul3A_9 : i32
    %add3A_11 = arith.constant 80 : i32
    %add3A_12 = arith.addi %mul3A_10, %add3A_11 : i32
    "tpu.region"() ({
      %run_scoped3A = tpu.sem_alloc : memref<!tpu.dma_semaphore, #tpu.memory_space<semaphore_mem>>
      %dma_start3A_119 = arith.constant 0 : i32
      %dma_start3A_120 = tpu.memref_slice %arg13[%add3A_12, %dma_start3A_119] : memref<10000x128xf32, #tpu.memory_space<vmem_shared>> -> memref<80x128xf32, #tpu.memory_space<vmem_shared>>
      %dma_start3A_121 = arith.constant 0 : i32
      %dma_start3A_122 = tpu.memref_slice %arg13[%add3A_12, %dma_start3A_121] : memref<10000x128xf32, #tpu.memory_space<vmem_shared>> -> memref<80x128xf32, #tpu.memory_space<vmem_shared>>
      tpu.enqueue_dma source(%arg7 : memref<80x128xf32, #tpu.memory_space<vmem>>) target(%dma_start3A_122 : memref<80x128xf32, #tpu.memory_space<vmem_shared>>) target_semaphore(%run_scoped3A : memref<!tpu.dma_semaphore, #tpu.memory_space<semaphore_mem>>)
      %dma_wait3A_123 = arith.constant 0 : i32
      %dma_wait3A_124 = tpu.memref_slice %arg13[%add3A_12, %dma_wait3A_123] : memref<10000x128xf32, #tpu.memory_space<vmem_shared>> -> memref<80x128xf32, #tpu.memory_space<vmem_shared>>
      %dma_wait3A_125 = arith.constant 0 : i32
      %dma_wait3A_126 = tpu.memref_slice %arg13[%add3A_12, %dma_wait3A_125] : memref<10000x128xf32, #tpu.memory_space<vmem_shared>> -> memref<80x128xf32, #tpu.memory_space<vmem_shared>>
      tpu.wait_dma2 semaphore(%run_scoped3A : memref<!tpu.dma_semaphore, #tpu.memory_space<semaphore_mem>>) src(%arg7 : memref<80x128xf32, #tpu.memory_space<vmem>>) dst(%dma_wait3A_126 : memref<80x128xf32, #tpu.memory_space<vmem_shared>>)
      tpu.yield
    }) : () -> ()
    %mul3A_13 = arith.constant 625 : i32
    %mul3A_14 = arith.muli %arg1, %mul3A_13 : i32
    %add3A_15 = arith.constant 160 : i32
    %add3A_16 = arith.addi %mul3A_14, %add3A_15 : i32
    "tpu.region"() ({
      %run_scoped3A = tpu.sem_alloc : memref<!tpu.dma_semaphore, #tpu.memory_space<semaphore_mem>>
      %dma_start3A_119 = arith.constant 0 : i32
      %dma_start3A_120 = tpu.memref_slice %arg13[%add3A_16, %dma_start3A_119] : memref<10000x128xf32, #tpu.memory_space<vmem_shared>> -> memref<80x128xf32, #tpu.memory_space<vmem_shared>>
      %dma_start3A_121 = arith.constant 0 : i32
      %dma_start3A_122 = tpu.memref_slice %arg13[%add3A_16, %dma_start3A_121] : memref<10000x128xf32, #tpu.memory_space<vmem_shared>> -> memref<80x128xf32, #tpu.memory_space<vmem_shared>>
      tpu.enqueue_dma source(%arg7 : memref<80x128xf32, #tpu.memory_space<vmem>>) target(%dma_start3A_122 : memref<80x128xf32, #tpu.memory_space<vmem_shared>>) target_semaphore(%run_scoped3A : memref<!tpu.dma_semaphore, #tpu.memory_space<semaphore_mem>>)
      %dma_wait3A_123 = arith.constant 0 : i32
      %dma_wait3A_124 = tpu.memref_slice %arg13[%add3A_16, %dma_wait3A_123] : memref<10000x128xf32, #tpu.memory_space<vmem_shared>> -> memref<80x128xf32, #tpu.memory_space<vmem_shared>>
      %dma_wait3A_125 = arith.constant 0 : i32
      %dma_wait3A_126 = tpu.memref_slice %arg13[%add3A_16, %dma_wait3A_125] : memref<10000x128xf32, #tpu.memory_space<vmem_shared>> -> memref<80x128xf32, #tpu.memory_space<vmem_shared>>
      tpu.wait_dma2 semaphore(%run_scoped3A : memref<!tpu.dma_semaphore, #tpu.memory_space<semaphore_mem>>) src(%arg7 : memref<80x128xf32, #tpu.memory_space<vmem>>) dst(%dma_wait3A_126 : memref<80x128xf32, #tpu.memory_space<vmem_shared>>)
      tpu.yield
    }) : () -> ()
    %mul3A_17 = arith.constant 625 : i32
    %mul3A_18 = arith.muli %arg1, %mul3A_17 : i32
    %add3A_19 = arith.constant 240 : i32
    %add3A_20 = arith.addi %mul3A_18, %add3A_19 : i32
    "tpu.region"() ({
      %run_scoped3A = tpu.sem_alloc : memref<!tpu.dma_semaphore, #tpu.memory_space<semaphore_mem>>
      %dma_start3A_119 = arith.constant 0 : i32
      %dma_start3A_120 = tpu.memref_slice %arg13[%add3A_20, %dma_start3A_119] : memref<10000x128xf32, #tpu.memory_space<vmem_shared>> -> memref<80x128xf32, #tpu.memory_space<vmem_shared>>
      %dma_start3A_121 = arith.constant 0 : i32
      %dma_start3A_122 = tpu.memref_slice %arg13[%add3A_20, %dma_start3A_121] : memref<10000x128xf32, #tpu.memory_space<vmem_shared>> -> memref<80x128xf32, #tpu.memory_space<vmem_shared>>
      tpu.enqueue_dma source(%arg7 : memref<80x128xf32, #tpu.memory_space<vmem>>) target(%dma_start3A_122 : memref<80x128xf32, #tpu.memory_space<vmem_shared>>) target_semaphore(%run_scoped3A : memref<!tpu.dma_semaphore, #tpu.memory_space<semaphore_mem>>)
      %dma_wait3A_123 = arith.constant 0 : i32
      %dma_wait3A_124 = tpu.memref_slice %arg13[%add3A_20, %dma_wait3A_123] : memref<10000x128xf32, #tpu.memory_space<vmem_shared>> -> memref<80x128xf32, #tpu.memory_space<vmem_shared>>
      %dma_wait3A_125 = arith.constant 0 : i32
      %dma_wait3A_126 = tpu.memref_slice %arg13[%add3A_20, %dma_wait3A_125] : memref<10000x128xf32, #tpu.memory_space<vmem_shared>> -> memref<80x128xf32, #tpu.memory_space<vmem_shared>>
      tpu.wait_dma2 semaphore(%run_scoped3A : memref<!tpu.dma_semaphore, #tpu.memory_space<semaphore_mem>>) src(%arg7 : memref<80x128xf32, #tpu.memory_space<vmem>>) dst(%dma_wait3A_126 : memref<80x128xf32, #tpu.memory_space<vmem_shared>>)
      tpu.yield
    }) : () -> ()
    %mul3A_21 = arith.constant 625 : i32
    %mul3A_22 = arith.muli %arg1, %mul3A_21 : i32
    %add3A_23 = arith.constant 320 : i32
    %add3A_24 = arith.addi %mul3A_22, %add3A_23 : i32
    "tpu.region"() ({
      %run_scoped3A = tpu.sem_alloc : memref<!tpu.dma_semaphore, #tpu.memory_space<semaphore_mem>>
      %dma_start3A_119 = arith.constant 0 : i32
      %dma_start3A_120 = tpu.memref_slice %arg13[%add3A_24, %dma_start3A_119] : memref<10000x128xf32, #tpu.memory_space<vmem_shared>> -> memref<80x128xf32, #tpu.memory_space<vmem_shared>>
      %dma_start3A_121 = arith.constant 0 : i32
      %dma_start3A_122 = tpu.memref_slice %arg13[%add3A_24, %dma_start3A_121] : memref<10000x128xf32, #tpu.memory_space<vmem_shared>> -> memref<80x128xf32, #tpu.memory_space<vmem_shared>>
      tpu.enqueue_dma source(%arg7 : memref<80x128xf32, #tpu.memory_space<vmem>>) target(%dma_start3A_122 : memref<80x128xf32, #tpu.memory_space<vmem_shared>>) target_semaphore(%run_scoped3A : memref<!tpu.dma_semaphore, #tpu.memory_space<semaphore_mem>>)
      %dma_wait3A_123 = arith.constant 0 : i32
      %dma_wait3A_124 = tpu.memref_slice %arg13[%add3A_24, %dma_wait3A_123] : memref<10000x128xf32, #tpu.memory_space<vmem_shared>> -> memref<80x128xf32, #tpu.memory_space<vmem_shared>>
      %dma_wait3A_125 = arith.constant 0 : i32
      %dma_wait3A_126 = tpu.memref_slice %arg13[%add3A_24, %dma_wait3A_125] : memref<10000x128xf32, #tpu.memory_space<vmem_shared>> -> memref<80x128xf32, #tpu.memory_space<vmem_shared>>
      tpu.wait_dma2 semaphore(%run_scoped3A : memref<!tpu.dma_semaphore, #tpu.memory_space<semaphore_mem>>) src(%arg7 : memref<80x128xf32, #tpu.memory_space<vmem>>) dst(%dma_wait3A_126 : memref<80x128xf32, #tpu.memory_space<vmem_shared>>)
      tpu.yield
    }) : () -> ()
    %mul3A_25 = arith.constant 625 : i32
    %mul3A_26 = arith.muli %arg1, %mul3A_25 : i32
    %add3A_27 = arith.constant 400 : i32
    %add3A_28 = arith.addi %mul3A_26, %add3A_27 : i32
    "tpu.region"() ({
      %run_scoped3A = tpu.sem_alloc : memref<!tpu.dma_semaphore, #tpu.memory_space<semaphore_mem>>
      %dma_start3A_119 = arith.constant 0 : i32
      %dma_start3A_120 = tpu.memref_slice %arg13[%add3A_28, %dma_start3A_119] : memref<10000x128xf32, #tpu.memory_space<vmem_shared>> -> memref<80x128xf32, #tpu.memory_space<vmem_shared>>
      %dma_start3A_121 = arith.constant 0 : i32
      %dma_start3A_122 = tpu.memref_slice %arg13[%add3A_28, %dma_start3A_121] : memref<10000x128xf32, #tpu.memory_space<vmem_shared>> -> memref<80x128xf32, #tpu.memory_space<vmem_shared>>
      tpu.enqueue_dma source(%arg7 : memref<80x128xf32, #tpu.memory_space<vmem>>) target(%dma_start3A_122 : memref<80x128xf32, #tpu.memory_space<vmem_shared>>) target_semaphore(%run_scoped3A : memref<!tpu.dma_semaphore, #tpu.memory_space<semaphore_mem>>)
      %dma_wait3A_123 = arith.constant 0 : i32
      %dma_wait3A_124 = tpu.memref_slice %arg13[%add3A_28, %dma_wait3A_123] : memref<10000x128xf32, #tpu.memory_space<vmem_shared>> -> memref<80x128xf32, #tpu.memory_space<vmem_shared>>
      %dma_wait3A_125 = arith.constant 0 : i32
      %dma_wait3A_126 = tpu.memref_slice %arg13[%add3A_28, %dma_wait3A_125] : memref<10000x128xf32, #tpu.memory_space<vmem_shared>> -> memref<80x128xf32, #tpu.memory_space<vmem_shared>>
      tpu.wait_dma2 semaphore(%run_scoped3A : memref<!tpu.dma_semaphore, #tpu.memory_space<semaphore_mem>>) src(%arg7 : memref<80x128xf32, #tpu.memory_space<vmem>>) dst(%dma_wait3A_126 : memref<80x128xf32, #tpu.memory_space<vmem_shared>>)
      tpu.yield
    }) : () -> ()
    %mul3A_29 = arith.constant 625 : i32
    %mul3A_30 = arith.muli %arg1, %mul3A_29 : i32
    %add3A_31 = arith.constant 480 : i32
    %add3A_32 = arith.addi %mul3A_30, %add3A_31 : i32
    "tpu.region"() ({
      %run_scoped3A = tpu.sem_alloc : memref<!tpu.dma_semaphore, #tpu.memory_space<semaphore_mem>>
      %dma_start3A_119 = arith.constant 0 : i32
      %dma_start3A_120 = tpu.memref_slice %arg13[%add3A_32, %dma_start3A_119] : memref<10000x128xf32, #tpu.memory_space<vmem_shared>> -> memref<80x128xf32, #tpu.memory_space<vmem_shared>>
      %dma_start3A_121 = arith.constant 0 : i32
      %dma_start3A_122 = tpu.memref_slice %arg13[%add3A_32, %dma_start3A_121] : memref<10000x128xf32, #tpu.memory_space<vmem_shared>> -> memref<80x128xf32, #tpu.memory_space<vmem_shared>>
      tpu.enqueue_dma source(%arg7 : memref<80x128xf32, #tpu.memory_space<vmem>>) target(%dma_start3A_122 : memref<80x128xf32, #tpu.memory_space<vmem_shared>>) target_semaphore(%run_scoped3A : memref<!tpu.dma_semaphore, #tpu.memory_space<semaphore_mem>>)
      %dma_wait3A_123 = arith.constant 0 : i32
      %dma_wait3A_124 = tpu.memref_slice %arg13[%add3A_32, %dma_wait3A_123] : memref<10000x128xf32, #tpu.memory_space<vmem_shared>> -> memref<80x128xf32, #tpu.memory_space<vmem_shared>>
      %dma_wait3A_125 = arith.constant 0 : i32
      %dma_wait3A_126 = tpu.memref_slice %arg13[%add3A_32, %dma_wait3A_125] : memref<10000x128xf32, #tpu.memory_space<vmem_shared>> -> memref<80x128xf32, #tpu.memory_space<vmem_shared>>
      tpu.wait_dma2 semaphore(%run_scoped3A : memref<!tpu.dma_semaphore, #tpu.memory_space<semaphore_mem>>) src(%arg7 : memref<80x128xf32, #tpu.memory_space<vmem>>) dst(%dma_wait3A_126 : memref<80x128xf32, #tpu.memory_space<vmem_shared>>)
      tpu.yield
    }) : () -> ()
    %mul3A_33 = arith.constant 625 : i32
    %mul3A_34 = arith.muli %arg1, %mul3A_33 : i32
    %add3A_35 = arith.constant 560 : i32
    %add3A_36 = arith.addi %mul3A_34, %add3A_35 : i32
    "tpu.region"() ({
      %run_scoped3A = tpu.sem_alloc : memref<!tpu.dma_semaphore, #tpu.memory_space<semaphore_mem>>
      %dma_start3A_119 = arith.constant 0 : i32
      %dma_start3A_120 = arith.constant 0 : i32
      %dma_start3A_121 = tpu.memref_slice %arg7[%dma_start3A_119, %dma_start3A_120] : memref<80x128xf32, #tpu.memory_space<vmem>> -> memref<65x128xf32, #tpu.memory_space<vmem>>
      %dma_start3A_122 = arith.constant 0 : i32
      %dma_start3A_123 = tpu.memref_slice %arg13[%add3A_36, %dma_start3A_122] : memref<10000x128xf32, #tpu.memory_space<vmem_shared>> -> memref<65x128xf32, #tpu.memory_space<vmem_shared>>
      %dma_start3A_124 = arith.constant 0 : i32
      %dma_start3A_125 = tpu.memref_slice %arg13[%add3A_36, %dma_start3A_124] : memref<10000x128xf32, #tpu.memory_space<vmem_shared>> -> memref<65x128xf32, #tpu.memory_space<vmem_shared>>
      %dma_start3A_126 = arith.constant 0 : i32
      %dma_start3A_127 = arith.constant 0 : i32
      %dma_start3A_128 = tpu.memref_slice %arg7[%dma_start3A_126, %dma_start3A_127] : memref<80x128xf32, #tpu.memory_space<vmem>> -> memref<65x128xf32, #tpu.memory_space<vmem>>
      tpu.enqueue_dma source(%dma_start3A_128 : memref<65x128xf32, #tpu.memory_space<vmem>>) target(%dma_start3A_125 : memref<65x128xf32, #tpu.memory_space<vmem_shared>>) target_semaphore(%run_scoped3A : memref<!tpu.dma_semaphore, #tpu.memory_space<semaphore_mem>>)
      %dma_wait3A_129 = arith.constant 0 : i32
      %dma_wait3A_130 = arith.constant 0 : i32
      %dma_wait3A_131 = tpu.memref_slice %arg7[%dma_wait3A_129, %dma_wait3A_130] : memref<80x128xf32, #tpu.memory_space<vmem>> -> memref<65x128xf32, #tpu.memory_space<vmem>>
      %dma_wait3A_132 = arith.constant 0 : i32
      %dma_wait3A_133 = tpu.memref_slice %arg13[%add3A_36, %dma_wait3A_132] : memref<10000x128xf32, #tpu.memory_space<vmem_shared>> -> memref<65x128xf32, #tpu.memory_space<vmem_shared>>
      %dma_wait3A_134 = arith.constant 0 : i32
      %dma_wait3A_135 = tpu.memref_slice %arg13[%add3A_36, %dma_wait3A_134] : memref<10000x128xf32, #tpu.memory_space<vmem_shared>> -> memref<65x128xf32, #tpu.memory_space<vmem_shared>>
      %dma_wait3A_136 = arith.constant 0 : i32
      %dma_wait3A_137 = arith.constant 0 : i32
      %dma_wait3A_138 = tpu.memref_slice %arg7[%dma_wait3A_136, %dma_wait3A_137] : memref<80x128xf32, #tpu.memory_space<vmem>> -> memref<65x128xf32, #tpu.memory_space<vmem>>
      tpu.wait_dma2 semaphore(%run_scoped3A : memref<!tpu.dma_semaphore, #tpu.memory_space<semaphore_mem>>) src(%dma_wait3A_138 : memref<65x128xf32, #tpu.memory_space<vmem>>) dst(%dma_wait3A_135 : memref<65x128xf32, #tpu.memory_space<vmem_shared>>)
      tpu.yield
    }) : () -> ()
    %barrier3A = arith.constant 0 : index
    tpu.barrier barrier_id(%barrier3A)
    %mul3A_37 = arith.constant 10000 : i32
    %mul3A_38 = arith.muli %add3A, %mul3A_37 : i32
    %multiple_of3A = tpu.assume_multiple %mul3A_38, 8 : i32
    "tpu.region"() ({
      %run_scoped3A = tpu.sem_alloc : memref<!tpu.dma_semaphore, #tpu.memory_space<semaphore_mem>>
      %dma_start3A_119 = tpu.memref_slice %arg2[%multiple_of3A] : memref<640000xi32, #tpu.memory_space<hbm>> -> memref<10000xi32, #tpu.memory_space<hbm>>
      %dma_start3A_120 = tpu.memref_slice %arg2[%multiple_of3A] : memref<640000xi32, #tpu.memory_space<hbm>> -> memref<10000xi32, #tpu.memory_space<hbm>>
      tpu.enqueue_dma source(%dma_start3A_120 : memref<10000xi32, #tpu.memory_space<hbm>>) target(%arg5 : memref<10000xi32, #tpu.memory_space<vmem>>) target_semaphore(%run_scoped3A : memref<!tpu.dma_semaphore, #tpu.memory_space<semaphore_mem>>)
      %dma_wait3A_121 = tpu.memref_slice %arg2[%multiple_of3A] : memref<640000xi32, #tpu.memory_space<hbm>> -> memref<10000xi32, #tpu.memory_space<hbm>>
      %dma_wait3A_122 = tpu.memref_slice %arg2[%multiple_of3A] : memref<640000xi32, #tpu.memory_space<hbm>> -> memref<10000xi32, #tpu.memory_space<hbm>>
      tpu.wait_dma2 semaphore(%run_scoped3A : memref<!tpu.dma_semaphore, #tpu.memory_space<semaphore_mem>>) src(%dma_wait3A_122 : memref<10000xi32, #tpu.memory_space<hbm>>) dst(%arg5 : memref<10000xi32, #tpu.memory_space<vmem>>)
      tpu.yield
    }) : () -> ()
    %add3A_39 = arith.constant 320000 : i32
    %add3A_40 = arith.addi %add3A_39, %multiple_of3A : i32
    "tpu.region"() ({
      %run_scoped3A = tpu.sem_alloc : memref<!tpu.dma_semaphore, #tpu.memory_space<semaphore_mem>>
      %dma_start3A_119 = tpu.memref_slice %arg2[%add3A_40] : memref<640000xi32, #tpu.memory_space<hbm>> -> memref<10000xi32, #tpu.memory_space<hbm>>
      %dma_start3A_120 = tpu.memref_slice %arg2[%add3A_40] : memref<640000xi32, #tpu.memory_space<hbm>> -> memref<10000xi32, #tpu.memory_space<hbm>>
      tpu.enqueue_dma source(%dma_start3A_120 : memref<10000xi32, #tpu.memory_space<hbm>>) target(%arg6 : memref<10000xi32, #tpu.memory_space<vmem>>) target_semaphore(%run_scoped3A : memref<!tpu.dma_semaphore, #tpu.memory_space<semaphore_mem>>)
      %dma_wait3A_121 = tpu.memref_slice %arg2[%add3A_40] : memref<640000xi32, #tpu.memory_space<hbm>> -> memref<10000xi32, #tpu.memory_space<hbm>>
      %dma_wait3A_122 = tpu.memref_slice %arg2[%add3A_40] : memref<640000xi32, #tpu.memory_space<hbm>> -> memref<10000xi32, #tpu.memory_space<hbm>>
      tpu.wait_dma2 semaphore(%run_scoped3A : memref<!tpu.dma_semaphore, #tpu.memory_space<semaphore_mem>>) src(%dma_wait3A_122 : memref<10000xi32, #tpu.memory_space<hbm>>) dst(%arg6 : memref<10000xi32, #tpu.memory_space<vmem>>)
      tpu.yield
    }) : () -> ()
    %multiple_of3A_41 = arith.constant 0 : i32
    %multiple_of3A_42 = tpu.assume_multiple %multiple_of3A_41, 8 : i32
    %dma_start3A = tpu.memref_slice %arg5[%multiple_of3A_42] : memref<10000xi32, #tpu.memory_space<vmem>> -> memref<80xi32, #tpu.memory_space<vmem>>
    %dma_start3A_43 = arith.constant 0 : i32
    %dma_start3A_44 = arith.constant 0 : i32
    %dma_start3A_45 = tpu.memref_slice %arg3[%dma_start3A_43, %dma_start3A_44] : memref<10000x128xf32, #tpu.memory_space<hbm>> -> memref<10000x128xf32, #tpu.memory_space<hbm>>
    tpu.enqueue_indirect_dma source(%dma_start3A_45 : memref<10000x128xf32, #tpu.memory_space<hbm>>) target(%arg7 : memref<80x128xf32, #tpu.memory_space<vmem>>) offsets(%dma_start3A : memref<80xi32, #tpu.memory_space<vmem>>) semaphore(%arg10 : memref<!tpu.dma_semaphore, #tpu.memory_space<semaphore_mem>>)
    %multiple_of3A_46 = arith.constant 80 : i32
    %multiple_of3A_47 = tpu.assume_multiple %multiple_of3A_46, 8 : i32
    %dma_start3A_48 = tpu.memref_slice %arg5[%multiple_of3A_47] : memref<10000xi32, #tpu.memory_space<vmem>> -> memref<80xi32, #tpu.memory_space<vmem>>
    %dma_start3A_49 = arith.constant 0 : i32
    %dma_start3A_50 = arith.constant 0 : i32
    %dma_start3A_51 = tpu.memref_slice %arg3[%dma_start3A_49, %dma_start3A_50] : memref<10000x128xf32, #tpu.memory_space<hbm>> -> memref<10000x128xf32, #tpu.memory_space<hbm>>
    tpu.enqueue_indirect_dma source(%dma_start3A_51 : memref<10000x128xf32, #tpu.memory_space<hbm>>) target(%arg8 : memref<80x128xf32, #tpu.memory_space<vmem>>) offsets(%dma_start3A_48 : memref<80xi32, #tpu.memory_space<vmem>>) semaphore(%arg11 : memref<!tpu.dma_semaphore, #tpu.memory_space<semaphore_mem>>)
    %multiple_of3A_52 = arith.constant 160 : i32
    %multiple_of3A_53 = tpu.assume_multiple %multiple_of3A_52, 8 : i32
    %dma_start3A_54 = tpu.memref_slice %arg5[%multiple_of3A_53] : memref<10000xi32, #tpu.memory_space<vmem>> -> memref<80xi32, #tpu.memory_space<vmem>>
    %dma_start3A_55 = arith.constant 0 : i32
    %dma_start3A_56 = arith.constant 0 : i32
    %dma_start3A_57 = tpu.memref_slice %arg3[%dma_start3A_55, %dma_start3A_56] : memref<10000x128xf32, #tpu.memory_space<hbm>> -> memref<10000x128xf32, #tpu.memory_space<hbm>>
    tpu.enqueue_indirect_dma source(%dma_start3A_57 : memref<10000x128xf32, #tpu.memory_space<hbm>>) target(%arg9 : memref<80x128xf32, #tpu.memory_space<vmem>>) offsets(%dma_start3A_54 : memref<80xi32, #tpu.memory_space<vmem>>) semaphore(%arg12 : memref<!tpu.dma_semaphore, #tpu.memory_space<semaphore_mem>>)
    %scan3A_58 = arith.constant 0 : i32
    %scan3A_59 = arith.constant 40 : i32
    %scan3A_60 = arith.addi %scan3A_58, %scan3A_59 : i32
    %scan3A_61 = arith.constant 1 : i32
    scf.for %scan3A_119 = %scan3A_58 to %scan3A_60 step %scan3A_61  : i32 {
      %mul3A_120 = arith.constant 3 : i32
      %mul3A_121 = arith.muli %scan3A_119, %mul3A_120 : i32
      %add3A_122 = arith.constant 0 : i32
      %add3A_123 = arith.addi %mul3A_121, %add3A_122 : i32
      %dma_wait3A_124 = arith.constant 0 : i32
      %dma_wait3A_125 = arith.constant 0 : i32
      %dma_wait3A_126 = tpu.memref_slice %arg3[%dma_wait3A_124, %dma_wait3A_125] : memref<10000x128xf32, #tpu.memory_space<hbm>> -> memref<80x128xf32, #tpu.memory_space<hbm>>
      %dma_wait3A_127 = arith.constant 0 : i32
      %dma_wait3A_128 = arith.constant 0 : i32
      %dma_wait3A_129 = tpu.memref_slice %arg3[%dma_wait3A_127, %dma_wait3A_128] : memref<10000x128xf32, #tpu.memory_space<hbm>> -> memref<80x128xf32, #tpu.memory_space<hbm>>
      tpu.wait_dma2 semaphore(%arg10 : memref<!tpu.dma_semaphore, #tpu.memory_space<semaphore_mem>>) src(%dma_wait3A_129 : memref<80x128xf32, #tpu.memory_space<hbm>>) dst(%arg7 : memref<80x128xf32, #tpu.memory_space<vmem>>)
      %mul3A_130 = arith.constant 80 : i32
      %mul3A_131 = arith.muli %add3A_123, %mul3A_130 : i32
      %multiple_of3A_132 = tpu.assume_multiple %mul3A_131, 8 : i32
      "tpu.region"() ({
        %run_scoped3A = tpu.sem_alloc : memref<!tpu.dma_semaphore, #tpu.memory_space<semaphore_mem>>
        %dma_start3A_188 = tpu.memref_slice %arg6[%multiple_of3A_132] : memref<10000xi32, #tpu.memory_space<vmem>> -> memref<80xi32, #tpu.memory_space<vmem>>
        %dma_start3A_189 = arith.constant 0 : i32
        %dma_start3A_190 = arith.constant 0 : i32
        %dma_start3A_191 = tpu.memref_slice %arg13[%dma_start3A_189, %dma_start3A_190] : memref<10000x128xf32, #tpu.memory_space<vmem_shared>> -> memref<10000x128xf32, #tpu.memory_space<vmem_shared>>
        tpu.enqueue_indirect_dma source(%arg7 : memref<80x128xf32, #tpu.memory_space<vmem>>) target(%dma_start3A_191 : memref<10000x128xf32, #tpu.memory_space<vmem_shared>>) offsets(%dma_start3A_188 : memref<80xi32, #tpu.memory_space<vmem>>) semaphore(%run_scoped3A : memref<!tpu.dma_semaphore, #tpu.memory_space<semaphore_mem>>) {add = true}
        %dma_wait3A_192 = tpu.memref_slice %arg6[%multiple_of3A_132] : memref<10000xi32, #tpu.memory_space<vmem>> -> memref<80xi32, #tpu.memory_space<vmem>>
        %dma_wait3A_193 = arith.constant 0 : i32
        %dma_wait3A_194 = arith.constant 0 : i32
        %dma_wait3A_195 = tpu.memref_slice %arg13[%dma_wait3A_193, %dma_wait3A_194] : memref<10000x128xf32, #tpu.memory_space<vmem_shared>> -> memref<10000x128xf32, #tpu.memory_space<vmem_shared>>
        tpu.wait_indirect_dma semaphore(%run_scoped3A : memref<!tpu.dma_semaphore, #tpu.memory_space<semaphore_mem>>) src(%arg7 : memref<80x128xf32, #tpu.memory_space<vmem>>) dst(%dma_wait3A_195 : memref<10000x128xf32, #tpu.memory_space<vmem_shared>>)
        tpu.yield
      }) : () -> ()
      %add3A_133 = arith.constant 0 : i32
      %add3A_134 = arith.addi %mul3A_121, %add3A_133 : i32
      %add3A_135 = arith.constant 3 : i32
      %add3A_136 = arith.addi %add3A_134, %add3A_135 : i32
      %mul3A_137 = arith.constant 80 : i32
      %mul3A_138 = arith.muli %add3A_136, %mul3A_137 : i32
      %multiple_of3A_139 = tpu.assume_multiple %mul3A_138, 8 : i32
      %dma_start3A_140 = tpu.memref_slice %arg5[%multiple_of3A_139] : memref<10000xi32, #tpu.memory_space<vmem>> -> memref<80xi32, #tpu.memory_space<vmem>>
      %dma_start3A_141 = arith.constant 0 : i32
      %dma_start3A_142 = arith.constant 0 : i32
      %dma_start3A_143 = tpu.memref_slice %arg3[%dma_start3A_141, %dma_start3A_142] : memref<10000x128xf32, #tpu.memory_space<hbm>> -> memref<10000x128xf32, #tpu.memory_space<hbm>>
      tpu.enqueue_indirect_dma source(%dma_start3A_143 : memref<10000x128xf32, #tpu.memory_space<hbm>>) target(%arg7 : memref<80x128xf32, #tpu.memory_space<vmem>>) offsets(%dma_start3A_140 : memref<80xi32, #tpu.memory_space<vmem>>) semaphore(%arg10 : memref<!tpu.dma_semaphore, #tpu.memory_space<semaphore_mem>>)
      %add3A_144 = arith.constant 1 : i32
      %add3A_145 = arith.addi %mul3A_121, %add3A_144 : i32
      %dma_wait3A_146 = arith.constant 0 : i32
      %dma_wait3A_147 = arith.constant 0 : i32
      %dma_wait3A_148 = tpu.memref_slice %arg3[%dma_wait3A_146, %dma_wait3A_147] : memref<10000x128xf32, #tpu.memory_space<hbm>> -> memref<80x128xf32, #tpu.memory_space<hbm>>
      %dma_wait3A_149 = arith.constant 0 : i32
      %dma_wait3A_150 = arith.constant 0 : i32
      %dma_wait3A_151 = tpu.memref_slice %arg3[%dma_wait3A_149, %dma_wait3A_150] : memref<10000x128xf32, #tpu.memory_space<hbm>> -> memref<80x128xf32, #tpu.memory_space<hbm>>
      tpu.wait_dma2 semaphore(%arg11 : memref<!tpu.dma_semaphore, #tpu.memory_space<semaphore_mem>>) src(%dma_wait3A_151 : memref<80x128xf32, #tpu.memory_space<hbm>>) dst(%arg8 : memref<80x128xf32, #tpu.memory_space<vmem>>)
      %mul3A_152 = arith.constant 80 : i32
      %mul3A_153 = arith.muli %add3A_145, %mul3A_152 : i32
      %multiple_of3A_154 = tpu.assume_multiple %mul3A_153, 8 : i32
      "tpu.region"() ({
        %run_scoped3A = tpu.sem_alloc : memref<!tpu.dma_semaphore, #tpu.memory_space<semaphore_mem>>
        %dma_start3A_188 = tpu.memref_slice %arg6[%multiple_of3A_154] : memref<10000xi32, #tpu.memory_space<vmem>> -> memref<80xi32, #tpu.memory_space<vmem>>
        %dma_start3A_189 = arith.constant 0 : i32
        %dma_start3A_190 = arith.constant 0 : i32
        %dma_start3A_191 = tpu.memref_slice %arg13[%dma_start3A_189, %dma_start3A_190] : memref<10000x128xf32, #tpu.memory_space<vmem_shared>> -> memref<10000x128xf32, #tpu.memory_space<vmem_shared>>
        tpu.enqueue_indirect_dma source(%arg8 : memref<80x128xf32, #tpu.memory_space<vmem>>) target(%dma_start3A_191 : memref<10000x128xf32, #tpu.memory_space<vmem_shared>>) offsets(%dma_start3A_188 : memref<80xi32, #tpu.memory_space<vmem>>) semaphore(%run_scoped3A : memref<!tpu.dma_semaphore, #tpu.memory_space<semaphore_mem>>) {add = true}
        %dma_wait3A_192 = tpu.memref_slice %arg6[%multiple_of3A_154] : memref<10000xi32, #tpu.memory_space<vmem>> -> memref<80xi32, #tpu.memory_space<vmem>>
        %dma_wait3A_193 = arith.constant 0 : i32
        %dma_wait3A_194 = arith.constant 0 : i32
        %dma_wait3A_195 = tpu.memref_slice %arg13[%dma_wait3A_193, %dma_wait3A_194] : memref<10000x128xf32, #tpu.memory_space<vmem_shared>> -> memref<10000x128xf32, #tpu.memory_space<vmem_shared>>
        tpu.wait_indirect_dma semaphore(%run_scoped3A : memref<!tpu.dma_semaphore, #tpu.memory_space<semaphore_mem>>) src(%arg8 : memref<80x128xf32, #tpu.memory_space<vmem>>) dst(%dma_wait3A_195 : memref<10000x128xf32, #tpu.memory_space<vmem_shared>>)
        tpu.yield
      }) : () -> ()
      %add3A_155 = arith.constant 1 : i32
      %add3A_156 = arith.addi %mul3A_121, %add3A_155 : i32
      %add3A_157 = arith.constant 3 : i32
      %add3A_158 = arith.addi %add3A_156, %add3A_157 : i32
      %mul3A_159 = arith.constant 80 : i32
      %mul3A_160 = arith.muli %add3A_158, %mul3A_159 : i32
      %multiple_of3A_161 = tpu.assume_multiple %mul3A_160, 8 : i32
      %dma_start3A_162 = tpu.memref_slice %arg5[%multiple_of3A_161] : memref<10000xi32, #tpu.memory_space<vmem>> -> memref<80xi32, #tpu.memory_space<vmem>>
      %dma_start3A_163 = arith.constant 0 : i32
      %dma_start3A_164 = arith.constant 0 : i32
      %dma_start3A_165 = tpu.memref_slice %arg3[%dma_start3A_163, %dma_start3A_164] : memref<10000x128xf32, #tpu.memory_space<hbm>> -> memref<10000x128xf32, #tpu.memory_space<hbm>>
      tpu.enqueue_indirect_dma source(%dma_start3A_165 : memref<10000x128xf32, #tpu.memory_space<hbm>>) target(%arg8 : memref<80x128xf32, #tpu.memory_space<vmem>>) offsets(%dma_start3A_162 : memref<80xi32, #tpu.memory_space<vmem>>) semaphore(%arg11 : memref<!tpu.dma_semaphore, #tpu.memory_space<semaphore_mem>>)
      %add3A_166 = arith.constant 2 : i32
      %add3A_167 = arith.addi %mul3A_121, %add3A_166 : i32
      %dma_wait3A_168 = arith.constant 0 : i32
      %dma_wait3A_169 = arith.constant 0 : i32
      %dma_wait3A_170 = tpu.memref_slice %arg3[%dma_wait3A_168, %dma_wait3A_169] : memref<10000x128xf32, #tpu.memory_space<hbm>> -> memref<80x128xf32, #tpu.memory_space<hbm>>
      %dma_wait3A_171 = arith.constant 0 : i32
      %dma_wait3A_172 = arith.constant 0 : i32
      %dma_wait3A_173 = tpu.memref_slice %arg3[%dma_wait3A_171, %dma_wait3A_172] : memref<10000x128xf32, #tpu.memory_space<hbm>> -> memref<80x128xf32, #tpu.memory_space<hbm>>
      tpu.wait_dma2 semaphore(%arg12 : memref<!tpu.dma_semaphore, #tpu.memory_space<semaphore_mem>>) src(%dma_wait3A_173 : memref<80x128xf32, #tpu.memory_space<hbm>>) dst(%arg9 : memref<80x128xf32, #tpu.memory_space<vmem>>)
      %mul3A_174 = arith.constant 80 : i32
      %mul3A_175 = arith.muli %add3A_167, %mul3A_174 : i32
      %multiple_of3A_176 = tpu.assume_multiple %mul3A_175, 8 : i32
      "tpu.region"() ({
        %run_scoped3A = tpu.sem_alloc : memref<!tpu.dma_semaphore, #tpu.memory_space<semaphore_mem>>
        %dma_start3A_188 = tpu.memref_slice %arg6[%multiple_of3A_176] : memref<10000xi32, #tpu.memory_space<vmem>> -> memref<80xi32, #tpu.memory_space<vmem>>
        %dma_start3A_189 = arith.constant 0 : i32
        %dma_start3A_190 = arith.constant 0 : i32
        %dma_start3A_191 = tpu.memref_slice %arg13[%dma_start3A_189, %dma_start3A_190] : memref<10000x128xf32, #tpu.memory_space<vmem_shared>> -> memref<10000x128xf32, #tpu.memory_space<vmem_shared>>
        tpu.enqueue_indirect_dma source(%arg9 : memref<80x128xf32, #tpu.memory_space<vmem>>) target(%dma_start3A_191 : memref<10000x128xf32, #tpu.memory_space<vmem_shared>>) offsets(%dma_start3A_188 : memref<80xi32, #tpu.memory_space<vmem>>) semaphore(%run_scoped3A : memref<!tpu.dma_semaphore, #tpu.memory_space<semaphore_mem>>) {add = true}
        %dma_wait3A_192 = tpu.memref_slice %arg6[%multiple_of3A_176] : memref<10000xi32, #tpu.memory_space<vmem>> -> memref<80xi32, #tpu.memory_space<vmem>>
        %dma_wait3A_193 = arith.constant 0 : i32
        %dma_wait3A_194 = arith.constant 0 : i32
        %dma_wait3A_195 = tpu.memref_slice %arg13[%dma_wait3A_193, %dma_wait3A_194] : memref<10000x128xf32, #tpu.memory_space<vmem_shared>> -> memref<10000x128xf32, #tpu.memory_space<vmem_shared>>
        tpu.wait_indirect_dma semaphore(%run_scoped3A : memref<!tpu.dma_semaphore, #tpu.memory_space<semaphore_mem>>) src(%arg9 : memref<80x128xf32, #tpu.memory_space<vmem>>) dst(%dma_wait3A_195 : memref<10000x128xf32, #tpu.memory_space<vmem_shared>>)
        tpu.yield
      }) : () -> ()
      %add3A_177 = arith.constant 2 : i32
      %add3A_178 = arith.addi %mul3A_121, %add3A_177 : i32
      %add3A_179 = arith.constant 3 : i32
      %add3A_180 = arith.addi %add3A_178, %add3A_179 : i32
      %mul3A_181 = arith.constant 80 : i32
      %mul3A_182 = arith.muli %add3A_180, %mul3A_181 : i32
      %multiple_of3A_183 = tpu.assume_multiple %mul3A_182, 8 : i32
      %dma_start3A_184 = tpu.memref_slice %arg5[%multiple_of3A_183] : memref<10000xi32, #tpu.memory_space<vmem>> -> memref<80xi32, #tpu.memory_space<vmem>>
      %dma_start3A_185 = arith.constant 0 : i32
      %dma_start3A_186 = arith.constant 0 : i32
      %dma_start3A_187 = tpu.memref_slice %arg3[%dma_start3A_185, %dma_start3A_186] : memref<10000x128xf32, #tpu.memory_space<hbm>> -> memref<10000x128xf32, #tpu.memory_space<hbm>>
      tpu.enqueue_indirect_dma source(%dma_start3A_187 : memref<10000x128xf32, #tpu.memory_space<hbm>>) target(%arg9 : memref<80x128xf32, #tpu.memory_space<vmem>>) offsets(%dma_start3A_184 : memref<80xi32, #tpu.memory_space<vmem>>) semaphore(%arg12 : memref<!tpu.dma_semaphore, #tpu.memory_space<semaphore_mem>>)
    }
    %scan3A_62 = arith.constant 40 : i32
    %dma_wait3A = arith.constant 0 : i32
    %dma_wait3A_63 = arith.constant 0 : i32
    %dma_wait3A_64 = tpu.memref_slice %arg3[%dma_wait3A, %dma_wait3A_63] : memref<10000x128xf32, #tpu.memory_space<hbm>> -> memref<80x128xf32, #tpu.memory_space<hbm>>
    %dma_wait3A_65 = arith.constant 0 : i32
    %dma_wait3A_66 = arith.constant 0 : i32
    %dma_wait3A_67 = tpu.memref_slice %arg3[%dma_wait3A_65, %dma_wait3A_66] : memref<10000x128xf32, #tpu.memory_space<hbm>> -> memref<80x128xf32, #tpu.memory_space<hbm>>
    tpu.wait_dma2 semaphore(%arg10 : memref<!tpu.dma_semaphore, #tpu.memory_space<semaphore_mem>>) src(%dma_wait3A_67 : memref<80x128xf32, #tpu.memory_space<hbm>>) dst(%arg7 : memref<80x128xf32, #tpu.memory_space<vmem>>)
    %multiple_of3A_68 = arith.constant 9600 : i32
    %multiple_of3A_69 = tpu.assume_multiple %multiple_of3A_68, 8 : i32
    "tpu.region"() ({
      %run_scoped3A = tpu.sem_alloc : memref<!tpu.dma_semaphore, #tpu.memory_space<semaphore_mem>>
      %dma_start3A_119 = tpu.memref_slice %arg6[%multiple_of3A_69] : memref<10000xi32, #tpu.memory_space<vmem>> -> memref<80xi32, #tpu.memory_space<vmem>>
      %dma_start3A_120 = arith.constant 0 : i32
      %dma_start3A_121 = arith.constant 0 : i32
      %dma_start3A_122 = tpu.memref_slice %arg13[%dma_start3A_120, %dma_start3A_121] : memref<10000x128xf32, #tpu.memory_space<vmem_shared>> -> memref<10000x128xf32, #tpu.memory_space<vmem_shared>>
      tpu.enqueue_indirect_dma source(%arg7 : memref<80x128xf32, #tpu.memory_space<vmem>>) target(%dma_start3A_122 : memref<10000x128xf32, #tpu.memory_space<vmem_shared>>) offsets(%dma_start3A_119 : memref<80xi32, #tpu.memory_space<vmem>>) semaphore(%run_scoped3A : memref<!tpu.dma_semaphore, #tpu.memory_space<semaphore_mem>>) {add = true}
      %dma_wait3A_123 = tpu.memref_slice %arg6[%multiple_of3A_69] : memref<10000xi32, #tpu.memory_space<vmem>> -> memref<80xi32, #tpu.memory_space<vmem>>
      %dma_wait3A_124 = arith.constant 0 : i32
      %dma_wait3A_125 = arith.constant 0 : i32
      %dma_wait3A_126 = tpu.memref_slice %arg13[%dma_wait3A_124, %dma_wait3A_125] : memref<10000x128xf32, #tpu.memory_space<vmem_shared>> -> memref<10000x128xf32, #tpu.memory_space<vmem_shared>>
      tpu.wait_indirect_dma semaphore(%run_scoped3A : memref<!tpu.dma_semaphore, #tpu.memory_space<semaphore_mem>>) src(%arg7 : memref<80x128xf32, #tpu.memory_space<vmem>>) dst(%dma_wait3A_126 : memref<10000x128xf32, #tpu.memory_space<vmem_shared>>)
      tpu.yield
    }) : () -> ()
    %dma_wait3A_70 = arith.constant 0 : i32
    %dma_wait3A_71 = arith.constant 0 : i32
    %dma_wait3A_72 = tpu.memref_slice %arg3[%dma_wait3A_70, %dma_wait3A_71] : memref<10000x128xf32, #tpu.memory_space<hbm>> -> memref<80x128xf32, #tpu.memory_space<hbm>>
    %dma_wait3A_73 = arith.constant 0 : i32
    %dma_wait3A_74 = arith.constant 0 : i32
    %dma_wait3A_75 = tpu.memref_slice %arg3[%dma_wait3A_73, %dma_wait3A_74] : memref<10000x128xf32, #tpu.memory_space<hbm>> -> memref<80x128xf32, #tpu.memory_space<hbm>>
    tpu.wait_dma2 semaphore(%arg11 : memref<!tpu.dma_semaphore, #tpu.memory_space<semaphore_mem>>) src(%dma_wait3A_75 : memref<80x128xf32, #tpu.memory_space<hbm>>) dst(%arg8 : memref<80x128xf32, #tpu.memory_space<vmem>>)
    %multiple_of3A_76 = arith.constant 9680 : i32
    %multiple_of3A_77 = tpu.assume_multiple %multiple_of3A_76, 8 : i32
    "tpu.region"() ({
      %run_scoped3A = tpu.sem_alloc : memref<!tpu.dma_semaphore, #tpu.memory_space<semaphore_mem>>
      %dma_start3A_119 = tpu.memref_slice %arg6[%multiple_of3A_77] : memref<10000xi32, #tpu.memory_space<vmem>> -> memref<80xi32, #tpu.memory_space<vmem>>
      %dma_start3A_120 = arith.constant 0 : i32
      %dma_start3A_121 = arith.constant 0 : i32
      %dma_start3A_122 = tpu.memref_slice %arg13[%dma_start3A_120, %dma_start3A_121] : memref<10000x128xf32, #tpu.memory_space<vmem_shared>> -> memref<10000x128xf32, #tpu.memory_space<vmem_shared>>
      tpu.enqueue_indirect_dma source(%arg8 : memref<80x128xf32, #tpu.memory_space<vmem>>) target(%dma_start3A_122 : memref<10000x128xf32, #tpu.memory_space<vmem_shared>>) offsets(%dma_start3A_119 : memref<80xi32, #tpu.memory_space<vmem>>) semaphore(%run_scoped3A : memref<!tpu.dma_semaphore, #tpu.memory_space<semaphore_mem>>) {add = true}
      %dma_wait3A_123 = tpu.memref_slice %arg6[%multiple_of3A_77] : memref<10000xi32, #tpu.memory_space<vmem>> -> memref<80xi32, #tpu.memory_space<vmem>>
      %dma_wait3A_124 = arith.constant 0 : i32
      %dma_wait3A_125 = arith.constant 0 : i32
      %dma_wait3A_126 = tpu.memref_slice %arg13[%dma_wait3A_124, %dma_wait3A_125] : memref<10000x128xf32, #tpu.memory_space<vmem_shared>> -> memref<10000x128xf32, #tpu.memory_space<vmem_shared>>
      tpu.wait_indirect_dma semaphore(%run_scoped3A : memref<!tpu.dma_semaphore, #tpu.memory_space<semaphore_mem>>) src(%arg8 : memref<80x128xf32, #tpu.memory_space<vmem>>) dst(%dma_wait3A_126 : memref<10000x128xf32, #tpu.memory_space<vmem_shared>>)
      tpu.yield
    }) : () -> ()
    %dma_wait3A_78 = arith.constant 0 : i32
    %dma_wait3A_79 = arith.constant 0 : i32
    %dma_wait3A_80 = tpu.memref_slice %arg3[%dma_wait3A_78, %dma_wait3A_79] : memref<10000x128xf32, #tpu.memory_space<hbm>> -> memref<80x128xf32, #tpu.memory_space<hbm>>
    %dma_wait3A_81 = arith.constant 0 : i32
    %dma_wait3A_82 = arith.constant 0 : i32
    %dma_wait3A_83 = tpu.memref_slice %arg3[%dma_wait3A_81, %dma_wait3A_82] : memref<10000x128xf32, #tpu.memory_space<hbm>> -> memref<80x128xf32, #tpu.memory_space<hbm>>
    tpu.wait_dma2 semaphore(%arg12 : memref<!tpu.dma_semaphore, #tpu.memory_space<semaphore_mem>>) src(%dma_wait3A_83 : memref<80x128xf32, #tpu.memory_space<hbm>>) dst(%arg9 : memref<80x128xf32, #tpu.memory_space<vmem>>)
    %multiple_of3A_84 = arith.constant 9760 : i32
    %multiple_of3A_85 = tpu.assume_multiple %multiple_of3A_84, 8 : i32
    "tpu.region"() ({
      %run_scoped3A = tpu.sem_alloc : memref<!tpu.dma_semaphore, #tpu.memory_space<semaphore_mem>>
      %dma_start3A_119 = tpu.memref_slice %arg6[%multiple_of3A_85] : memref<10000xi32, #tpu.memory_space<vmem>> -> memref<80xi32, #tpu.memory_space<vmem>>
      %dma_start3A_120 = arith.constant 0 : i32
      %dma_start3A_121 = arith.constant 0 : i32
      %dma_start3A_122 = tpu.memref_slice %arg13[%dma_start3A_120, %dma_start3A_121] : memref<10000x128xf32, #tpu.memory_space<vmem_shared>> -> memref<10000x128xf32, #tpu.memory_space<vmem_shared>>
      tpu.enqueue_indirect_dma source(%arg9 : memref<80x128xf32, #tpu.memory_space<vmem>>) target(%dma_start3A_122 : memref<10000x128xf32, #tpu.memory_space<vmem_shared>>) offsets(%dma_start3A_119 : memref<80xi32, #tpu.memory_space<vmem>>) semaphore(%run_scoped3A : memref<!tpu.dma_semaphore, #tpu.memory_space<semaphore_mem>>) {add = true}
      %dma_wait3A_123 = tpu.memref_slice %arg6[%multiple_of3A_85] : memref<10000xi32, #tpu.memory_space<vmem>> -> memref<80xi32, #tpu.memory_space<vmem>>
      %dma_wait3A_124 = arith.constant 0 : i32
      %dma_wait3A_125 = arith.constant 0 : i32
      %dma_wait3A_126 = tpu.memref_slice %arg13[%dma_wait3A_124, %dma_wait3A_125] : memref<10000x128xf32, #tpu.memory_space<vmem_shared>> -> memref<10000x128xf32, #tpu.memory_space<vmem_shared>>
      tpu.wait_indirect_dma semaphore(%run_scoped3A : memref<!tpu.dma_semaphore, #tpu.memory_space<semaphore_mem>>) src(%arg9 : memref<80x128xf32, #tpu.memory_space<vmem>>) dst(%dma_wait3A_126 : memref<10000x128xf32, #tpu.memory_space<vmem_shared>>)
      tpu.yield
    }) : () -> ()
    %multiple_of3A_86 = arith.constant 9840 : i32
    %multiple_of3A_87 = tpu.assume_multiple %multiple_of3A_86, 8 : i32
    %dma_start3A_88 = tpu.memref_slice %arg5[%multiple_of3A_87] : memref<10000xi32, #tpu.memory_space<vmem>> -> memref<80xi32, #tpu.memory_space<vmem>>
    %dma_start3A_89 = arith.constant 0 : i32
    %dma_start3A_90 = arith.constant 0 : i32
    %dma_start3A_91 = tpu.memref_slice %arg3[%dma_start3A_89, %dma_start3A_90] : memref<10000x128xf32, #tpu.memory_space<hbm>> -> memref<10000x128xf32, #tpu.memory_space<hbm>>
    tpu.enqueue_indirect_dma source(%dma_start3A_91 : memref<10000x128xf32, #tpu.memory_space<hbm>>) target(%arg7 : memref<80x128xf32, #tpu.memory_space<vmem>>) offsets(%dma_start3A_88 : memref<80xi32, #tpu.memory_space<vmem>>) semaphore(%arg10 : memref<!tpu.dma_semaphore, #tpu.memory_space<semaphore_mem>>)
    %dma_wait3A_92 = arith.constant 0 : i32
    %dma_wait3A_93 = arith.constant 0 : i32
    %dma_wait3A_94 = tpu.memref_slice %arg3[%dma_wait3A_92, %dma_wait3A_93] : memref<10000x128xf32, #tpu.memory_space<hbm>> -> memref<80x128xf32, #tpu.memory_space<hbm>>
    %dma_wait3A_95 = arith.constant 0 : i32
    %dma_wait3A_96 = arith.constant 0 : i32
    %dma_wait3A_97 = tpu.memref_slice %arg3[%dma_wait3A_95, %dma_wait3A_96] : memref<10000x128xf32, #tpu.memory_space<hbm>> -> memref<80x128xf32, #tpu.memory_space<hbm>>
    tpu.wait_dma2 semaphore(%arg10 : memref<!tpu.dma_semaphore, #tpu.memory_space<semaphore_mem>>) src(%dma_wait3A_97 : memref<80x128xf32, #tpu.memory_space<hbm>>) dst(%arg7 : memref<80x128xf32, #tpu.memory_space<vmem>>)
    %multiple_of3A_98 = arith.constant 9840 : i32
    %multiple_of3A_99 = tpu.assume_multiple %multiple_of3A_98, 8 : i32
    "tpu.region"() ({
      %run_scoped3A = tpu.sem_alloc : memref<!tpu.dma_semaphore, #tpu.memory_space<semaphore_mem>>
      %dma_start3A_119 = tpu.memref_slice %arg6[%multiple_of3A_99] : memref<10000xi32, #tpu.memory_space<vmem>> -> memref<80xi32, #tpu.memory_space<vmem>>
      %dma_start3A_120 = arith.constant 0 : i32
      %dma_start3A_121 = arith.constant 0 : i32
      %dma_start3A_122 = tpu.memref_slice %arg13[%dma_start3A_120, %dma_start3A_121] : memref<10000x128xf32, #tpu.memory_space<vmem_shared>> -> memref<10000x128xf32, #tpu.memory_space<vmem_shared>>
      tpu.enqueue_indirect_dma source(%arg7 : memref<80x128xf32, #tpu.memory_space<vmem>>) target(%dma_start3A_122 : memref<10000x128xf32, #tpu.memory_space<vmem_shared>>) offsets(%dma_start3A_119 : memref<80xi32, #tpu.memory_space<vmem>>) semaphore(%run_scoped3A : memref<!tpu.dma_semaphore, #tpu.memory_space<semaphore_mem>>) {add = true}
      %dma_wait3A_123 = tpu.memref_slice %arg6[%multiple_of3A_99] : memref<10000xi32, #tpu.memory_space<vmem>> -> memref<80xi32, #tpu.memory_space<vmem>>
      %dma_wait3A_124 = arith.constant 0 : i32
      %dma_wait3A_125 = arith.constant 0 : i32
      %dma_wait3A_126 = tpu.memref_slice %arg13[%dma_wait3A_124, %dma_wait3A_125] : memref<10000x128xf32, #tpu.memory_space<vmem_shared>> -> memref<10000x128xf32, #tpu.memory_space<vmem_shared>>
      tpu.wait_indirect_dma semaphore(%run_scoped3A : memref<!tpu.dma_semaphore, #tpu.memory_space<semaphore_mem>>) src(%arg7 : memref<80x128xf32, #tpu.memory_space<vmem>>) dst(%dma_wait3A_126 : memref<10000x128xf32, #tpu.memory_space<vmem_shared>>)
      tpu.yield
    }) : () -> ()
    %multiple_of3A_100 = arith.constant 9920 : i32
    %multiple_of3A_101 = tpu.assume_multiple %multiple_of3A_100, 8 : i32
    %dma_start3A_102 = tpu.memref_slice %arg5[%multiple_of3A_101] : memref<10000xi32, #tpu.memory_space<vmem>> -> memref<80xi32, #tpu.memory_space<vmem>>
    %dma_start3A_103 = arith.constant 0 : i32
    %dma_start3A_104 = arith.constant 0 : i32
    %dma_start3A_105 = tpu.memref_slice %arg3[%dma_start3A_103, %dma_start3A_104] : memref<10000x128xf32, #tpu.memory_space<hbm>> -> memref<10000x128xf32, #tpu.memory_space<hbm>>
    tpu.enqueue_indirect_dma source(%dma_start3A_105 : memref<10000x128xf32, #tpu.memory_space<hbm>>) target(%arg8 : memref<80x128xf32, #tpu.memory_space<vmem>>) offsets(%dma_start3A_102 : memref<80xi32, #tpu.memory_space<vmem>>) semaphore(%arg11 : memref<!tpu.dma_semaphore, #tpu.memory_space<semaphore_mem>>)
    %dma_wait3A_106 = arith.constant 0 : i32
    %dma_wait3A_107 = arith.constant 0 : i32
    %dma_wait3A_108 = tpu.memref_slice %arg3[%dma_wait3A_106, %dma_wait3A_107] : memref<10000x128xf32, #tpu.memory_space<hbm>> -> memref<80x128xf32, #tpu.memory_space<hbm>>
    %dma_wait3A_109 = arith.constant 0 : i32
    %dma_wait3A_110 = arith.constant 0 : i32
    %dma_wait3A_111 = tpu.memref_slice %arg3[%dma_wait3A_109, %dma_wait3A_110] : memref<10000x128xf32, #tpu.memory_space<hbm>> -> memref<80x128xf32, #tpu.memory_space<hbm>>
    tpu.wait_dma2 semaphore(%arg11 : memref<!tpu.dma_semaphore, #tpu.memory_space<semaphore_mem>>) src(%dma_wait3A_111 : memref<80x128xf32, #tpu.memory_space<hbm>>) dst(%arg8 : memref<80x128xf32, #tpu.memory_space<vmem>>)
    %multiple_of3A_112 = arith.constant 9920 : i32
    %multiple_of3A_113 = tpu.assume_multiple %multiple_of3A_112, 8 : i32
    "tpu.region"() ({
      %run_scoped3A = tpu.sem_alloc : memref<!tpu.dma_semaphore, #tpu.memory_space<semaphore_mem>>
      %dma_start3A_119 = tpu.memref_slice %arg6[%multiple_of3A_113] : memref<10000xi32, #tpu.memory_space<vmem>> -> memref<80xi32, #tpu.memory_space<vmem>>
      %dma_start3A_120 = arith.constant 0 : i32
      %dma_start3A_121 = arith.constant 0 : i32
      %dma_start3A_122 = tpu.memref_slice %arg13[%dma_start3A_120, %dma_start3A_121] : memref<10000x128xf32, #tpu.memory_space<vmem_shared>> -> memref<10000x128xf32, #tpu.memory_space<vmem_shared>>
      tpu.enqueue_indirect_dma source(%arg8 : memref<80x128xf32, #tpu.memory_space<vmem>>) target(%dma_start3A_122 : memref<10000x128xf32, #tpu.memory_space<vmem_shared>>) offsets(%dma_start3A_119 : memref<80xi32, #tpu.memory_space<vmem>>) semaphore(%run_scoped3A : memref<!tpu.dma_semaphore, #tpu.memory_space<semaphore_mem>>) {add = true}
      %dma_wait3A_123 = tpu.memref_slice %arg6[%multiple_of3A_113] : memref<10000xi32, #tpu.memory_space<vmem>> -> memref<80xi32, #tpu.memory_space<vmem>>
      %dma_wait3A_124 = arith.constant 0 : i32
      %dma_wait3A_125 = arith.constant 0 : i32
      %dma_wait3A_126 = tpu.memref_slice %arg13[%dma_wait3A_124, %dma_wait3A_125] : memref<10000x128xf32, #tpu.memory_space<vmem_shared>> -> memref<10000x128xf32, #tpu.memory_space<vmem_shared>>
      tpu.wait_indirect_dma semaphore(%run_scoped3A : memref<!tpu.dma_semaphore, #tpu.memory_space<semaphore_mem>>) src(%arg8 : memref<80x128xf32, #tpu.memory_space<vmem>>) dst(%dma_wait3A_126 : memref<10000x128xf32, #tpu.memory_space<vmem_shared>>)
      tpu.yield
    }) : () -> ()
    %barrier3A_114 = arith.constant 0 : index
    tpu.barrier barrier_id(%barrier3A_114)
    %mul3A_115 = arith.constant 625 : i32
    %mul3A_116 = arith.muli %arg1, %mul3A_115 : i32
    %mul3A_117 = arith.constant 625 : i32
    %mul3A_118 = arith.muli %arg1, %mul3A_117 : i32
    "tpu.region"() ({
      %run_scoped3A = tpu.sem_alloc : memref<!tpu.dma_semaphore, #tpu.memory_space<semaphore_mem>>
      %dma_start3A_119 = arith.constant 0 : i32
      %dma_start3A_120 = tpu.memref_slice %arg4[%arg0, %mul3A_118, %dma_start3A_119] : memref<2x10000x128xf32, #tpu.memory_space<hbm>> -> memref<1x625x128xf32, #tpu.memory_space<hbm>>
      %dma_start3A_121 = tpu.memref_squeeze %dma_start3A_120 : memref<1x625x128xf32, #tpu.memory_space<hbm>> -> memref<625x128xf32, #tpu.memory_space<hbm>>
      %dma_start3A_122 = arith.constant 0 : i32
      %dma_start3A_123 = tpu.memref_slice %arg13[%mul3A_116, %dma_start3A_122] : memref<10000x128xf32, #tpu.memory_space<vmem_shared>> -> memref<625x128xf32, #tpu.memory_space<vmem_shared>>
      tpu.enqueue_dma source(%dma_start3A_123 : memref<625x128xf32, #tpu.memory_space<vmem_shared>>) target(%dma_start3A_121 : memref<625x128xf32, #tpu.memory_space<hbm>>) target_semaphore(%run_scoped3A : memref<!tpu.dma_semaphore, #tpu.memory_space<semaphore_mem>>)
      %dma_wait3A_124 = arith.constant 0 : i32
      %dma_wait3A_125 = tpu.memref_slice %arg4[%arg0, %mul3A_118, %dma_wait3A_124] : memref<2x10000x128xf32, #tpu.memory_space<hbm>> -> memref<1x625x128xf32, #tpu.memory_space<hbm>>
      %dma_wait3A_126 = tpu.memref_squeeze %dma_wait3A_125 : memref<1x625x128xf32, #tpu.memory_space<hbm>> -> memref<625x128xf32, #tpu.memory_space<hbm>>
      %dma_wait3A_127 = arith.constant 0 : i32
      %dma_wait3A_128 = tpu.memref_slice %arg13[%mul3A_116, %dma_wait3A_127] : memref<10000x128xf32, #tpu.memory_space<vmem_shared>> -> memref<625x128xf32, #tpu.memory_space<vmem_shared>>
      tpu.wait_dma2 semaphore(%run_scoped3A : memref<!tpu.dma_semaphore, #tpu.memory_space<semaphore_mem>>) src(%dma_wait3A_128 : memref<625x128xf32, #tpu.memory_space<vmem_shared>>) dst(%dma_wait3A_126 : memref<625x128xf32, #tpu.memory_space<hbm>>)
      tpu.yield
    }) : () -> ()
    return
  }
}

module attributes {stable_mosaic.version = 14 : i64} {
  func.func @_mm1_body(%arg0: i32, %arg1: memref<2x2048x128xf32, #tpu.memory_space<vmem>>, %arg2: memref<2x2x2048xf32, #tpu.memory_space<vmem>>, %arg3: memref<128x128xf32, #tpu.memory_space<vmem>>, %arg4: memref<2048x128xf32, #tpu.memory_space<vmem>>) attributes {dimension_semantics = [#tpu.dimension_semantics<arbitrary>], iteration_bounds = array<i64: 5>, scalar_prefetch = 0 : i64, scratch_operands = 0 : i64, tpu.core_type = #tpu.core_type<tc>, window_params = [{transform_indices = @transform_0, window_bounds = array<i64: 2, 2048, 128>}, {transform_indices = @transform_1, window_bounds = array<i64: 2, 2, 2048>}, {pipeline_mode = #tpu.pipeline_mode<synchronous>, transform_indices = @transform_2, window_bounds = array<i64: 128, 128>}, {transform_indices = @transform_3, window_bounds = array<i64: 2048, 128>}]} {
    %get3A = arith.constant 0 : index
    %get3A_0 = arith.constant 0 : index
    %get3A_1 = arith.constant 0 : index
    %get3A_2 = vector.load %arg2[%get3A, %get3A_0, %get3A_1] : memref<2x2x2048xf32, #tpu.memory_space<vmem>>, vector<1x2x2048xf32>
    %get3A_3 = vector.shape_cast %get3A_2 : vector<1x2x2048xf32> to vector<2x2048xf32>
    %get3A_4 = arith.constant 1 : index
    %get3A_5 = arith.constant 0 : index
    %get3A_6 = arith.constant 0 : index
    %get3A_7 = vector.load %arg2[%get3A_4, %get3A_5, %get3A_6] : memref<2x2x2048xf32, #tpu.memory_space<vmem>>, vector<1x2x2048xf32>
    %get3A_8 = vector.shape_cast %get3A_7 : vector<1x2x2048xf32> to vector<2x2048xf32>
    %add3A = arith.addf %get3A_3, %get3A_8 : vector<2x2048xf32>
    %max3A = arith.constant 1.000000e+00 : f32
    %max3A_9 = vector.broadcast %max3A : f32 to vector<2x2048xf32>
    %max3A_10 = arith.maximumf %add3A, %max3A_9 : vector<2x2048xf32>
    %rsqrt3A = math.rsqrt %max3A_10 : vector<2x2048xf32>
    %transpose3A = tpu.transpose %rsqrt3A, [1, 0] : vector<2x2048xf32> -> vector<2048x2xf32>
    %slice3A = vector.extract_strided_slice %transpose3A {offsets = [0, 0], sizes = [2048, 1], strides = [1, 1]} : vector<2048x2xf32> to vector<2048x1xf32>
    %slice3A_11 = vector.extract_strided_slice %transpose3A {offsets = [0, 1], sizes = [2048, 1], strides = [1, 1]} : vector<2048x2xf32> to vector<2048x1xf32>
    %get3A_12 = arith.constant 0 : index
    %get3A_13 = arith.constant 0 : index
    %get3A_14 = arith.constant 0 : index
    %get3A_15 = vector.load %arg1[%get3A_12, %get3A_13, %get3A_14] : memref<2x2048x128xf32, #tpu.memory_space<vmem>>, vector<1x2048x128xf32>
    %get3A_16 = vector.shape_cast %get3A_15 : vector<1x2048x128xf32> to vector<2048x128xf32>
    %get3A_17 = arith.constant 1 : index
    %get3A_18 = arith.constant 0 : index
    %get3A_19 = arith.constant 0 : index
    %get3A_20 = vector.load %arg1[%get3A_17, %get3A_18, %get3A_19] : memref<2x2048x128xf32, #tpu.memory_space<vmem>>, vector<1x2048x128xf32>
    %get3A_21 = vector.shape_cast %get3A_20 : vector<1x2048x128xf32> to vector<2048x128xf32>
    %add3A_22 = arith.addf %get3A_16, %get3A_21 : vector<2048x128xf32>
    %mul3A = vector.broadcast %slice3A_11 : vector<2048x1xf32> to vector<2048x128xf32>
    %mul3A_23 = arith.mulf %add3A_22, %mul3A : vector<2048x128xf32>
    %get3A_24 = arith.constant 0 : index
    %get3A_25 = arith.constant 0 : index
    %get3A_26 = vector.load %arg3[%get3A_24, %get3A_25] : memref<128x128xf32, #tpu.memory_space<vmem>>, vector<128x128xf32>
    %dot_general3A = arith.constant dense<0.000000e+00> : vector<2048x128xf32>
    %dot_general3A_27 = tpu.matmul %mul3A_23, %get3A_26, %dot_general3A {dimension_numbers = #tpu.dot_dimension_numbers<[1], [0], [0], [1], [0, 0, 1, 1], [], []>, transpose_lhs_hint = false} : vector<2048x128xf32>, vector<128x128xf32>, vector<2048x128xf32> -> vector<2048x128xf32>
    %max3A_28 = arith.constant 0.000000e+00 : f32
    %max3A_29 = vector.broadcast %max3A_28 : f32 to vector<2048x128xf32>
    %max3A_30 = arith.maximumf %dot_general3A_27, %max3A_29 : vector<2048x128xf32>
    %mul3A_31 = vector.broadcast %slice3A : vector<2048x1xf32> to vector<2048x128xf32>
    %mul3A_32 = arith.mulf %max3A_30, %mul3A_31 : vector<2048x128xf32>
    %swap3A = arith.constant 0 : index
    %swap3A_33 = arith.constant 0 : index
    %swap3A_34 = vector.load %arg4[%swap3A, %swap3A_33] : memref<2048x128xf32, #tpu.memory_space<vmem>>, vector<2048x128xf32>
    tpu.vector_store %arg4[%swap3A, %swap3A_33], %mul3A_32 {strides = array<i32>} : memref<2048x128xf32, #tpu.memory_space<vmem>>, vector<2048x128xf32>,
    return
  }
  func.func @transform_0(%arg0: i32) -> (i32, i32, i32) {
    %c0_i32 = arith.constant 0 : i32
    %c0_i32_0 = arith.constant 0 : i32
    %c0_i32_1 = arith.constant 0 : i32
    return %c0_i32, %arg0, %c0_i32_0 : i32, i32, i32
  }
  func.func @transform_1(%arg0: i32) -> (i32, i32, i32) {
    %c0_i32 = arith.constant 0 : i32
    %c0_i32_0 = arith.constant 0 : i32
    %c0_i32_1 = arith.constant 0 : i32
    return %c0_i32, %c0_i32_0, %arg0 : i32, i32, i32
  }
  func.func @transform_2(%arg0: i32) -> (i32, i32) {
    %c0_i32 = arith.constant 0 : i32
    %c0_i32_0 = arith.constant 0 : i32
    %c0_i32_1 = arith.constant 0 : i32
    return %c0_i32, %c0_i32_0 : i32, i32
  }
  func.func @transform_3(%arg0: i32) -> (i32, i32) {
    %c0_i32 = arith.constant 0 : i32
    %c0_i32_0 = arith.constant 0 : i32
    return %arg0, %c0_i32 : i32, i32
  }
}

module attributes {stable_mosaic.version = 14 : i64} {
  func.func @_prescale_body(%arg0: i32, %arg1: memref<2048x128xf32, #tpu.memory_space<vmem>>, %arg2: memref<2x2x2048xf32, #tpu.memory_space<vmem>>, %arg3: memref<2048x128xf32, #tpu.memory_space<vmem>>) attributes {dimension_semantics = [#tpu.dimension_semantics<arbitrary>], iteration_bounds = array<i64: 5>, scalar_prefetch = 0 : i64, scratch_operands = 0 : i64, tpu.core_type = #tpu.core_type<tc>, window_params = [{transform_indices = @transform_0, window_bounds = array<i64: 2048, 128>}, {transform_indices = @transform_1, window_bounds = array<i64: 2, 2, 2048>}, {transform_indices = @transform_2, window_bounds = array<i64: 2048, 128>}]} {
    %get3A = arith.constant 0 : index
    %get3A_0 = arith.constant 0 : index
    %get3A_1 = arith.constant 0 : index
    %get3A_2 = vector.load %arg2[%get3A, %get3A_0, %get3A_1] : memref<2x2x2048xf32, #tpu.memory_space<vmem>>, vector<1x2x2048xf32>
    %get3A_3 = vector.shape_cast %get3A_2 : vector<1x2x2048xf32> to vector<2x2048xf32>
    %get3A_4 = arith.constant 1 : index
    %get3A_5 = arith.constant 0 : index
    %get3A_6 = arith.constant 0 : index
    %get3A_7 = vector.load %arg2[%get3A_4, %get3A_5, %get3A_6] : memref<2x2x2048xf32, #tpu.memory_space<vmem>>, vector<1x2x2048xf32>
    %get3A_8 = vector.shape_cast %get3A_7 : vector<1x2x2048xf32> to vector<2x2048xf32>
    %add3A = arith.addf %get3A_3, %get3A_8 : vector<2x2048xf32>
    %max3A = arith.constant 1.000000e+00 : f32
    %max3A_9 = vector.broadcast %max3A : f32 to vector<2x2048xf32>
    %max3A_10 = arith.maximumf %add3A, %max3A_9 : vector<2x2048xf32>
    %rsqrt3A = math.rsqrt %max3A_10 : vector<2x2048xf32>
    %transpose3A = tpu.transpose %rsqrt3A, [1, 0] : vector<2x2048xf32> -> vector<2048x2xf32>
    %slice3A = vector.extract_strided_slice %transpose3A {offsets = [0, 0], sizes = [2048, 1], strides = [1, 1]} : vector<2048x2xf32> to vector<2048x1xf32>
    %get3A_11 = arith.constant 0 : index
    %get3A_12 = arith.constant 0 : index
    %get3A_13 = vector.load %arg1[%get3A_11, %get3A_12] : memref<2048x128xf32, #tpu.memory_space<vmem>>, vector<2048x128xf32>
    %mul3A = vector.broadcast %slice3A : vector<2048x1xf32> to vector<2048x128xf32>
    %mul3A_14 = arith.mulf %get3A_13, %mul3A : vector<2048x128xf32>
    %swap3A = arith.constant 0 : index
    %swap3A_15 = arith.constant 0 : index
    %swap3A_16 = vector.load %arg3[%swap3A, %swap3A_15] : memref<2048x128xf32, #tpu.memory_space<vmem>>, vector<2048x128xf32>
    tpu.vector_store %arg3[%swap3A, %swap3A_15], %mul3A_14 {strides = array<i32>} : memref<2048x128xf32, #tpu.memory_space<vmem>>, vector<2048x128xf32>,
    return
  }
  func.func @transform_0(%arg0: i32) -> (i32, i32) {
    %c0_i32 = arith.constant 0 : i32
    %c0_i32_0 = arith.constant 0 : i32
    return %arg0, %c0_i32 : i32, i32
  }
  func.func @transform_1(%arg0: i32) -> (i32, i32, i32) {
    %c0_i32 = arith.constant 0 : i32
    %c0_i32_0 = arith.constant 0 : i32
    %c0_i32_1 = arith.constant 0 : i32
    return %c0_i32, %c0_i32_0, %arg0 : i32, i32, i32
  }
  func.func @transform_2(%arg0: i32) -> (i32, i32) {
    %c0_i32 = arith.constant 0 : i32
    %c0_i32_0 = arith.constant 0 : i32
    return %arg0, %c0_i32 : i32, i32
  }
}

module attributes {stable_mosaic.version = 14 : i64} {
  func.func @_mm2_body(%arg0: i32, %arg1: memref<2x2048x128xf32, #tpu.memory_space<vmem>>, %arg2: memref<2x2x2048xf32, #tpu.memory_space<vmem>>, %arg3: memref<128x128xf32, #tpu.memory_space<vmem>>, %arg4: memref<2048x128xf32, #tpu.memory_space<vmem>>) attributes {dimension_semantics = [#tpu.dimension_semantics<arbitrary>], iteration_bounds = array<i64: 5>, scalar_prefetch = 0 : i64, scratch_operands = 0 : i64, tpu.core_type = #tpu.core_type<tc>, window_params = [{transform_indices = @transform_0, window_bounds = array<i64: 2, 2048, 128>}, {transform_indices = @transform_1, window_bounds = array<i64: 2, 2, 2048>}, {pipeline_mode = #tpu.pipeline_mode<synchronous>, transform_indices = @transform_2, window_bounds = array<i64: 128, 128>}, {transform_indices = @transform_3, window_bounds = array<i64: 2048, 128>}]} {
    %get3A = arith.constant 0 : index
    %get3A_0 = arith.constant 0 : index
    %get3A_1 = arith.constant 0 : index
    %get3A_2 = vector.load %arg2[%get3A, %get3A_0, %get3A_1] : memref<2x2x2048xf32, #tpu.memory_space<vmem>>, vector<1x2x2048xf32>
    %get3A_3 = vector.shape_cast %get3A_2 : vector<1x2x2048xf32> to vector<2x2048xf32>
    %get3A_4 = arith.constant 1 : index
    %get3A_5 = arith.constant 0 : index
    %get3A_6 = arith.constant 0 : index
    %get3A_7 = vector.load %arg2[%get3A_4, %get3A_5, %get3A_6] : memref<2x2x2048xf32, #tpu.memory_space<vmem>>, vector<1x2x2048xf32>
    %get3A_8 = vector.shape_cast %get3A_7 : vector<1x2x2048xf32> to vector<2x2048xf32>
    %add3A = arith.addf %get3A_3, %get3A_8 : vector<2x2048xf32>
    %max3A = arith.constant 1.000000e+00 : f32
    %max3A_9 = vector.broadcast %max3A : f32 to vector<2x2048xf32>
    %max3A_10 = arith.maximumf %add3A, %max3A_9 : vector<2x2048xf32>
    %rsqrt3A = math.rsqrt %max3A_10 : vector<2x2048xf32>
    %transpose3A = tpu.transpose %rsqrt3A, [1, 0] : vector<2x2048xf32> -> vector<2048x2xf32>
    %slice3A = vector.extract_strided_slice %transpose3A {offsets = [0, 1], sizes = [2048, 1], strides = [1, 1]} : vector<2048x2xf32> to vector<2048x1xf32>
    %get3A_11 = arith.constant 0 : index
    %get3A_12 = arith.constant 0 : index
    %get3A_13 = arith.constant 0 : index
    %get3A_14 = vector.load %arg1[%get3A_11, %get3A_12, %get3A_13] : memref<2x2048x128xf32, #tpu.memory_space<vmem>>, vector<1x2048x128xf32>
    %get3A_15 = vector.shape_cast %get3A_14 : vector<1x2048x128xf32> to vector<2048x128xf32>
    %get3A_16 = arith.constant 1 : index
    %get3A_17 = arith.constant 0 : index
    %get3A_18 = arith.constant 0 : index
    %get3A_19 = vector.load %arg1[%get3A_16, %get3A_17, %get3A_18] : memref<2x2048x128xf32, #tpu.memory_space<vmem>>, vector<1x2048x128xf32>
    %get3A_20 = vector.shape_cast %get3A_19 : vector<1x2048x128xf32> to vector<2048x128xf32>
    %add3A_21 = arith.addf %get3A_15, %get3A_20 : vector<2048x128xf32>
    %mul3A = vector.broadcast %slice3A : vector<2048x1xf32> to vector<2048x128xf32>
    %mul3A_22 = arith.mulf %add3A_21, %mul3A : vector<2048x128xf32>
    %get3A_23 = arith.constant 0 : index
    %get3A_24 = arith.constant 0 : index
    %get3A_25 = vector.load %arg3[%get3A_23, %get3A_24] : memref<128x128xf32, #tpu.memory_space<vmem>>, vector<128x128xf32>
    %dot_general3A = arith.constant dense<0.000000e+00> : vector<2048x128xf32>
    %dot_general3A_26 = tpu.matmul %mul3A_22, %get3A_25, %dot_general3A {dimension_numbers = #tpu.dot_dimension_numbers<[1], [0], [0], [1], [0, 0, 1, 1], [], []>, transpose_lhs_hint = false} : vector<2048x128xf32>, vector<128x128xf32>, vector<2048x128xf32> -> vector<2048x128xf32>
    %swap3A = arith.constant 0 : index
    %swap3A_27 = arith.constant 0 : index
    %swap3A_28 = vector.load %arg4[%swap3A, %swap3A_27] : memref<2048x128xf32, #tpu.memory_space<vmem>>, vector<2048x128xf32>
    tpu.vector_store %arg4[%swap3A, %swap3A_27], %dot_general3A_26 {strides = array<i32>} : memref<2048x128xf32, #tpu.memory_space<vmem>>, vector<2048x128xf32>,
    return
  }
  func.func @transform_0(%arg0: i32) -> (i32, i32, i32) {
    %c0_i32 = arith.constant 0 : i32
    %c0_i32_0 = arith.constant 0 : i32
    %c0_i32_1 = arith.constant 0 : i32
    return %c0_i32, %arg0, %c0_i32_0 : i32, i32, i32
  }
  func.func @transform_1(%arg0: i32) -> (i32, i32, i32) {
    %c0_i32 = arith.constant 0 : i32
    %c0_i32_0 = arith.constant 0 : i32
    %c0_i32_1 = arith.constant 0 : i32
    return %c0_i32, %c0_i32_0, %arg0 : i32, i32, i32
  }
  func.func @transform_2(%arg0: i32) -> (i32, i32) {
    %c0_i32 = arith.constant 0 : i32
    %c0_i32_0 = arith.constant 0 : i32
    %c0_i32_1 = arith.constant 0 : i32
    return %c0_i32, %c0_i32_0 : i32, i32
  }
  func.func @transform_3(%arg0: i32) -> (i32, i32) {
    %c0_i32 = arith.constant 0 : i32
    %c0_i32_0 = arith.constant 0 : i32
    return %arg0, %c0_i32 : i32, i32
  }
}

</mosaic_0001>

<sc_bundles>
// kernel: kernel.11.cloned.1.call-start
scs
__scs_entry_jumppad:
0x0: {  	(pc) =	sbr.rel $0x88, $3  }
0x1: {  	(tag) =	ssettag $0x0;
	lr =	simm.s32 $0x1  }
0x2: {  	[smem:$0x3F9D] =	sst lr;
	_ =	strace $0xD0000000  }
0x3: {  	_ = 	snop  }
0x4: {  	_ = 	snop  }
0x5: {  	_ = 	snop  }
0x6: {  	_ = 	snop  }
0x7: {  	_ = 	snop  }
__scs_overlays_trampoline_lowered:
0x8: {  	[smem:$0x3FAC] =	sst s0  }
0x9: {  	[smem:$0x3FAD] =	sst s1  }
0xa: {  	[smem:$0x3FAE] =	sst s2  }
0xb: {  	[smem:$0x3FAF] =	sst s3  }
0xc: {  	[smem:$0x3FB0] =	sst s4  }
0xd: {  	[smem:$0x3FB1] =	sst s5  }
0xe: {  	[smem:$0x3FB2] =	sst s6  }
0xf: {  	[smem:$0x3FB3] =	sst s7  }
0x10: {  	[smem:$0x3FB4] =	sst s8  }
0x11: {  	[smem:$0x3FB5] =	sst s9;
	s0 =	simm.s32 @!p0 $0x0  }
0x12: {  	s1 =	sld [smem:$0x3F9B];
	s0 =	simm.s32 @p0 $0x1  }
0x13: {  	[smem:$0x3FB6] =	sst s0;
	s0 =	simm.s32 @!p1 $0x0  }
0x14: {  	s2 =	sld [smem:$0x3F9A];
	s0 =	simm.s32 @p1 $0x1  }
0x15: {  	[smem:$0x3FB7] =	sst s0;
	s0 =	simm.s32 @!p2 $0x0  }
0x16: {  	s3 =	sld [smem:$0x3FDB];
	s0 =	simm.s32 @p2 $0x1  }
0x17: {  	s4 =	simm.s32 $0x1BF5;
	[smem:$0x3FB9] =	sst s0  }
0x18: {  	s0 =	sld [smem:$0x3F9C];
	_ =	swait.ge [sflag:s4], $0x0  }
0x19: {  	s7 =	sld [smem:$0x3F9D]  }
0x1a: {  	s8 =	sadd.s32 $0xFFFFE003, lr  }
0x1b: {  	s9 =	sadd.s32 $0xFFFFFEF7, lr;
	s5 =	simm.s32 $0xFFFFFFFF;
	p2 =	slt.u32 s8, $0xFFFFF086  }
0x1c: {  	p1 =	slt.u32 s9, $0xF7A;
	s5 =	simm.s32 @!p2 $0x0  }
0x1d: {  	s5 =	simm.s32 @p1 $0x1;
	p0 =	seq.s32 s7, s2  }
0x1e: {  	s7 =	smul.u32 @!p0 $0xF7A, s2;
	p2 =	seq.s32 @!p0 s5, $0x0  }
0x1f: {  	s9 =	smul.u32 $0xF7A, s1;
	s8 =	simm.s32 @!p0 $0x1BF5;
	p2 =	por !p2, p0  }
0x20: {  	[sflag:s8] =	ssyncset.s32 @!p0 $0xFFFFF086;
	s6 =	sadd.s32 @!p0 s3, s7;
	s7 =	simm.s32 @!p0 $0x108  }
0x21: {  	s3 =	sadd.s32 s3, s9;
	s6 =	sadd.s32 @!p0 $0x88, s6;
	s7 =	simm.s32 @p2 $0x1082  }
0x22: {  	[simem:s7], [sflag:s8] =	dma.local @!p0 [hbm:s6], $0xF7A  }
0x23: {  	s9 =	sor.u32 $0xD0000000, s2;
	s6 =	simm.s32 $0x108;
	_ =	swait.ge @!p0 [sflag:s8], $0x0  }
0x24: {  	s3 =	sadd.s32 $0x88, s3;
	s6 =	simm.s32 @!p1 $0x1082;
	[sflag:s4] =	ssyncset.s32 $0xFFFFF086  }
0x25: {  	[simem:s6], [sflag:s4] =	dma.local [hbm:s3], $0xF7A  }
0x26: {  	[smem:$0x3F9D] =	sst s1;
	(tag) =	ssettag s2;
	_ =	strace s9  }
0x27: {  	s1 =	sld [smem:$0x3FAD]  }
0x28: {  	s2 =	sld [smem:$0x3FAE]  }
0x29: {  	s4 =	sld [smem:$0x3FB0]  }
0x2a: {  	p0 =	seq.s32 s5, $0x0;
	s5 =	sld [smem:$0x3FB1]  }
0x2b: {  	s6 =	sld [smem:$0x3FB2]  }
0x2c: {  	s7 =	sld [smem:$0x3FB3]  }
0x2d: {  	s3 =	simm.s32 $0x108;
	s8 =	sld [smem:$0x3FB4]  }
0x2e: {  	s3 =	simm.s32 @!p0 $0x1082;
	s9 =	sld [smem:$0x3FB5]  }
0x2f: {  	lr =	sadd.s32 s0, s3;
	s0 =	sld [smem:$0x3FAC]  }
0x30: {  	s3 =	sld [smem:$0x3FAF]  }
0x31: {  	[smem:$0x3FB8] =	sst s10  }
0x32: {  	s10 =	sld [smem:$0x3FB6];
	_ =	sdelay $0x3  }
0x33: {  	p0 =	seq.s32 s10, $0x1;
	s10 =	sld [smem:$0x3FB8];
	_ =	sdelay $0x3  }
0x34: {  	[smem:$0x3FB8] =	sst s10  }
0x35: {  	s10 =	sld [smem:$0x3FB7];
	_ =	sdelay $0x3  }
0x36: {  	p1 =	seq.s32 s10, $0x1;
	s10 =	sld [smem:$0x3FB8];
	_ =	sdelay $0x3  }
0x37: {  	[smem:$0x3FB8] =	sst s10  }
0x38: {  	s10 =	sld [smem:$0x3FB9]  }
0x39: {  	_ = 	snop;
	(pc) =	sbr.ind lr, $3  }
0x3a: {  	_ = 	snop  }
0x3b: {  	_ = 	snop  }
0x3c: {  	p2 =	seq.s32 s10, $0x1;
	s10 =	sld [smem:$0x3FB8]  }
0x3d: {  	_ =	shalt  }
0x3e: {  	_ =	shalt  }
0x3f: {  	_ =	shalt  }
0x40: {  	_ =	shalt  }
0x41: {  	_ =	shalt  }
0x42: {  	_ =	shalt  }
0x43: {  	_ =	shalt  }
0x44: {  	_ =	shalt  }
0x45: {  	_ =	shalt  }
0x46: {  	_ =	shalt  }
0x47: {  	_ =	shalt  }
0x48: {  	_ =	shalt  }
0x49: {  	_ =	shalt  }
0x4a: {  	_ =	shalt  }
0x4b: {  	_ =	shalt  }
0x4c: {  	_ =	shalt  }
0x4d: {  	_ =	shalt  }
0x4e: {  	_ =	shalt  }
0x4f: {  	_ =	shalt  }
0x50: {  	_ =	shalt  }
0x51: {  	_ =	shalt  }
0x52: {  	_ =	shalt  }
0x53: {  	_ =	shalt  }
0x54: {  	_ =	shalt  }
0x55: {  	_ =	shalt  }
0x56: {  	_ =	shalt  }
0x57: {  	_ =	shalt  }
0x58: {  	_ =	shalt  }
0x59: {  	_ =	shalt  }
0x5a: {  	_ =	shalt  }
0x5b: {  	_ =	shalt  }
0x5c: {  	_ =	shalt  }
0x5d: {  	_ =	shalt  }
0x5e: {  	_ =	shalt  }
0x5f: {  	_ =	shalt  }
0x60: {  	_ =	shalt  }
0x61: {  	_ =	shalt  }
0x62: {  	_ =	shalt  }
0x63: {  	_ =	shalt  }
0x64: {  	_ =	shalt  }
0x65: {  	_ =	shalt  }
0x66: {  	_ =	shalt  }
0x67: {  	_ =	shalt  }
0x68: {  	_ =	shalt  }
0x69: {  	_ =	shalt  }
0x6a: {  	_ =	shalt  }
0x6b: {  	_ =	shalt  }
0x6c: {  	_ =	shalt  }
0x6d: {  	_ =	shalt  }
0x6e: {  	_ =	shalt  }
0x6f: {  	_ =	shalt  }
0x70: {  	_ =	shalt  }
0x71: {  	_ =	shalt  }
0x72: {  	_ =	shalt  }
0x73: {  	_ =	shalt  }
0x74: {  	_ =	shalt  }
0x75: {  	_ =	shalt  }
0x76: {  	_ =	shalt  }
0x77: {  	_ =	shalt  }
0x78: {  	_ =	shalt  }
0x79: {  	_ =	shalt  }
0x7a: {  	_ =	shalt  }
0x7b: {  	_ =	shalt  }
0x7c: {  	_ =	shalt  }
0x7d: {  	_ =	shalt  }
0x7e: {  	_ =	shalt  }
0x7f: {  	_ =	shalt  }
0x80: {  	_ =	shalt  }
0x81: {  	_ =	shalt  }
0x82: {  	_ =	shalt  }
0x83: {  	_ =	shalt  }
0x84: {  	_ =	shalt  }
0x85: {  	_ =	shalt  }
0x86: {  	_ =	shalt  }
0x87: {  	_ =	shalt  }
.Lfunc_end0:
.L_simem_size_0:
called_computation.1_lowered:
.L_overlay_start_0:
0x88: {  	s2 =	sld [smem:$0x3FD9]  }
0x89: {  	s3 =	sld [smem:$0x3FFE];
	_ =	sdelay $0x1  }
0x8a: {  	s1 =	srdreg.scid  }
0x8b: {  	s0 =	sand.u32 $0x1, s1  }
0x8c: {  	s17 =	sshll.u32 s0, $0xA;
	s2 =	sadd.s32 s3, s2  }
0x8d: {  	s2 =	sadd.s32 s2, s17  }
0x8e: {  	[smem:$0x3FC4] =	sst s2  }
0x8f: {  	_ = 	snop  }
0x90: {  	s2 =	sld [smem:$0x3FD0];
	(tm) =	ssettm $0x1  }
0x91: {  	s18 =	sld [smem:$0x3FFB];
	_ =	sdelay $0x3  }
0x92: {  	_ =	strace s18  }
0x93: {  	s3 =	sld [smem:$0x3FFC];
	_ =	sdelay $0x3  }
0x94: {  	_ =	strace s3  }
0x95: {  	s3 =	sld [smem:$0x3FFD];
	_ =	sdelay $0x3  }
0x96: {  	_ =	strace s3  }
0x97: {  	_ =	strace $0x8FFFFFFF  }
0x98: {  	s19 =	sld [smem:$0x3FDB];
	_ =	sdelay $0x1  }
0x99: {  	s4 =	simm.s32 $_scs_section_size  }
0x9a: {  	s5 =	simm.s32 $_size__tile_overlayer_lowered;
	s6 =	simm.s32 $_tile_overlayer_lowered  }
0x9b: {  	s22 =	simm.s32 $0x1BFF;
	s21 =	sshll.u32 s6, $0x1;
	s3 =	sadd.s32 s4, s19  }
0x9c: {  	s7 =	simm.s32 $0x0;
	s20 =	sshll.u32 s5, $0x1;
	s5 =	sadd.s32 s21, s3  }
0x9d: {  	[timem:s7], [sflag:s22] =	dma.local [hbm:s5], s20  }
0x9e: {  	_ =	swait.ge [sflag:s22], s20  }
0x9f: {  	s4 =	ssub.s32 $0x0, s20;
	[sflag:s22] =	ssyncset.done $0x0  }
0xa0: {  	[sflag:s22] =	ssyncadd.s32 s4;
	_ =	sdelay $0x1  }
0xa1: {  	s23 =	simm.s32 $0x1B8B  }
0xa2: {  	_ =	swait.ge [sflag:s23], $0x1  }
0xa3: {  	[sflag:s23] =	ssyncset.done $0x0  }
0xa4: {  	s25 =	simm.s32 $0x1B8E;
	s24 =	sld [smem:$0x3FFE];
	[sflag:s23] =	ssyncadd.s32 $0xFFFFFFFF  }
0xa5: {  	s26 =	simm.s32 $execute0_lowered;
	[smem:$0x3FD2] =	sst s25  }
0xa6: {  	s5 =	sshll.u32 s26, $0x1;
	_ =	strace $0x80000049;
	[dreg:$0x1] =	wrdreg $0xFFFFFFFF  }
0xa7: {  	s28 =	simm.s32 $_size_execute0_lowered;
	s3 =	sadd.s32 s3, s5;
	[dreg:$0x0] =	wrdreg $0x0  }
0xa8: {  	s5 =	sshll.u32 s28, $0x1;
	[dreg:$0x2] =	wrdreg s3  }
0xa9: {  	[dreg:$0x3] =	wrdreg s5  }
0xaa: {  	[dreg:$0x4] =	wrdreg $0xC0  }
0xab: {  	_ =	task [dreg:s7], $0x5FFFF  }
0xac: {  	[dreg:$0x1] =	wrdreg $0xFFFFFFFF  }
0xad: {  	[dreg:$0x0] =	wrdreg $0x60  }
0xae: {  	[dreg:$0x2] =	wrdreg s24  }
0xaf: {  	[dreg:$0x3] =	wrdreg s2  }
0xb0: {  	[dreg:$0x4] =	wrdreg $0xC6200  }
0xb1: {  	[dreg:$0x5] =	wrdreg $0x9  }
0xb2: {  	_ =	task.clear_ibuf [dreg:s7], $0x6FFFF;
	_ =	strace $0x90000049  }
0xb3: {  	s29 =	simm.s32 $0x9;
	_ =	strace $0x8000004B  }
0xb4: {  	_ =	swait.ge [sflag:s29], $0x1  }
0xb5: {  	[sflag:s29] =	ssyncadd.s32 $0xFFFFFFFF  }
0xb6: {  	_ =	strace $0x9000004B  }
0xb7: {  	_ =	sfence  }
0xb8: {  	s30 =	sld [smem:$0x0];
	_ =	sdelay $0x2  }
0xb9: {  	s31 =	sshll.u32 s1, $0xD;
	s1 =	sshrl.u32 s1, $0x2  }
0xba: {  	s3 =	sand.u32 $0x4000, s31;
	s1 =	sadd.s32 s1, s30  }
0xbb: {  	s0 =	sor.u32 s3, s0;
	s1 =	sshll.u32 s1, $0x11  }
0xbc: {  	s0 =	sor.u32 s1, s0  }
0xbd: {  	s0 =	sadd.s32 $0x8F2B, s0  }
0xbe: {  	[sflag:s0] =	ssyncadd.remote.s32 $0x1  }
0xbf: {  	_ =	sfence.sel $0xFFFF  }
0xc0: {  	[dreg:$0x0] =	wrdreg $0xFFFFFFFF;
	(pc) =	sbr.abs _section_cstart, $3  }
0xc1: {  	[dreg:$0x1] =	wrdreg $0xFFFFFFFF  }
0xc2: {  	_ =	task.clear_ibuf [dreg:s7], $0x2FFFF;
	_ =	strace $0x9FFFFFFF  }
0xc3: {  	(tm) =	ssettm $0x7FFFFFFF  }
tec
execute0_lowered:
.L_overlay_start_1:
0x0: {  	(tag) =	ssettag $0x1  }
0x1: {  	s5 =	rddreg [dreg:$0x0]  }
0x2: {  	s0 =	srdreg.scid;
	s2 =	rddreg [dreg:$0x1]  }
0x3: {  	s8 =	stileid.u32;
	s3 =	rddreg [dreg:$0x2]  }
0x4: {  	s4 =	simm.s32 $0x0;
	s17 =	simm.s32 $0x4E20;
	s18 =	simm.s32 $0x4  }
0x5: {  	s20 =	simm.s32 $0x50;
	s21 =	simm.s32 $0x7620;
	s23 =	simm.s32 $0x9E20  }
0x6: {  	s24 =	simm.s32 $0x1;
	s25 =	simm.s32 $0x2;
	s26 =	simm.s32 $0x3  }
0x7: {  	s30 =	simm.s32 $0x4D30;
	s31 =	simm.s32 $0x2670;
	s19 =	simm.s32 $0x4DD0  }
0x8: {  	s0 =	sand.u32 $0x1, s0;
	s6 =	smul.u32 $0x13880, s8;
	[smem:$0x7FF] =	sst s4  }
0x9: {  	s1 =	sshll.u32 s0, $0x4;
	s7 =	smul.u32 $0x138800, s0;
	_ =	strace $0x8000004A  }
0xa: {  	s0 =	ssub.s32 $0x2, s0;
	s1 =	sor.u32 s8, s1;
	s8 =	smul.u32 $0x4E200, s8  }
0xb: {  	s29 =	sshrl.u32 s0, $0x1;
	s1 =	smul.u32 $0x2710, s1;
	s7 =	sadd.s32 s6, s7  }
0xc: {  	s0 =	ssub.s32 s0, s29;
	s7 =	sshrl.u32 s7, $0x3;
	s8 =	sshrl.u32 s8, $0x2  }
0xd: {  	s16 =	smax.u32 s0, $0x1;
	s0 =	simm.s32 $0x26C0;
	s1 =	sshrl.u32 s1, $0x3  }
0xe: {  	s15 =	sadd.s32 s7, s5;
	s12 =	sadd.s32 s8, s3;
	s1 =	sadd.s32 s1, s5  }
0xf: {  	s5 =	sadd.s32 s6, s3;
	s6 =	sadd.s32 $0x2800, s12;
	s7 =	sadd.s32 $0x5000, s12  }
0x10: {  	s8 =	sadd.s32 $0x7800, s12;
	s9 =	sadd.s32 $0xA000, s12;
	s10 =	sadd.s32 $0xC800, s12  }
0x11: {  	s11 =	sadd.s32 $0xF000, s12;
	s12 =	sadd.s32 $0x11800, s12;
	s15 =	sadd.s32 $0x15A00, s15  }
0x12: {  	v0 =	vimm.f32 $0.0e+00;
	s13 =	sadd.s32 $0x2000, s1;
	s14 =	sadd.s32 $0xBC40, s1;
	s1 =	simm.s32 $0x4D80  }
.LBB2_1:
0x13: {  	s22 =	simm.s32 $0x0;
	s28 =	simm.s32 $0x200  }
.LBB2_2:
0x14: {  	p0 =	sne.s32 s28, $0x9E00;
	[tilespmem:s22+$0x4E90] =	vst v0  }
0x15: {  	[tilespmem:s22+$0x4E20] =	vst v0  }
0x16: {  	[tilespmem:s22+$0x4E30] =	vst v0  }
.Ltmp0:
0x17: {  	[tilespmem:s22+$0x4E40] =	vst v0;
	(pc) =	sbr.rel @p0 .LBB2_2-.Ltmp0, $4  }
0x18: {  	[tilespmem:s22+$0x4E50] =	vst v0  }
0x19: {  	[tilespmem:s22+$0x4E60] =	vst v0  }
0x1a: {  	[tilespmem:s22+$0x4E70] =	vst v0  }
0x1b: {  	[tilespmem:s22+$0x4E80] =	vst v0;
	s22 =	sshra.s32 s28, $0x2;
	s28 =	sadd.s32 $0x200, s28  }
0x1c: {  	[tilespmem:s22+$0x4E90] =	vst v0  }
0x1d: {  	[tilespmem:s22+$0x4E20] =	vst v0  }
0x1e: {  	[tilespmem:s22+$0x4E30] =	vst v0  }
0x1f: {  	[tilespmem:s22+$0x4E40] =	vst v0  }
0x20: {  	[tilespmem:s22+$0x4E50] =	vst v0  }
0x21: {  	[tilespmem:s22+$0x4E60] =	vst v0  }
0x22: {  	[tilespmem:s22+$0x4E70] =	vst v0  }
0x23: {  	[tilespmem:s22+$0x4E80] =	vst v0  }
0x24: {  	[spmem:s5] =	stream.linear.scatter [tilespmem:s17], [sflag:$0x4], $0x2800, $0x38;
	[tilespmem:$0x1FEA0] =	vst v63  }
0x25: {  	_ =	swait.ge [sflag:s18], $0x2800  }
0x26: {  	[sflag:s18] =	ssyncset.done $0x0  }
0x27: {  	[sflag:s18] =	ssyncadd.s32 $0xFFFFD800  }
0x28: {  	[spmem:s6] =	stream.linear.scatter [tilespmem:s17], [sflag:$0x4], $0x2800, $0x38;
	[tilespmem:$0x1FEA0] =	vst v63  }
0x29: {  	_ =	swait.ge [sflag:s18], $0x2800  }
0x2a: {  	[sflag:s18] =	ssyncset.done $0x0  }
0x2b: {  	[sflag:s18] =	ssyncadd.s32 $0xFFFFD800  }
0x2c: {  	[spmem:s7] =	stream.linear.scatter [tilespmem:s17], [sflag:$0x4], $0x2800, $0x38;
	[tilespmem:$0x1FEA0] =	vst v63  }
0x2d: {  	_ =	swait.ge [sflag:s18], $0x2800  }
0x2e: {  	[sflag:s18] =	ssyncset.done $0x0  }
0x2f: {  	[sflag:s18] =	ssyncadd.s32 $0xFFFFD800  }
0x30: {  	[spmem:s8] =	stream.linear.scatter [tilespmem:s17], [sflag:$0x4], $0x2800, $0x38;
	[tilespmem:$0x1FEA0] =	vst v63  }
0x31: {  	_ =	swait.ge [sflag:s18], $0x2800  }
0x32: {  	[sflag:s18] =	ssyncset.done $0x0  }
0x33: {  	[sflag:s18] =	ssyncadd.s32 $0xFFFFD800  }
0x34: {  	[spmem:s9] =	stream.linear.scatter [tilespmem:s17], [sflag:$0x4], $0x2800, $0x38;
	[tilespmem:$0x1FEA0] =	vst v63  }
0x35: {  	_ =	swait.ge [sflag:s18], $0x2800  }
0x36: {  	[sflag:s18] =	ssyncset.done $0x0  }
0x37: {  	[sflag:s18] =	ssyncadd.s32 $0xFFFFD800  }
0x38: {  	[spmem:s10] =	stream.linear.scatter [tilespmem:s17], [sflag:$0x4], $0x2800, $0x38;
	[tilespmem:$0x1FEA0] =	vst v63  }
0x39: {  	_ =	swait.ge [sflag:s18], $0x2800  }
0x3a: {  	[sflag:s18] =	ssyncset.done $0x0  }
0x3b: {  	[sflag:s18] =	ssyncadd.s32 $0xFFFFD800  }
0x3c: {  	[spmem:s11] =	stream.linear.scatter [tilespmem:s17], [sflag:$0x4], $0x2800, $0x38;
	[tilespmem:$0x1FEA0] =	vst v63  }
0x3d: {  	_ =	swait.ge [sflag:s18], $0x2800  }
0x3e: {  	[sflag:s18] =	ssyncset.done $0x0  }
0x3f: {  	[sflag:s18] =	ssyncadd.s32 $0xFFFFD800  }
0x40: {  	[spmem:s12] =	stream.linear.scatter [tilespmem:s17], [sflag:$0x4], $0x2080, $0x38;
	[tilespmem:$0x1FEA0] =	vst v63  }
0x41: {  	_ =	swait.ge [sflag:s18], $0x2080  }
0x42: {  	[sflag:s18] =	ssyncset.done $0x0  }
0x43: {  	[sflag:s18] =	ssyncadd.s32 $0xFFFFDF80  }
0x44: {  	s29 =	simm.s32 $0x0;
	[bflag:$0x0] =	sbarrier.arrive $0xFFFF  }
0x45: {  	[tilespmem:s29], [sflag:$0x4] =	stream.linear.gather [hbm4b:s13+s29], $0x2710, $0x38;
	[tilespmem:$0x1FEA0] =	vst v63  }
0x46: {  	_ =	swait.ge [sflag:s18], $0x2710  }
0x47: {  	[sflag:s18] =	ssyncset.done $0x0  }
0x48: {  	s28 =	simm.s32 $0x2710;
	[sflag:s18] =	ssyncadd.s32 $0xFFFFD8F0  }
0x49: {  	[tilespmem:s28], [sflag:$0x4] =	stream.linear.gather [hbm4b:s14+s29], $0x2710, $0x38;
	[tilespmem:$0x1FEA0] =	vst v63  }
0x4a: {  	_ =	swait.ge [sflag:s18], $0x2710  }
0x4b: {  	[sflag:s18] =	ssyncset.done $0x0  }
0x4c: {  	[sflag:s18] =	ssyncadd.s32 $0xFFFFD8F0  }
0x4d: {  	[tilespmem:s17], [sflag:$0x1] =	stream.indirect.gather [hbm4b:s2+s20], $0x80, s29, s20, $0xb8;
	[tilespmem:$0x1FEA0] =	vst v63  }
0x4e: {  	_ = 	snop  }
0x4f: {  	[tilespmem:s21], [sflag:$0x2] =	stream.indirect.gather [hbm4b:s2+s20], $0x80, s20, s20, $0xb8;
	[tilespmem:$0x1FEA0] =	vst v63  }
0x50: {  	s29 =	simm.s32 $0xA0  }
0x51: {  	[tilespmem:s23], [sflag:$0x3] =	stream.indirect.gather [hbm4b:s2+s20], $0x80, s29, s20, $0xb8;
	[tilespmem:$0x1FEA0] =	vst v63  }
0x52: {  	_ =	swait.ge [sflag:s24], $0x2800  }
0x53: {  	[sflag:s24] =	ssyncset.done $0x0  }
0x54: {  	s29 =	simm.s32 $0x2710;
	[sflag:s24] =	ssyncadd.s32 $0xFFFFD800  }
0x55: {  	[spmem:s3] =	stream.indirect.scatter.add.f32 [tilespmem:s17], [sflag:$0x4], $0x80, s29, s20, $0xb8;
	[tilespmem:$0x1FEA0] =	vst v63  }
0x56: {  	_ =	swait.ge [sflag:s18], $0x2800  }
0x57: {  	[sflag:s18] =	ssyncset.done $0x0  }
0x58: {  	s29 =	simm.s32 $0xF0;
	[sflag:s18] =	ssyncadd.s32 $0xFFFFD800  }
0x59: {  	[tilespmem:s17], [sflag:$0x1] =	stream.indirect.gather [hbm4b:s2+s20], $0x80, s29, s20, $0xb8;
	[tilespmem:$0x1FEA0] =	vst v63  }
0x5a: {  	_ =	swait.ge [sflag:s25], $0x2800  }
0x5b: {  	[sflag:s25] =	ssyncset.done $0x0  }
0x5c: {  	s29 =	simm.s32 $0x2760;
	[sflag:s25] =	ssyncadd.s32 $0xFFFFD800  }
0x5d: {  	[spmem:s3] =	stream.indirect.scatter.add.f32 [tilespmem:s21], [sflag:$0x4], $0x80, s29, s20, $0xb8;
	[tilespmem:$0x1FEA0] =	vst v63  }
0x5e: {  	_ =	swait.ge [sflag:s18], $0x2800  }
0x5f: {  	[sflag:s18] =	ssyncset.done $0x0  }
0x60: {  	s29 =	simm.s32 $0x140;
	[sflag:s18] =	ssyncadd.s32 $0xFFFFD800  }
0x61: {  	[tilespmem:s21], [sflag:$0x2] =	stream.indirect.gather [hbm4b:s2+s20], $0x80, s29, s20, $0xb8;
	[tilespmem:$0x1FEA0] =	vst v63  }
0x62: {  	_ =	swait.ge [sflag:s26], $0x2800  }
0x63: {  	[sflag:s26] =	ssyncset.done $0x0  }
0x64: {  	s29 =	simm.s32 $0x27B0;
	[sflag:s26] =	ssyncadd.s32 $0xFFFFD800  }
0x65: {  	[spmem:s3] =	stream.indirect.scatter.add.f32 [tilespmem:s23], [sflag:$0x4], $0x80, s29, s20, $0xb8;
	[tilespmem:$0x1FEA0] =	vst v63  }
0x66: {  	_ =	swait.ge [sflag:s18], $0x2800  }
0x67: {  	[sflag:s18] =	ssyncset.done $0x0  }
0x68: {  	s22 =	simm.s32 $0x3C0;
	s28 =	simm.s32 $0x190;
	[sflag:s18] =	ssyncadd.s32 $0xFFFFD800  }
.LBB2_4:
0x69: {  	[tilespmem:s23], [sflag:$0x3] =	stream.indirect.gather [hbm4b:s2+s20], $0x80, s28, s20, $0xb8;
	[tilespmem:$0x1FEA0] =	vst v63  }
0x6a: {  	s28 =	smov.u32 s22  }
0x6b: {  	p0 =	sne.s32 s22, $0x9240;
	s22 =	sadd.s32 $0x3C0, s22;
	_ =	swait.ge [sflag:s24], $0x2800  }
0x6c: {  	s28 =	sshra.s32 s28, $0x2;
	[sflag:s24] =	ssyncset.done $0x0  }
0x6d: {  	s29 =	sadd.s32 $0x2710, s28;
	[sflag:s24] =	ssyncadd.s32 $0xFFFFD800  }
0x6e: {  	[spmem:s3] =	stream.indirect.scatter.add.f32 [tilespmem:s17], [sflag:$0x4], $0x80, s29, s20, $0xb8;
	[tilespmem:$0x1FEA0] =	vst v63  }
0x6f: {  	_ =	swait.ge [sflag:s18], $0x2800  }
0x70: {  	[sflag:s18] =	ssyncset.done $0x0  }
0x71: {  	s29 =	sadd.s32 $0xF0, s28;
	[sflag:s18] =	ssyncadd.s32 $0xFFFFD800  }
0x72: {  	[tilespmem:s17], [sflag:$0x1] =	stream.indirect.gather [hbm4b:s2+s20], $0x80, s29, s20, $0xb8;
	[tilespmem:$0x1FEA0] =	vst v63  }
0x73: {  	_ =	swait.ge [sflag:s25], $0x2800  }
0x74: {  	[sflag:s25] =	ssyncset.done $0x0  }
0x75: {  	s29 =	sadd.s32 $0x2760, s28;
	[sflag:s25] =	ssyncadd.s32 $0xFFFFD800  }
0x76: {  	[spmem:s3] =	stream.indirect.scatter.add.f32 [tilespmem:s21], [sflag:$0x4], $0x80, s29, s20, $0xb8;
	[tilespmem:$0x1FEA0] =	vst v63  }
0x77: {  	_ =	swait.ge [sflag:s18], $0x2800  }
0x78: {  	[sflag:s18] =	ssyncset.done $0x0  }
0x79: {  	s29 =	sadd.s32 $0x140, s28;
	[sflag:s18] =	ssyncadd.s32 $0xFFFFD800  }
0x7a: {  	[tilespmem:s21], [sflag:$0x2] =	stream.indirect.gather [hbm4b:s2+s20], $0x80, s29, s20, $0xb8;
	[tilespmem:$0x1FEA0] =	vst v63  }
0x7b: {  	_ =	swait.ge [sflag:s26], $0x2800  }
0x7c: {  	[sflag:s26] =	ssyncset.done $0x0  }
.Ltmp1:
0x7d: {  	s29 =	sadd.s32 $0x27B0, s28;
	[sflag:s26] =	ssyncadd.s32 $0xFFFFD800;
	(pc) =	sbr.rel @p0 .LBB2_4-.Ltmp1, $4  }
0x7e: {  	[spmem:s3] =	stream.indirect.scatter.add.f32 [tilespmem:s23], [sflag:$0x4], $0x80, s29, s20, $0xb8;
	[tilespmem:$0x1FEA0] =	vst v63  }
0x7f: {  	_ =	swait.ge [sflag:s18], $0x2800  }
0x80: {  	[sflag:s18] =	ssyncset.done $0x0  }
0x81: {  	s28 =	sadd.s32 $0x190, s28;
	[sflag:s18] =	ssyncadd.s32 $0xFFFFD800  }
0x82: {  	[tilespmem:s23], [sflag:$0x3] =	stream.indirect.gather [hbm4b:s2+s20], $0x80, s28, s20, $0xb8;
	[tilespmem:$0x1FEA0] =	vst v63  }
0x83: {  	_ =	swait.ge [sflag:s24], $0x2800  }
0x84: {  	[sflag:s24] =	ssyncset.done $0x0  }
0x85: {  	s22 =	simm.s32 $0x4C90;
	[sflag:s24] =	ssyncadd.s32 $0xFFFFD800  }
0x86: {  	[spmem:s3] =	stream.indirect.scatter.add.f32 [tilespmem:s17], [sflag:$0x4], $0x80, s22, s20, $0xb8;
	[tilespmem:$0x1FEA0] =	vst v63  }
0x87: {  	_ =	swait.ge [sflag:s18], $0x2800  }
0x88: {  	[sflag:s18] =	ssyncset.done $0x0  }
0x89: {  	[sflag:s18] =	ssyncadd.s32 $0xFFFFD800  }
0x8a: {  	_ =	swait.ge [sflag:s25], $0x2800  }
0x8b: {  	[sflag:s25] =	ssyncset.done $0x0  }
0x8c: {  	s29 =	simm.s32 $0x4CE0;
	[sflag:s25] =	ssyncadd.s32 $0xFFFFD800  }
0x8d: {  	[spmem:s3] =	stream.indirect.scatter.add.f32 [tilespmem:s21], [sflag:$0x4], $0x80, s29, s20, $0xb8;
	[tilespmem:$0x1FEA0] =	vst v63  }
0x8e: {  	_ =	swait.ge [sflag:s18], $0x2800  }
0x8f: {  	[sflag:s18] =	ssyncset.done $0x0  }
0x90: {  	[sflag:s18] =	ssyncadd.s32 $0xFFFFD800  }
0x91: {  	_ =	swait.ge [sflag:s26], $0x2800  }
0x92: {  	[sflag:s26] =	ssyncset.done $0x0  }
0x93: {  	[sflag:s26] =	ssyncadd.s32 $0xFFFFD800  }
0x94: {  	[spmem:s3] =	stream.indirect.scatter.add.f32 [tilespmem:s23], [sflag:$0x4], $0x80, s30, s20, $0xb8;
	[tilespmem:$0x1FEA0] =	vst v63  }
0x95: {  	_ =	swait.ge [sflag:s18], $0x2800  }
0x96: {  	[sflag:s18] =	ssyncset.done $0x0  }
0x97: {  	[sflag:s18] =	ssyncadd.s32 $0xFFFFD800  }
0x98: {  	[tilespmem:s17], [sflag:$0x1] =	stream.indirect.gather [hbm4b:s2+s20], $0x80, s31, s20, $0xb8;
	[tilespmem:$0x1FEA0] =	vst v63  }
0x99: {  	_ =	swait.ge [sflag:s24], $0x2800  }
0x9a: {  	[sflag:s24] =	ssyncset.done $0x0  }
0x9b: {  	[sflag:s24] =	ssyncadd.s32 $0xFFFFD800  }
0x9c: {  	[spmem:s3] =	stream.indirect.scatter.add.f32 [tilespmem:s17], [sflag:$0x4], $0x80, s1, s20, $0xb8;
	[tilespmem:$0x1FEA0] =	vst v63  }
0x9d: {  	_ =	swait.ge [sflag:s18], $0x2800  }
0x9e: {  	[sflag:s18] =	ssyncset.done $0x0  }
0x9f: {  	[sflag:s18] =	ssyncadd.s32 $0xFFFFD800  }
0xa0: {  	[tilespmem:s21], [sflag:$0x2] =	stream.indirect.gather [hbm4b:s2+s20], $0x80, s0, s20, $0xb8;
	[tilespmem:$0x1FEA0] =	vst v63  }
0xa1: {  	_ =	swait.ge [sflag:s25], $0x2800  }
0xa2: {  	[sflag:s25] =	ssyncset.done $0x0  }
0xa3: {  	[sflag:s25] =	ssyncadd.s32 $0xFFFFD800  }
0xa4: {  	[spmem:s3] =	stream.indirect.scatter.add.f32 [tilespmem:s21], [sflag:$0x4], $0x80, s19, s20, $0xb8;
	[tilespmem:$0x1FEA0] =	vst v63  }
0xa5: {  	s28 =	stileid.u32;
	_ =	swait.ge [sflag:s18], $0x2800  }
0xa6: {  	s4 =	sadd.s32 $0x1, s4;
	s22 =	sshll.u32 s28, $0x6;
	[sflag:s18] =	ssyncset.done $0x0  }
0xa7: {  	p0 =	sne.s32 s4, s16;
	s22 =	sor.u32 $0x1C04, s22;
	[sflag:s18] =	ssyncadd.s32 $0xFFFFD800  }
.Ltmp2:
0xa8: {  	s29 =	sshrl.u32 s5, $0x3;
	[bflag:$0x0] =	sbarrier.arrive $0xFFFF;
	(pc) =	sbr.rel @p0 .LBB2_1-.Ltmp2, $4  }
0xa9: {  	[hbm:s15], [sflag:s22] =	dma.local [spmem:s29], $0x2710  }
0xaa: {  	_ =	swait.ge [sflag:s18], $0x2710  }
0xab: {  	[sflag:s18] =	ssyncset.done $0x0  }
0xac: {  	[sflag:s18] =	ssyncadd.s32 $0xFFFFD8F0  }
0xad: {  	_ =	sfence.sel $0x180000  }
0xae: {  	[bflag:$0x0] =	sbarrier.arrive $0xFFFF  }
0xaf: {  	_ =	strace $0x9000004A  }
0xb0: {  	s0 =	stileid.u32;
	[bflag:$0x2] =	sbarrier.arrive $0xFFFF  }
0xb1: {  	p0 =	sne.s32 s0, $0x0;
	s0 =	rddreg [dreg:$0x3]  }
0xb2: {  	s0 =	sadd.s32 @!p0 $0x100000, s0  }
0xb3: {  	[sflag:s0] =	ssyncadd.tile.s32 @!p0 $0x1;
	_ =	shalt  }
.Lfunc_end2:
_tile_overlayer_lowered:
.L_overlay_start_2:
0xb4: {  	(tag) =	ssettag $0x2  }
0xb5: {  	s0 =	rddreg [dreg:$0x0];
	s2 =	stileid.u32  }
0xb6: {  	s1 =	rddreg [dreg:$0x1];
	p0 =	sne.s32 s2, $0x0  }
0xb7: {  	s3 =	rddreg [dreg:$0x2];
	[bflag:$0x3] =	sbarrier.arrive $0xFFFF;
	s2 =	simm.s32 @!p0 $0x1C04  }
0xb8: {  	[timem:s3], [sflag:s2] =	dma.local @!p0 [hbm:s0], s1  }
0xb9: {  	s0 =	simm.s32 @!p0 $0x4  }
0xba: {  	_ =	swait.ge @!p0 [sflag:s0], s1  }
0xbb: {  	s1 =	ssub.s32 @!p0 $0x0, s1;
	[sflag:s0] =	ssyncset.done @!p0 $0x0  }
0xbc: {  	[sflag:s0] =	ssyncadd.s32 @!p0 s1  }
0xbd: {  	[bflag:$0x3] =	sbarrier.arrive $0xFFFF  }
0xbe: {  	_ =	shalt  }

// kernel: kernel.14.cloned.1.call-start
scs
__scs_entry_jumppad:
0x0: {  	(pc) =	sbr.rel $0x88, $3  }
0x1: {  	(tag) =	ssettag $0x0;
	lr =	simm.s32 $0x1  }
0x2: {  	[smem:$0x3F9D] =	sst lr;
	_ =	strace $0xD0000000  }
0x3: {  	_ = 	snop  }
0x4: {  	_ = 	snop  }
0x5: {  	_ = 	snop  }
0x6: {  	_ = 	snop  }
0x7: {  	_ = 	snop  }
__scs_overlays_trampoline_lowered:
0x8: {  	[smem:$0x3FAC] =	sst s0  }
0x9: {  	[smem:$0x3FAD] =	sst s1  }
0xa: {  	[smem:$0x3FAE] =	sst s2  }
0xb: {  	[smem:$0x3FAF] =	sst s3  }
0xc: {  	[smem:$0x3FB0] =	sst s4  }
0xd: {  	[smem:$0x3FB1] =	sst s5  }
0xe: {  	[smem:$0x3FB2] =	sst s6  }
0xf: {  	[smem:$0x3FB3] =	sst s7  }
0x10: {  	[smem:$0x3FB4] =	sst s8  }
0x11: {  	[smem:$0x3FB5] =	sst s9;
	s0 =	simm.s32 @!p0 $0x0  }
0x12: {  	s1 =	sld [smem:$0x3F9B];
	s0 =	simm.s32 @p0 $0x1  }
0x13: {  	[smem:$0x3FB6] =	sst s0;
	s0 =	simm.s32 @!p1 $0x0  }
0x14: {  	s2 =	sld [smem:$0x3F9A];
	s0 =	simm.s32 @p1 $0x1  }
0x15: {  	[smem:$0x3FB7] =	sst s0;
	s0 =	simm.s32 @!p2 $0x0  }
0x16: {  	s3 =	sld [smem:$0x3FDB];
	s0 =	simm.s32 @p2 $0x1  }
0x17: {  	s4 =	simm.s32 $0x1BF5;
	[smem:$0x3FB9] =	sst s0  }
0x18: {  	s0 =	sld [smem:$0x3F9C];
	_ =	swait.ge [sflag:s4], $0x0  }
0x19: {  	s7 =	sld [smem:$0x3F9D]  }
0x1a: {  	s8 =	sadd.s32 $0xFFFFE003, lr  }
0x1b: {  	s9 =	sadd.s32 $0xFFFFFEF7, lr;
	s5 =	simm.s32 $0xFFFFFFFF;
	p2 =	slt.u32 s8, $0xFFFFF086  }
0x1c: {  	p1 =	slt.u32 s9, $0xF7A;
	s5 =	simm.s32 @!p2 $0x0  }
0x1d: {  	s5 =	simm.s32 @p1 $0x1;
	p0 =	seq.s32 s7, s2  }
0x1e: {  	s7 =	smul.u32 @!p0 $0xF7A, s2;
	p2 =	seq.s32 @!p0 s5, $0x0  }
0x1f: {  	s9 =	smul.u32 $0xF7A, s1;
	s8 =	simm.s32 @!p0 $0x1BF5;
	p2 =	por !p2, p0  }
0x20: {  	[sflag:s8] =	ssyncset.s32 @!p0 $0xFFFFF086;
	s6 =	sadd.s32 @!p0 s3, s7;
	s7 =	simm.s32 @!p0 $0x108  }
0x21: {  	s3 =	sadd.s32 s3, s9;
	s6 =	sadd.s32 @!p0 $0x88, s6;
	s7 =	simm.s32 @p2 $0x1082  }
0x22: {  	[simem:s7], [sflag:s8] =	dma.local @!p0 [hbm:s6], $0xF7A  }
0x23: {  	s9 =	sor.u32 $0xD0000000, s2;
	s6 =	simm.s32 $0x108;
	_ =	swait.ge @!p0 [sflag:s8], $0x0  }
0x24: {  	s3 =	sadd.s32 $0x88, s3;
	s6 =	simm.s32 @!p1 $0x1082;
	[sflag:s4] =	ssyncset.s32 $0xFFFFF086  }
0x25: {  	[simem:s6], [sflag:s4] =	dma.local [hbm:s3], $0xF7A  }
0x26: {  	[smem:$0x3F9D] =	sst s1;
	(tag) =	ssettag s2;
	_ =	strace s9  }
0x27: {  	s1 =	sld [smem:$0x3FAD]  }
0x28: {  	s2 =	sld [smem:$0x3FAE]  }
0x29: {  	s4 =	sld [smem:$0x3FB0]  }
0x2a: {  	p0 =	seq.s32 s5, $0x0;
	s5 =	sld [smem:$0x3FB1]  }
0x2b: {  	s6 =	sld [smem:$0x3FB2]  }
0x2c: {  	s7 =	sld [smem:$0x3FB3]  }
0x2d: {  	s3 =	simm.s32 $0x108;
	s8 =	sld [smem:$0x3FB4]  }
0x2e: {  	s3 =	simm.s32 @!p0 $0x1082;
	s9 =	sld [smem:$0x3FB5]  }
0x2f: {  	lr =	sadd.s32 s0, s3;
	s0 =	sld [smem:$0x3FAC]  }
0x30: {  	s3 =	sld [smem:$0x3FAF]  }
0x31: {  	[smem:$0x3FB8] =	sst s10  }
0x32: {  	s10 =	sld [smem:$0x3FB6];
	_ =	sdelay $0x3  }
0x33: {  	p0 =	seq.s32 s10, $0x1;
	s10 =	sld [smem:$0x3FB8];
	_ =	sdelay $0x3  }
0x34: {  	[smem:$0x3FB8] =	sst s10  }
0x35: {  	s10 =	sld [smem:$0x3FB7];
	_ =	sdelay $0x3  }
0x36: {  	p1 =	seq.s32 s10, $0x1;
	s10 =	sld [smem:$0x3FB8];
	_ =	sdelay $0x3  }
0x37: {  	[smem:$0x3FB8] =	sst s10  }
0x38: {  	s10 =	sld [smem:$0x3FB9]  }
0x39: {  	_ = 	snop;
	(pc) =	sbr.ind lr, $3  }
0x3a: {  	_ = 	snop  }
0x3b: {  	_ = 	snop  }
0x3c: {  	p2 =	seq.s32 s10, $0x1;
	s10 =	sld [smem:$0x3FB8]  }
0x3d: {  	_ =	shalt  }
0x3e: {  	_ =	shalt  }
0x3f: {  	_ =	shalt  }
0x40: {  	_ =	shalt  }
0x41: {  	_ =	shalt  }
0x42: {  	_ =	shalt  }
0x43: {  	_ =	shalt  }
0x44: {  	_ =	shalt  }
0x45: {  	_ =	shalt  }
0x46: {  	_ =	shalt  }
0x47: {  	_ =	shalt  }
0x48: {  	_ =	shalt  }
0x49: {  	_ =	shalt  }
0x4a: {  	_ =	shalt  }
0x4b: {  	_ =	shalt  }
0x4c: {  	_ =	shalt  }
0x4d: {  	_ =	shalt  }
0x4e: {  	_ =	shalt  }
0x4f: {  	_ =	shalt  }
0x50: {  	_ =	shalt  }
0x51: {  	_ =	shalt  }
0x52: {  	_ =	shalt  }
0x53: {  	_ =	shalt  }
0x54: {  	_ =	shalt  }
0x55: {  	_ =	shalt  }
0x56: {  	_ =	shalt  }
0x57: {  	_ =	shalt  }
0x58: {  	_ =	shalt  }
0x59: {  	_ =	shalt  }
0x5a: {  	_ =	shalt  }
0x5b: {  	_ =	shalt  }
0x5c: {  	_ =	shalt  }
0x5d: {  	_ =	shalt  }
0x5e: {  	_ =	shalt  }
0x5f: {  	_ =	shalt  }
0x60: {  	_ =	shalt  }
0x61: {  	_ =	shalt  }
0x62: {  	_ =	shalt  }
0x63: {  	_ =	shalt  }
0x64: {  	_ =	shalt  }
0x65: {  	_ =	shalt  }
0x66: {  	_ =	shalt  }
0x67: {  	_ =	shalt  }
0x68: {  	_ =	shalt  }
0x69: {  	_ =	shalt  }
0x6a: {  	_ =	shalt  }
0x6b: {  	_ =	shalt  }
0x6c: {  	_ =	shalt  }
0x6d: {  	_ =	shalt  }
0x6e: {  	_ =	shalt  }
0x6f: {  	_ =	shalt  }
0x70: {  	_ =	shalt  }
0x71: {  	_ =	shalt  }
0x72: {  	_ =	shalt  }
0x73: {  	_ =	shalt  }
0x74: {  	_ =	shalt  }
0x75: {  	_ =	shalt  }
0x76: {  	_ =	shalt  }
0x77: {  	_ =	shalt  }
0x78: {  	_ =	shalt  }
0x79: {  	_ =	shalt  }
0x7a: {  	_ =	shalt  }
0x7b: {  	_ =	shalt  }
0x7c: {  	_ =	shalt  }
0x7d: {  	_ =	shalt  }
0x7e: {  	_ =	shalt  }
0x7f: {  	_ =	shalt  }
0x80: {  	_ =	shalt  }
0x81: {  	_ =	shalt  }
0x82: {  	_ =	shalt  }
0x83: {  	_ =	shalt  }
0x84: {  	_ =	shalt  }
0x85: {  	_ =	shalt  }
0x86: {  	_ =	shalt  }
0x87: {  	_ =	shalt  }
.Lfunc_end0:
.L_simem_size_0:
called_computation.2_lowered:
.L_overlay_start_0:
0x88: {  	s2 =	sld [smem:$0x3FD9]  }
0x89: {  	s3 =	sld [smem:$0x3FFE];
	_ =	sdelay $0x1  }
0x8a: {  	s1 =	srdreg.scid  }
0x8b: {  	s0 =	sand.u32 $0x1, s1  }
0x8c: {  	s17 =	sshll.u32 s0, $0xA;
	s2 =	sadd.s32 s3, s2  }
0x8d: {  	s2 =	sadd.s32 s2, s17  }
0x8e: {  	[smem:$0x3FC4] =	sst s2  }
0x8f: {  	_ = 	snop  }
0x90: {  	s2 =	sld [smem:$0x3FD0];
	(tm) =	ssettm $0x1  }
0x91: {  	s18 =	sld [smem:$0x3FFB];
	_ =	sdelay $0x3  }
0x92: {  	_ =	strace s18  }
0x93: {  	s3 =	sld [smem:$0x3FFC];
	_ =	sdelay $0x3  }
0x94: {  	_ =	strace s3  }
0x95: {  	s3 =	sld [smem:$0x3FFD];
	_ =	sdelay $0x3  }
0x96: {  	_ =	strace s3  }
0x97: {  	_ =	strace $0x8FFFFFFF  }
0x98: {  	s19 =	sld [smem:$0x3FDB];
	_ =	sdelay $0x1  }
0x99: {  	s4 =	simm.s32 $_scs_section_size  }
0x9a: {  	s5 =	simm.s32 $_size__tile_overlayer_lowered;
	s6 =	simm.s32 $_tile_overlayer_lowered  }
0x9b: {  	s22 =	simm.s32 $0x1BFF;
	s21 =	sshll.u32 s6, $0x1;
	s3 =	sadd.s32 s4, s19  }
0x9c: {  	s7 =	simm.s32 $0x0;
	s20 =	sshll.u32 s5, $0x1;
	s5 =	sadd.s32 s21, s3  }
0x9d: {  	[timem:s7], [sflag:s22] =	dma.local [hbm:s5], s20  }
0x9e: {  	_ =	swait.ge [sflag:s22], s20  }
0x9f: {  	s4 =	ssub.s32 $0x0, s20;
	[sflag:s22] =	ssyncset.done $0x0  }
0xa0: {  	[sflag:s22] =	ssyncadd.s32 s4;
	_ =	sdelay $0x1  }
0xa1: {  	s23 =	simm.s32 $0x1B8B  }
0xa2: {  	_ =	swait.ge [sflag:s23], $0x1  }
0xa3: {  	[sflag:s23] =	ssyncset.done $0x0  }
0xa4: {  	s25 =	simm.s32 $0x1B8E;
	s24 =	sld [smem:$0x3FFE];
	[sflag:s23] =	ssyncadd.s32 $0xFFFFFFFF  }
0xa5: {  	s26 =	simm.s32 $execute0_lowered;
	[smem:$0x3FD2] =	sst s25  }
0xa6: {  	s5 =	sshll.u32 s26, $0x1;
	_ =	strace $0x8000004C;
	[dreg:$0x1] =	wrdreg $0xFFFFFFFF  }
0xa7: {  	s28 =	simm.s32 $_size_execute0_lowered;
	s3 =	sadd.s32 s3, s5;
	[dreg:$0x0] =	wrdreg $0x0  }
0xa8: {  	s5 =	sshll.u32 s28, $0x1;
	[dreg:$0x2] =	wrdreg s3  }
0xa9: {  	[dreg:$0x3] =	wrdreg s5  }
0xaa: {  	[dreg:$0x4] =	wrdreg $0xC0  }
0xab: {  	_ =	task [dreg:s7], $0x5FFFF  }
0xac: {  	[dreg:$0x1] =	wrdreg $0xFFFFFFFF  }
0xad: {  	[dreg:$0x0] =	wrdreg $0x60  }
0xae: {  	[dreg:$0x2] =	wrdreg s24  }
0xaf: {  	[dreg:$0x3] =	wrdreg s2  }
0xb0: {  	[dreg:$0x4] =	wrdreg $0xC6200  }
0xb1: {  	[dreg:$0x5] =	wrdreg $0x9  }
0xb2: {  	_ =	task.clear_ibuf [dreg:s7], $0x6FFFF;
	_ =	strace $0x9000004C  }
0xb3: {  	s29 =	simm.s32 $0x9;
	_ =	strace $0x8000004E  }
0xb4: {  	_ =	swait.ge [sflag:s29], $0x1  }
0xb5: {  	[sflag:s29] =	ssyncadd.s32 $0xFFFFFFFF  }
0xb6: {  	_ =	strace $0x9000004E  }
0xb7: {  	_ =	sfence  }
0xb8: {  	s30 =	sld [smem:$0x0];
	_ =	sdelay $0x2  }
0xb9: {  	s31 =	sshll.u32 s1, $0xD;
	s1 =	sshrl.u32 s1, $0x2  }
0xba: {  	s3 =	sand.u32 $0x4000, s31;
	s1 =	sadd.s32 s1, s30  }
0xbb: {  	s0 =	sor.u32 s3, s0;
	s1 =	sshll.u32 s1, $0x11  }
0xbc: {  	s0 =	sor.u32 s1, s0  }
0xbd: {  	s0 =	sadd.s32 $0x8F2B, s0  }
0xbe: {  	[sflag:s0] =	ssyncadd.remote.s32 $0x1  }
0xbf: {  	_ =	sfence.sel $0xFFFF  }
0xc0: {  	[dreg:$0x0] =	wrdreg $0xFFFFFFFF;
	(pc) =	sbr.abs _section_cstart, $3  }
0xc1: {  	[dreg:$0x1] =	wrdreg $0xFFFFFFFF  }
0xc2: {  	_ =	task.clear_ibuf [dreg:s7], $0x2FFFF;
	_ =	strace $0x9FFFFFFF  }
0xc3: {  	(tm) =	ssettm $0x7FFFFFFF  }
tec
execute0_lowered:
.L_overlay_start_1:
0x0: {  	(tag) =	ssettag $0x1  }
0x1: {  	s5 =	rddreg [dreg:$0x0]  }
0x2: {  	s0 =	srdreg.scid;
	s2 =	rddreg [dreg:$0x1]  }
0x3: {  	s8 =	stileid.u32;
	s3 =	rddreg [dreg:$0x2]  }
0x4: {  	s4 =	simm.s32 $0x0;
	s17 =	simm.s32 $0x4E20;
	s18 =	simm.s32 $0x4  }
0x5: {  	s20 =	simm.s32 $0x50;
	s21 =	simm.s32 $0x7620;
	s23 =	simm.s32 $0x9E20  }
0x6: {  	s24 =	simm.s32 $0x1;
	s25 =	simm.s32 $0x2;
	s26 =	simm.s32 $0x3  }
0x7: {  	s30 =	simm.s32 $0x4D30;
	s31 =	simm.s32 $0x2670;
	s19 =	simm.s32 $0x4DD0  }
0x8: {  	s0 =	sand.u32 $0x1, s0;
	s6 =	smul.u32 $0x13880, s8;
	[smem:$0x7FF] =	sst s4  }
0x9: {  	s1 =	sshll.u32 s0, $0x4;
	s7 =	smul.u32 $0x138800, s0;
	_ =	strace $0x8000004D  }
0xa: {  	s0 =	ssub.s32 $0x2, s0;
	s1 =	sor.u32 s8, s1;
	s8 =	smul.u32 $0x4E200, s8  }
0xb: {  	s29 =	sshrl.u32 s0, $0x1;
	s1 =	smul.u32 $0x2710, s1;
	s7 =	sadd.s32 s6, s7  }
0xc: {  	s0 =	ssub.s32 s0, s29;
	s7 =	sshrl.u32 s7, $0x3;
	s8 =	sshrl.u32 s8, $0x2  }
0xd: {  	s16 =	smax.u32 s0, $0x1;
	s0 =	simm.s32 $0x26C0;
	s1 =	sshrl.u32 s1, $0x3  }
0xe: {  	s15 =	sadd.s32 s7, s5;
	s12 =	sadd.s32 s8, s3;
	s1 =	sadd.s32 s1, s5  }
0xf: {  	s5 =	sadd.s32 s6, s3;
	s6 =	sadd.s32 $0x2800, s12;
	s7 =	sadd.s32 $0x5000, s12  }
0x10: {  	s8 =	sadd.s32 $0x7800, s12;
	s9 =	sadd.s32 $0xA000, s12;
	s10 =	sadd.s32 $0xC800, s12  }
0x11: {  	s11 =	sadd.s32 $0xF000, s12;
	s12 =	sadd.s32 $0x11800, s12;
	s15 =	sadd.s32 $0x15A00, s15  }
0x12: {  	v0 =	vimm.f32 $0.0e+00;
	s13 =	sadd.s32 $0x2000, s1;
	s14 =	sadd.s32 $0xBC40, s1;
	s1 =	simm.s32 $0x4D80  }
.LBB2_1:
0x13: {  	s22 =	simm.s32 $0x0;
	s28 =	simm.s32 $0x200  }
.LBB2_2:
0x14: {  	p0 =	sne.s32 s28, $0x9E00;
	[tilespmem:s22+$0x4E90] =	vst v0  }
0x15: {  	[tilespmem:s22+$0x4E20] =	vst v0  }
0x16: {  	[tilespmem:s22+$0x4E30] =	vst v0  }
.Ltmp0:
0x17: {  	[tilespmem:s22+$0x4E40] =	vst v0;
	(pc) =	sbr.rel @p0 .LBB2_2-.Ltmp0, $4  }
0x18: {  	[tilespmem:s22+$0x4E50] =	vst v0  }
0x19: {  	[tilespmem:s22+$0x4E60] =	vst v0  }
0x1a: {  	[tilespmem:s22+$0x4E70] =	vst v0  }
0x1b: {  	[tilespmem:s22+$0x4E80] =	vst v0;
	s22 =	sshra.s32 s28, $0x2;
	s28 =	sadd.s32 $0x200, s28  }
0x1c: {  	[tilespmem:s22+$0x4E90] =	vst v0  }
0x1d: {  	[tilespmem:s22+$0x4E20] =	vst v0  }
0x1e: {  	[tilespmem:s22+$0x4E30] =	vst v0  }
0x1f: {  	[tilespmem:s22+$0x4E40] =	vst v0  }
0x20: {  	[tilespmem:s22+$0x4E50] =	vst v0  }
0x21: {  	[tilespmem:s22+$0x4E60] =	vst v0  }
0x22: {  	[tilespmem:s22+$0x4E70] =	vst v0  }
0x23: {  	[tilespmem:s22+$0x4E80] =	vst v0  }
0x24: {  	[spmem:s5] =	stream.linear.scatter [tilespmem:s17], [sflag:$0x4], $0x2800, $0x38;
	[tilespmem:$0x1FEA0] =	vst v63  }
0x25: {  	_ =	swait.ge [sflag:s18], $0x2800  }
0x26: {  	[sflag:s18] =	ssyncset.done $0x0  }
0x27: {  	[sflag:s18] =	ssyncadd.s32 $0xFFFFD800  }
0x28: {  	[spmem:s6] =	stream.linear.scatter [tilespmem:s17], [sflag:$0x4], $0x2800, $0x38;
	[tilespmem:$0x1FEA0] =	vst v63  }
0x29: {  	_ =	swait.ge [sflag:s18], $0x2800  }
0x2a: {  	[sflag:s18] =	ssyncset.done $0x0  }
0x2b: {  	[sflag:s18] =	ssyncadd.s32 $0xFFFFD800  }
0x2c: {  	[spmem:s7] =	stream.linear.scatter [tilespmem:s17], [sflag:$0x4], $0x2800, $0x38;
	[tilespmem:$0x1FEA0] =	vst v63  }
0x2d: {  	_ =	swait.ge [sflag:s18], $0x2800  }
0x2e: {  	[sflag:s18] =	ssyncset.done $0x0  }
0x2f: {  	[sflag:s18] =	ssyncadd.s32 $0xFFFFD800  }
0x30: {  	[spmem:s8] =	stream.linear.scatter [tilespmem:s17], [sflag:$0x4], $0x2800, $0x38;
	[tilespmem:$0x1FEA0] =	vst v63  }
0x31: {  	_ =	swait.ge [sflag:s18], $0x2800  }
0x32: {  	[sflag:s18] =	ssyncset.done $0x0  }
0x33: {  	[sflag:s18] =	ssyncadd.s32 $0xFFFFD800  }
0x34: {  	[spmem:s9] =	stream.linear.scatter [tilespmem:s17], [sflag:$0x4], $0x2800, $0x38;
	[tilespmem:$0x1FEA0] =	vst v63  }
0x35: {  	_ =	swait.ge [sflag:s18], $0x2800  }
0x36: {  	[sflag:s18] =	ssyncset.done $0x0  }
0x37: {  	[sflag:s18] =	ssyncadd.s32 $0xFFFFD800  }
0x38: {  	[spmem:s10] =	stream.linear.scatter [tilespmem:s17], [sflag:$0x4], $0x2800, $0x38;
	[tilespmem:$0x1FEA0] =	vst v63  }
0x39: {  	_ =	swait.ge [sflag:s18], $0x2800  }
0x3a: {  	[sflag:s18] =	ssyncset.done $0x0  }
0x3b: {  	[sflag:s18] =	ssyncadd.s32 $0xFFFFD800  }
0x3c: {  	[spmem:s11] =	stream.linear.scatter [tilespmem:s17], [sflag:$0x4], $0x2800, $0x38;
	[tilespmem:$0x1FEA0] =	vst v63  }
0x3d: {  	_ =	swait.ge [sflag:s18], $0x2800  }
0x3e: {  	[sflag:s18] =	ssyncset.done $0x0  }
0x3f: {  	[sflag:s18] =	ssyncadd.s32 $0xFFFFD800  }
0x40: {  	[spmem:s12] =	stream.linear.scatter [tilespmem:s17], [sflag:$0x4], $0x2080, $0x38;
	[tilespmem:$0x1FEA0] =	vst v63  }
0x41: {  	_ =	swait.ge [sflag:s18], $0x2080  }
0x42: {  	[sflag:s18] =	ssyncset.done $0x0  }
0x43: {  	[sflag:s18] =	ssyncadd.s32 $0xFFFFDF80  }
0x44: {  	s29 =	simm.s32 $0x0;
	[bflag:$0x0] =	sbarrier.arrive $0xFFFF  }
0x45: {  	[tilespmem:s29], [sflag:$0x4] =	stream.linear.gather [hbm4b:s13+s29], $0x2710, $0x38;
	[tilespmem:$0x1FEA0] =	vst v63  }
0x46: {  	_ =	swait.ge [sflag:s18], $0x2710  }
0x47: {  	[sflag:s18] =	ssyncset.done $0x0  }
0x48: {  	s28 =	simm.s32 $0x2710;
	[sflag:s18] =	ssyncadd.s32 $0xFFFFD8F0  }
0x49: {  	[tilespmem:s28], [sflag:$0x4] =	stream.linear.gather [hbm4b:s14+s29], $0x2710, $0x38;
	[tilespmem:$0x1FEA0] =	vst v63  }
0x4a: {  	_ =	swait.ge [sflag:s18], $0x2710  }
0x4b: {  	[sflag:s18] =	ssyncset.done $0x0  }
0x4c: {  	[sflag:s18] =	ssyncadd.s32 $0xFFFFD8F0  }
0x4d: {  	[tilespmem:s17], [sflag:$0x1] =	stream.indirect.gather [hbm4b:s2+s20], $0x80, s29, s20, $0xb8;
	[tilespmem:$0x1FEA0] =	vst v63  }
0x4e: {  	_ = 	snop  }
0x4f: {  	[tilespmem:s21], [sflag:$0x2] =	stream.indirect.gather [hbm4b:s2+s20], $0x80, s20, s20, $0xb8;
	[tilespmem:$0x1FEA0] =	vst v63  }
0x50: {  	s29 =	simm.s32 $0xA0  }
0x51: {  	[tilespmem:s23], [sflag:$0x3] =	stream.indirect.gather [hbm4b:s2+s20], $0x80, s29, s20, $0xb8;
	[tilespmem:$0x1FEA0] =	vst v63  }
0x52: {  	_ =	swait.ge [sflag:s24], $0x2800  }
0x53: {  	[sflag:s24] =	ssyncset.done $0x0  }
0x54: {  	s29 =	simm.s32 $0x2710;
	[sflag:s24] =	ssyncadd.s32 $0xFFFFD800  }
0x55: {  	[spmem:s3] =	stream.indirect.scatter.add.f32 [tilespmem:s17], [sflag:$0x4], $0x80, s29, s20, $0xb8;
	[tilespmem:$0x1FEA0] =	vst v63  }
0x56: {  	_ =	swait.ge [sflag:s18], $0x2800  }
0x57: {  	[sflag:s18] =	ssyncset.done $0x0  }
0x58: {  	s29 =	simm.s32 $0xF0;
	[sflag:s18] =	ssyncadd.s32 $0xFFFFD800  }
0x59: {  	[tilespmem:s17], [sflag:$0x1] =	stream.indirect.gather [hbm4b:s2+s20], $0x80, s29, s20, $0xb8;
	[tilespmem:$0x1FEA0] =	vst v63  }
0x5a: {  	_ =	swait.ge [sflag:s25], $0x2800  }
0x5b: {  	[sflag:s25] =	ssyncset.done $0x0  }
0x5c: {  	s29 =	simm.s32 $0x2760;
	[sflag:s25] =	ssyncadd.s32 $0xFFFFD800  }
0x5d: {  	[spmem:s3] =	stream.indirect.scatter.add.f32 [tilespmem:s21], [sflag:$0x4], $0x80, s29, s20, $0xb8;
	[tilespmem:$0x1FEA0] =	vst v63  }
0x5e: {  	_ =	swait.ge [sflag:s18], $0x2800  }
0x5f: {  	[sflag:s18] =	ssyncset.done $0x0  }
0x60: {  	s29 =	simm.s32 $0x140;
	[sflag:s18] =	ssyncadd.s32 $0xFFFFD800  }
0x61: {  	[tilespmem:s21], [sflag:$0x2] =	stream.indirect.gather [hbm4b:s2+s20], $0x80, s29, s20, $0xb8;
	[tilespmem:$0x1FEA0] =	vst v63  }
0x62: {  	_ =	swait.ge [sflag:s26], $0x2800  }
0x63: {  	[sflag:s26] =	ssyncset.done $0x0  }
0x64: {  	s29 =	simm.s32 $0x27B0;
	[sflag:s26] =	ssyncadd.s32 $0xFFFFD800  }
0x65: {  	[spmem:s3] =	stream.indirect.scatter.add.f32 [tilespmem:s23], [sflag:$0x4], $0x80, s29, s20, $0xb8;
	[tilespmem:$0x1FEA0] =	vst v63  }
0x66: {  	_ =	swait.ge [sflag:s18], $0x2800  }
0x67: {  	[sflag:s18] =	ssyncset.done $0x0  }
0x68: {  	s22 =	simm.s32 $0x3C0;
	s28 =	simm.s32 $0x190;
	[sflag:s18] =	ssyncadd.s32 $0xFFFFD800  }
.LBB2_4:
0x69: {  	[tilespmem:s23], [sflag:$0x3] =	stream.indirect.gather [hbm4b:s2+s20], $0x80, s28, s20, $0xb8;
	[tilespmem:$0x1FEA0] =	vst v63  }
0x6a: {  	s28 =	smov.u32 s22  }
0x6b: {  	p0 =	sne.s32 s22, $0x9240;
	s22 =	sadd.s32 $0x3C0, s22;
	_ =	swait.ge [sflag:s24], $0x2800  }
0x6c: {  	s28 =	sshra.s32 s28, $0x2;
	[sflag:s24] =	ssyncset.done $0x0  }
0x6d: {  	s29 =	sadd.s32 $0x2710, s28;
	[sflag:s24] =	ssyncadd.s32 $0xFFFFD800  }
0x6e: {  	[spmem:s3] =	stream.indirect.scatter.add.f32 [tilespmem:s17], [sflag:$0x4], $0x80, s29, s20, $0xb8;
	[tilespmem:$0x1FEA0] =	vst v63  }
0x6f: {  	_ =	swait.ge [sflag:s18], $0x2800  }
0x70: {  	[sflag:s18] =	ssyncset.done $0x0  }
0x71: {  	s29 =	sadd.s32 $0xF0, s28;
	[sflag:s18] =	ssyncadd.s32 $0xFFFFD800  }
0x72: {  	[tilespmem:s17], [sflag:$0x1] =	stream.indirect.gather [hbm4b:s2+s20], $0x80, s29, s20, $0xb8;
	[tilespmem:$0x1FEA0] =	vst v63  }
0x73: {  	_ =	swait.ge [sflag:s25], $0x2800  }
0x74: {  	[sflag:s25] =	ssyncset.done $0x0  }
0x75: {  	s29 =	sadd.s32 $0x2760, s28;
	[sflag:s25] =	ssyncadd.s32 $0xFFFFD800  }
0x76: {  	[spmem:s3] =	stream.indirect.scatter.add.f32 [tilespmem:s21], [sflag:$0x4], $0x80, s29, s20, $0xb8;
	[tilespmem:$0x1FEA0] =	vst v63  }
0x77: {  	_ =	swait.ge [sflag:s18], $0x2800  }
0x78: {  	[sflag:s18] =	ssyncset.done $0x0  }
0x79: {  	s29 =	sadd.s32 $0x140, s28;
	[sflag:s18] =	ssyncadd.s32 $0xFFFFD800  }
0x7a: {  	[tilespmem:s21], [sflag:$0x2] =	stream.indirect.gather [hbm4b:s2+s20], $0x80, s29, s20, $0xb8;
	[tilespmem:$0x1FEA0] =	vst v63  }
0x7b: {  	_ =	swait.ge [sflag:s26], $0x2800  }
0x7c: {  	[sflag:s26] =	ssyncset.done $0x0  }
.Ltmp1:
0x7d: {  	s29 =	sadd.s32 $0x27B0, s28;
	[sflag:s26] =	ssyncadd.s32 $0xFFFFD800;
	(pc) =	sbr.rel @p0 .LBB2_4-.Ltmp1, $4  }
0x7e: {  	[spmem:s3] =	stream.indirect.scatter.add.f32 [tilespmem:s23], [sflag:$0x4], $0x80, s29, s20, $0xb8;
	[tilespmem:$0x1FEA0] =	vst v63  }
0x7f: {  	_ =	swait.ge [sflag:s18], $0x2800  }
0x80: {  	[sflag:s18] =	ssyncset.done $0x0  }
0x81: {  	s28 =	sadd.s32 $0x190, s28;
	[sflag:s18] =	ssyncadd.s32 $0xFFFFD800  }
0x82: {  	[tilespmem:s23], [sflag:$0x3] =	stream.indirect.gather [hbm4b:s2+s20], $0x80, s28, s20, $0xb8;
	[tilespmem:$0x1FEA0] =	vst v63  }
0x83: {  	_ =	swait.ge [sflag:s24], $0x2800  }
0x84: {  	[sflag:s24] =	ssyncset.done $0x0  }
0x85: {  	s22 =	simm.s32 $0x4C90;
	[sflag:s24] =	ssyncadd.s32 $0xFFFFD800  }
0x86: {  	[spmem:s3] =	stream.indirect.scatter.add.f32 [tilespmem:s17], [sflag:$0x4], $0x80, s22, s20, $0xb8;
	[tilespmem:$0x1FEA0] =	vst v63  }
0x87: {  	_ =	swait.ge [sflag:s18], $0x2800  }
0x88: {  	[sflag:s18] =	ssyncset.done $0x0  }
0x89: {  	[sflag:s18] =	ssyncadd.s32 $0xFFFFD800  }
0x8a: {  	_ =	swait.ge [sflag:s25], $0x2800  }
0x8b: {  	[sflag:s25] =	ssyncset.done $0x0  }
0x8c: {  	s29 =	simm.s32 $0x4CE0;
	[sflag:s25] =	ssyncadd.s32 $0xFFFFD800  }
0x8d: {  	[spmem:s3] =	stream.indirect.scatter.add.f32 [tilespmem:s21], [sflag:$0x4], $0x80, s29, s20, $0xb8;
	[tilespmem:$0x1FEA0] =	vst v63  }
0x8e: {  	_ =	swait.ge [sflag:s18], $0x2800  }
0x8f: {  	[sflag:s18] =	ssyncset.done $0x0  }
0x90: {  	[sflag:s18] =	ssyncadd.s32 $0xFFFFD800  }
0x91: {  	_ =	swait.ge [sflag:s26], $0x2800  }
0x92: {  	[sflag:s26] =	ssyncset.done $0x0  }
0x93: {  	[sflag:s26] =	ssyncadd.s32 $0xFFFFD800  }
0x94: {  	[spmem:s3] =	stream.indirect.scatter.add.f32 [tilespmem:s23], [sflag:$0x4], $0x80, s30, s20, $0xb8;
	[tilespmem:$0x1FEA0] =	vst v63  }
0x95: {  	_ =	swait.ge [sflag:s18], $0x2800  }
0x96: {  	[sflag:s18] =	ssyncset.done $0x0  }
0x97: {  	[sflag:s18] =	ssyncadd.s32 $0xFFFFD800  }
0x98: {  	[tilespmem:s17], [sflag:$0x1] =	stream.indirect.gather [hbm4b:s2+s20], $0x80, s31, s20, $0xb8;
	[tilespmem:$0x1FEA0] =	vst v63  }
0x99: {  	_ =	swait.ge [sflag:s24], $0x2800  }
0x9a: {  	[sflag:s24] =	ssyncset.done $0x0  }
0x9b: {  	[sflag:s24] =	ssyncadd.s32 $0xFFFFD800  }
0x9c: {  	[spmem:s3] =	stream.indirect.scatter.add.f32 [tilespmem:s17], [sflag:$0x4], $0x80, s1, s20, $0xb8;
	[tilespmem:$0x1FEA0] =	vst v63  }
0x9d: {  	_ =	swait.ge [sflag:s18], $0x2800  }
0x9e: {  	[sflag:s18] =	ssyncset.done $0x0  }
0x9f: {  	[sflag:s18] =	ssyncadd.s32 $0xFFFFD800  }
0xa0: {  	[tilespmem:s21], [sflag:$0x2] =	stream.indirect.gather [hbm4b:s2+s20], $0x80, s0, s20, $0xb8;
	[tilespmem:$0x1FEA0] =	vst v63  }
0xa1: {  	_ =	swait.ge [sflag:s25], $0x2800  }
0xa2: {  	[sflag:s25] =	ssyncset.done $0x0  }
0xa3: {  	[sflag:s25] =	ssyncadd.s32 $0xFFFFD800  }
0xa4: {  	[spmem:s3] =	stream.indirect.scatter.add.f32 [tilespmem:s21], [sflag:$0x4], $0x80, s19, s20, $0xb8;
	[tilespmem:$0x1FEA0] =	vst v63  }
0xa5: {  	s28 =	stileid.u32;
	_ =	swait.ge [sflag:s18], $0x2800  }
0xa6: {  	s4 =	sadd.s32 $0x1, s4;
	s22 =	sshll.u32 s28, $0x6;
	[sflag:s18] =	ssyncset.done $0x0  }
0xa7: {  	p0 =	sne.s32 s4, s16;
	s22 =	sor.u32 $0x1C04, s22;
	[sflag:s18] =	ssyncadd.s32 $0xFFFFD800  }
.Ltmp2:
0xa8: {  	s29 =	sshrl.u32 s5, $0x3;
	[bflag:$0x0] =	sbarrier.arrive $0xFFFF;
	(pc) =	sbr.rel @p0 .LBB2_1-.Ltmp2, $4  }
0xa9: {  	[hbm:s15], [sflag:s22] =	dma.local [spmem:s29], $0x2710  }
0xaa: {  	_ =	swait.ge [sflag:s18], $0x2710  }
0xab: {  	[sflag:s18] =	ssyncset.done $0x0  }
0xac: {  	[sflag:s18] =	ssyncadd.s32 $0xFFFFD8F0  }
0xad: {  	_ =	sfence.sel $0x180000  }
0xae: {  	[bflag:$0x0] =	sbarrier.arrive $0xFFFF  }
0xaf: {  	_ =	strace $0x9000004D  }
0xb0: {  	s0 =	stileid.u32;
	[bflag:$0x2] =	sbarrier.arrive $0xFFFF  }
0xb1: {  	p0 =	sne.s32 s0, $0x0;
	s0 =	rddreg [dreg:$0x3]  }
0xb2: {  	s0 =	sadd.s32 @!p0 $0x100000, s0  }
0xb3: {  	[sflag:s0] =	ssyncadd.tile.s32 @!p0 $0x1;
	_ =	shalt  }
.Lfunc_end2:
_tile_overlayer_lowered:
.L_overlay_start_2:
0xb4: {  	(tag) =	ssettag $0x2  }
0xb5: {  	s0 =	rddreg [dreg:$0x0];
	s2 =	stileid.u32  }
0xb6: {  	s1 =	rddreg [dreg:$0x1];
	p0 =	sne.s32 s2, $0x0  }
0xb7: {  	s3 =	rddreg [dreg:$0x2];
	[bflag:$0x3] =	sbarrier.arrive $0xFFFF;
	s2 =	simm.s32 @!p0 $0x1C04  }
0xb8: {  	[timem:s3], [sflag:s2] =	dma.local @!p0 [hbm:s0], s1  }
0xb9: {  	s0 =	simm.s32 @!p0 $0x4  }
0xba: {  	_ =	swait.ge @!p0 [sflag:s0], s1  }
0xbb: {  	s1 =	ssub.s32 @!p0 $0x0, s1;
	[sflag:s0] =	ssyncset.done @!p0 $0x0  }
0xbc: {  	[sflag:s0] =	ssyncadd.s32 @!p0 s1  }
0xbd: {  	[bflag:$0x3] =	sbarrier.arrive $0xFFFF  }
0xbe: {  	_ =	shalt  }

// kernel: kernel.8.cloned.1.call-start
scs
__scs_entry_jumppad:
0x0: {  	(pc) =	sbr.rel $0x88, $3  }
0x1: {  	(tag) =	ssettag $0x0;
	lr =	simm.s32 $0x1  }
0x2: {  	[smem:$0x3F9D] =	sst lr;
	_ =	strace $0xD0000000  }
0x3: {  	_ = 	snop  }
0x4: {  	_ = 	snop  }
0x5: {  	_ = 	snop  }
0x6: {  	_ = 	snop  }
0x7: {  	_ = 	snop  }
__scs_overlays_trampoline_lowered:
0x8: {  	[smem:$0x3FAC] =	sst s0  }
0x9: {  	[smem:$0x3FAD] =	sst s1  }
0xa: {  	[smem:$0x3FAE] =	sst s2  }
0xb: {  	[smem:$0x3FAF] =	sst s3  }
0xc: {  	[smem:$0x3FB0] =	sst s4  }
0xd: {  	[smem:$0x3FB1] =	sst s5  }
0xe: {  	[smem:$0x3FB2] =	sst s6  }
0xf: {  	[smem:$0x3FB3] =	sst s7  }
0x10: {  	[smem:$0x3FB4] =	sst s8  }
0x11: {  	[smem:$0x3FB5] =	sst s9;
	s0 =	simm.s32 @!p0 $0x0  }
0x12: {  	s1 =	sld [smem:$0x3F9B];
	s0 =	simm.s32 @p0 $0x1  }
0x13: {  	[smem:$0x3FB6] =	sst s0;
	s0 =	simm.s32 @!p1 $0x0  }
0x14: {  	s2 =	sld [smem:$0x3F9A];
	s0 =	simm.s32 @p1 $0x1  }
0x15: {  	[smem:$0x3FB7] =	sst s0;
	s0 =	simm.s32 @!p2 $0x0  }
0x16: {  	s3 =	sld [smem:$0x3FDB];
	s0 =	simm.s32 @p2 $0x1  }
0x17: {  	s4 =	simm.s32 $0x1BF5;
	[smem:$0x3FB9] =	sst s0  }
0x18: {  	s0 =	sld [smem:$0x3F9C];
	_ =	swait.ge [sflag:s4], $0x0  }
0x19: {  	s7 =	sld [smem:$0x3F9D]  }
0x1a: {  	s8 =	sadd.s32 $0xFFFFE003, lr  }
0x1b: {  	s9 =	sadd.s32 $0xFFFFFEF7, lr;
	s5 =	simm.s32 $0xFFFFFFFF;
	p2 =	slt.u32 s8, $0xFFFFF086  }
0x1c: {  	p1 =	slt.u32 s9, $0xF7A;
	s5 =	simm.s32 @!p2 $0x0  }
0x1d: {  	s5 =	simm.s32 @p1 $0x1;
	p0 =	seq.s32 s7, s2  }
0x1e: {  	s7 =	smul.u32 @!p0 $0xF7A, s2;
	p2 =	seq.s32 @!p0 s5, $0x0  }
0x1f: {  	s9 =	smul.u32 $0xF7A, s1;
	s8 =	simm.s32 @!p0 $0x1BF5;
	p2 =	por !p2, p0  }
0x20: {  	[sflag:s8] =	ssyncset.s32 @!p0 $0xFFFFF086;
	s6 =	sadd.s32 @!p0 s3, s7;
	s7 =	simm.s32 @!p0 $0x108  }
0x21: {  	s3 =	sadd.s32 s3, s9;
	s6 =	sadd.s32 @!p0 $0x88, s6;
	s7 =	simm.s32 @p2 $0x1082  }
0x22: {  	[simem:s7], [sflag:s8] =	dma.local @!p0 [hbm:s6], $0xF7A  }
0x23: {  	s9 =	sor.u32 $0xD0000000, s2;
	s6 =	simm.s32 $0x108;
	_ =	swait.ge @!p0 [sflag:s8], $0x0  }
0x24: {  	s3 =	sadd.s32 $0x88, s3;
	s6 =	simm.s32 @!p1 $0x1082;
	[sflag:s4] =	ssyncset.s32 $0xFFFFF086  }
0x25: {  	[simem:s6], [sflag:s4] =	dma.local [hbm:s3], $0xF7A  }
0x26: {  	[smem:$0x3F9D] =	sst s1;
	(tag) =	ssettag s2;
	_ =	strace s9  }
0x27: {  	s1 =	sld [smem:$0x3FAD]  }
0x28: {  	s2 =	sld [smem:$0x3FAE]  }
0x29: {  	s4 =	sld [smem:$0x3FB0]  }
0x2a: {  	p0 =	seq.s32 s5, $0x0;
	s5 =	sld [smem:$0x3FB1]  }
0x2b: {  	s6 =	sld [smem:$0x3FB2]  }
0x2c: {  	s7 =	sld [smem:$0x3FB3]  }
0x2d: {  	s3 =	simm.s32 $0x108;
	s8 =	sld [smem:$0x3FB4]  }
0x2e: {  	s3 =	simm.s32 @!p0 $0x1082;
	s9 =	sld [smem:$0x3FB5]  }
0x2f: {  	lr =	sadd.s32 s0, s3;
	s0 =	sld [smem:$0x3FAC]  }
0x30: {  	s3 =	sld [smem:$0x3FAF]  }
0x31: {  	[smem:$0x3FB8] =	sst s10  }
0x32: {  	s10 =	sld [smem:$0x3FB6];
	_ =	sdelay $0x3  }
0x33: {  	p0 =	seq.s32 s10, $0x1;
	s10 =	sld [smem:$0x3FB8];
	_ =	sdelay $0x3  }
0x34: {  	[smem:$0x3FB8] =	sst s10  }
0x35: {  	s10 =	sld [smem:$0x3FB7];
	_ =	sdelay $0x3  }
0x36: {  	p1 =	seq.s32 s10, $0x1;
	s10 =	sld [smem:$0x3FB8];
	_ =	sdelay $0x3  }
0x37: {  	[smem:$0x3FB8] =	sst s10  }
0x38: {  	s10 =	sld [smem:$0x3FB9]  }
0x39: {  	_ = 	snop;
	(pc) =	sbr.ind lr, $3  }
0x3a: {  	_ = 	snop  }
0x3b: {  	_ = 	snop  }
0x3c: {  	p2 =	seq.s32 s10, $0x1;
	s10 =	sld [smem:$0x3FB8]  }
0x3d: {  	_ =	shalt  }
0x3e: {  	_ =	shalt  }
0x3f: {  	_ =	shalt  }
0x40: {  	_ =	shalt  }
0x41: {  	_ =	shalt  }
0x42: {  	_ =	shalt  }
0x43: {  	_ =	shalt  }
0x44: {  	_ =	shalt  }
0x45: {  	_ =	shalt  }
0x46: {  	_ =	shalt  }
0x47: {  	_ =	shalt  }
0x48: {  	_ =	shalt  }
0x49: {  	_ =	shalt  }
0x4a: {  	_ =	shalt  }
0x4b: {  	_ =	shalt  }
0x4c: {  	_ =	shalt  }
0x4d: {  	_ =	shalt  }
0x4e: {  	_ =	shalt  }
0x4f: {  	_ =	shalt  }
0x50: {  	_ =	shalt  }
0x51: {  	_ =	shalt  }
0x52: {  	_ =	shalt  }
0x53: {  	_ =	shalt  }
0x54: {  	_ =	shalt  }
0x55: {  	_ =	shalt  }
0x56: {  	_ =	shalt  }
0x57: {  	_ =	shalt  }
0x58: {  	_ =	shalt  }
0x59: {  	_ =	shalt  }
0x5a: {  	_ =	shalt  }
0x5b: {  	_ =	shalt  }
0x5c: {  	_ =	shalt  }
0x5d: {  	_ =	shalt  }
0x5e: {  	_ =	shalt  }
0x5f: {  	_ =	shalt  }
0x60: {  	_ =	shalt  }
0x61: {  	_ =	shalt  }
0x62: {  	_ =	shalt  }
0x63: {  	_ =	shalt  }
0x64: {  	_ =	shalt  }
0x65: {  	_ =	shalt  }
0x66: {  	_ =	shalt  }
0x67: {  	_ =	shalt  }
0x68: {  	_ =	shalt  }
0x69: {  	_ =	shalt  }
0x6a: {  	_ =	shalt  }
0x6b: {  	_ =	shalt  }
0x6c: {  	_ =	shalt  }
0x6d: {  	_ =	shalt  }
0x6e: {  	_ =	shalt  }
0x6f: {  	_ =	shalt  }
0x70: {  	_ =	shalt  }
0x71: {  	_ =	shalt  }
0x72: {  	_ =	shalt  }
0x73: {  	_ =	shalt  }
0x74: {  	_ =	shalt  }
0x75: {  	_ =	shalt  }
0x76: {  	_ =	shalt  }
0x77: {  	_ =	shalt  }
0x78: {  	_ =	shalt  }
0x79: {  	_ =	shalt  }
0x7a: {  	_ =	shalt  }
0x7b: {  	_ =	shalt  }
0x7c: {  	_ =	shalt  }
0x7d: {  	_ =	shalt  }
0x7e: {  	_ =	shalt  }
0x7f: {  	_ =	shalt  }
0x80: {  	_ =	shalt  }
0x81: {  	_ =	shalt  }
0x82: {  	_ =	shalt  }
0x83: {  	_ =	shalt  }
0x84: {  	_ =	shalt  }
0x85: {  	_ =	shalt  }
0x86: {  	_ =	shalt  }
0x87: {  	_ =	shalt  }
.Lfunc_end0:
.L_simem_size_0:
called_computation_lowered:
.L_overlay_start_0:
0x88: {  	s2 =	sld [smem:$0x3FD9]  }
0x89: {  	s3 =	sld [smem:$0x3FFE];
	_ =	sdelay $0x1  }
0x8a: {  	s1 =	srdreg.scid  }
0x8b: {  	s0 =	sand.u32 $0x1, s1  }
0x8c: {  	s17 =	sshll.u32 s0, $0xA;
	s2 =	sadd.s32 s3, s2  }
0x8d: {  	s2 =	sadd.s32 s2, s17  }
0x8e: {  	[smem:$0x3FC4] =	sst s2  }
0x8f: {  	_ = 	snop  }
0x90: {  	s2 =	sld [smem:$0x3FD0];
	(tm) =	ssettm $0x1  }
0x91: {  	s18 =	sld [smem:$0x3FFB];
	_ =	sdelay $0x3  }
0x92: {  	_ =	strace s18  }
0x93: {  	s3 =	sld [smem:$0x3FFC];
	_ =	sdelay $0x3  }
0x94: {  	_ =	strace s3  }
0x95: {  	s3 =	sld [smem:$0x3FFD];
	_ =	sdelay $0x3  }
0x96: {  	_ =	strace s3  }
0x97: {  	_ =	strace $0x8FFFFFFF  }
0x98: {  	s19 =	sld [smem:$0x3FDB];
	_ =	sdelay $0x1  }
0x99: {  	s4 =	simm.s32 $_scs_section_size  }
0x9a: {  	s5 =	simm.s32 $_size__tile_overlayer_lowered;
	s6 =	simm.s32 $_tile_overlayer_lowered  }
0x9b: {  	s22 =	simm.s32 $0x1BFF;
	s21 =	sshll.u32 s6, $0x1;
	s3 =	sadd.s32 s4, s19  }
0x9c: {  	s7 =	simm.s32 $0x0;
	s20 =	sshll.u32 s5, $0x1;
	s5 =	sadd.s32 s21, s3  }
0x9d: {  	[timem:s7], [sflag:s22] =	dma.local [hbm:s5], s20  }
0x9e: {  	_ =	swait.ge [sflag:s22], s20  }
0x9f: {  	s4 =	ssub.s32 $0x0, s20;
	[sflag:s22] =	ssyncset.done $0x0  }
0xa0: {  	[sflag:s22] =	ssyncadd.s32 s4;
	_ =	sdelay $0x1  }
0xa1: {  	s23 =	simm.s32 $0x1B8B  }
0xa2: {  	_ =	swait.ge [sflag:s23], $0x1  }
0xa3: {  	[sflag:s23] =	ssyncset.done $0x0  }
0xa4: {  	s25 =	simm.s32 $0x1B8E;
	s24 =	sld [smem:$0x3FFE];
	[sflag:s23] =	ssyncadd.s32 $0xFFFFFFFF  }
0xa5: {  	s26 =	simm.s32 $execute0_lowered;
	[smem:$0x3FD2] =	sst s25  }
0xa6: {  	s5 =	sshll.u32 s26, $0x1;
	_ =	strace $0x80000046;
	[dreg:$0x1] =	wrdreg $0xFFFFFFFF  }
0xa7: {  	s28 =	simm.s32 $_size_execute0_lowered;
	s3 =	sadd.s32 s3, s5;
	[dreg:$0x0] =	wrdreg $0x0  }
0xa8: {  	s5 =	sshll.u32 s28, $0x1;
	[dreg:$0x2] =	wrdreg s3  }
0xa9: {  	[dreg:$0x3] =	wrdreg s5  }
0xaa: {  	[dreg:$0x4] =	wrdreg $0xC0  }
0xab: {  	_ =	task [dreg:s7], $0x5FFFF  }
0xac: {  	[dreg:$0x1] =	wrdreg $0xFFFFFFFF  }
0xad: {  	[dreg:$0x0] =	wrdreg $0x60  }
0xae: {  	[dreg:$0x2] =	wrdreg s24  }
0xaf: {  	[dreg:$0x3] =	wrdreg s2  }
0xb0: {  	[dreg:$0x4] =	wrdreg $0x56400  }
0xb1: {  	[dreg:$0x5] =	wrdreg $0x58B80  }
0xb2: {  	[dreg:$0x6] =	wrdreg $0x9  }
0xb3: {  	_ =	task.clear_ibuf [dreg:s7], $0x7FFFF;
	_ =	strace $0x90000046  }
0xb4: {  	s29 =	simm.s32 $0x9;
	_ =	strace $0x80000048  }
0xb5: {  	_ =	swait.ge [sflag:s29], $0x1  }
0xb6: {  	[sflag:s29] =	ssyncadd.s32 $0xFFFFFFFF  }
0xb7: {  	_ =	strace $0x90000048  }
0xb8: {  	_ =	sfence  }
0xb9: {  	s30 =	sld [smem:$0x0];
	_ =	sdelay $0x2  }
0xba: {  	s31 =	sshll.u32 s1, $0xD;
	s1 =	sshrl.u32 s1, $0x2  }
0xbb: {  	s3 =	sand.u32 $0x4000, s31;
	s1 =	sadd.s32 s1, s30  }
0xbc: {  	s0 =	sor.u32 s3, s0;
	s1 =	sshll.u32 s1, $0x11  }
0xbd: {  	s0 =	sor.u32 s1, s0  }
0xbe: {  	s0 =	sadd.s32 $0x8F2B, s0  }
0xbf: {  	[sflag:s0] =	ssyncadd.remote.s32 $0x1  }
0xc0: {  	_ =	sfence.sel $0xFFFF  }
0xc1: {  	[dreg:$0x0] =	wrdreg $0xFFFFFFFF;
	(pc) =	sbr.abs _section_cstart, $3  }
0xc2: {  	[dreg:$0x1] =	wrdreg $0xFFFFFFFF  }
0xc3: {  	_ =	task.clear_ibuf [dreg:s7], $0x2FFFF;
	_ =	strace $0x9FFFFFFF  }
0xc4: {  	(tm) =	ssettm $0x7FFFFFFF  }
0xc5: {  	_ =	shalt  }
tec
execute0_lowered:
.L_overlay_start_1:
0x0: {  	(tag) =	ssettag $0x1  }
0x1: {  	s4 =	rddreg [dreg:$0x0]  }
0x2: {  	s0 =	srdreg.scid;
	s5 =	rddreg [dreg:$0x1]  }
0x3: {  	s17 =	stileid.u32;
	s1 =	rddreg [dreg:$0x2]  }
0x4: {  	s18 =	simm.s32 $0x2;
	s19 =	simm.s32 $0x2710;
	s20 =	simm.s32 $0x50  }
0x5: {  	s21 =	simm.s32 $0x4E20;
	s22 =	simm.s32 $0x2760;
	s23 =	simm.s32 $0xA0  }
0x6: {  	s28 =	simm.s32 $0x140;
	s29 =	simm.s32 $0x2850;
	s30 =	simm.s32 $0x1  }
0x7: {  	s0 =	sand.u32 $0x1, s0;
	s25 =	sadd.s32 $0x7D0, s1;
	s31 =	sadd.s32 $0xFA0, s1  }
0x8: {  	s8 =	sadd.s32 $0x1770, s1;
	s10 =	sadd.s32 $0x1F40, s1;
	p0 =	sne.s32 s17, $0x0  }
0x9: {  	s2 =	sshll.u32 s0, $0x4;
	s7 =	ssub.s32 $0x2, s0;
	s0 =	smul.u32 $0x4E20, s0  }
0xa: {  	s3 =	sor.u32 s17, s2;
	s2 =	rddreg [dreg:$0x3];
	s24 =	sshrl.u32 s7, $0x1  }
0xb: {  	s17 =	simm.s32 $0x4E70;
	s6 =	smul.u32 $0x2710, s3;
	s3 =	simm.s32 $0x0  }
0xc: {  	s16 =	ssub.s32 s7, s24;
	s26 =	sadd.s32 $0x7D0, s2;
	s7 =	sadd.s32 $0xFA0, s2  }
0xd: {  	s9 =	sadd.s32 $0x1770, s2;
	s0 =	sshrl.u32 s0, $0x3;
	[smem:$0x7FF] =	sst s3  }
0xe: {  	s11 =	sadd.s32 $0x1F40, s2;
	_ =	strace $0x80000047;
	[dreg:$0x5] =	wrdreg s25  }
0xf: {  	s24 =	simm.s32 $0x27B0;
	s12 =	sadd.s32 s5, s0;
	[dreg:$0x6] =	wrdreg s26  }
0x10: {  	s16 =	smax.u32 s16, $0x1;
	s6 =	sshrl.u32 s6, $0x3;
	[dreg:$0x7] =	wrdreg s31  }
0x11: {  	s15 =	sadd.s32 $0x4E2, s12;
	s25 =	simm.s32 $0xF0;
	s4 =	sadd.s32 s6, s4  }
0x12: {  	v0 =	vimm.f32 $0.0e+00;
	v1 =	vimm.f32 $1.000000000e+00;
	s26 =	simm.s32 $0x2800;
	s13 =	sadd.s32 $0x2000, s4;
	s14 =	sadd.s32 $0xBC40, s4  }
.LBB2_1:
.Ltmp0:
0x13: {  	(pc) =	sbr.rel @p0 .LBB2_5-.Ltmp0, $1  }
0x14: {  	_ =	sdelay $0x3  }
0x15: {  	s0 =	simm.s32 $0x40;
	s4 =	simm.s32 $0x0  }
.LBB2_3:
0x16: {  	p1 =	sne.s32 s0, $0x1F00;
	[tilespmem:s4+$0x4E70] =	vst v0;
	s4 =	smov.u32 s0;
	s0 =	sadd.s32 $0x40, s0  }
.Ltmp1:
0x17: {  	(pc) =	sbr.rel @p1 .LBB2_3-.Ltmp1, $2  }
0x18: {  	_ =	sdelay $0x2  }
0x19: {  	s4 =	sshra.s32 s4, $0x2  }
0x1a: {  	[tilespmem:s4+$0x4E70] =	vst v0  }
0x1b: {  	[spmem:s1] =	stream.linear.scatter [tilespmem:s17], [sflag:$0x2], $0x7D0, $0x38;
	[tilespmem:$0x5B30] =	vst v63  }
0x1c: {  	_ =	swait.ge [sflag:s18], $0x7D0  }
0x1d: {  	[sflag:s18] =	ssyncset.done $0x0  }
0x1e: {  	[sflag:s18] =	ssyncadd.s32 $0xFFFFF830  }
0x1f: {  	[spmem:s2] =	stream.linear.scatter [tilespmem:s17], [sflag:$0x2], $0x7D0, $0x38;
	[tilespmem:$0x5B30] =	vst v63  }
0x20: {  	_ =	swait.ge [sflag:s18], $0x7D0  }
0x21: {  	[sflag:s18] =	ssyncset.done $0x0  }
0x22: {  	s0 =	rddreg [dreg:$0x5];
	[sflag:s18] =	ssyncadd.s32 $0xFFFFF830  }
0x23: {  	[spmem:s0] =	stream.linear.scatter [tilespmem:s17], [sflag:$0x2], $0x7D0, $0x38;
	[tilespmem:$0x5B30] =	vst v63  }
0x24: {  	_ =	swait.ge [sflag:s18], $0x7D0  }
0x25: {  	[sflag:s18] =	ssyncset.done $0x0  }
0x26: {  	s6 =	rddreg [dreg:$0x6];
	[sflag:s18] =	ssyncadd.s32 $0xFFFFF830  }
0x27: {  	[spmem:s6] =	stream.linear.scatter [tilespmem:s17], [sflag:$0x2], $0x7D0, $0x38;
	[tilespmem:$0x5B30] =	vst v63  }
0x28: {  	_ =	swait.ge [sflag:s18], $0x7D0  }
0x29: {  	[sflag:s18] =	ssyncset.done $0x0  }
0x2a: {  	s31 =	rddreg [dreg:$0x7];
	[sflag:s18] =	ssyncadd.s32 $0xFFFFF830  }
0x2b: {  	[spmem:s31] =	stream.linear.scatter [tilespmem:s17], [sflag:$0x2], $0x7D0, $0x38;
	[tilespmem:$0x5B30] =	vst v63  }
0x2c: {  	_ =	swait.ge [sflag:s18], $0x7D0  }
0x2d: {  	[sflag:s18] =	ssyncset.done $0x0  }
0x2e: {  	[sflag:s18] =	ssyncadd.s32 $0xFFFFF830  }
0x2f: {  	[spmem:s7] =	stream.linear.scatter [tilespmem:s17], [sflag:$0x2], $0x7D0, $0x38;
	[tilespmem:$0x5B30] =	vst v63  }
0x30: {  	_ =	swait.ge [sflag:s18], $0x7D0  }
0x31: {  	[sflag:s18] =	ssyncset.done $0x0  }
0x32: {  	[sflag:s18] =	ssyncadd.s32 $0xFFFFF830  }
0x33: {  	[spmem:s8] =	stream.linear.scatter [tilespmem:s17], [sflag:$0x2], $0x7D0, $0x38;
	[tilespmem:$0x5B30] =	vst v63  }
0x34: {  	_ =	swait.ge [sflag:s18], $0x7D0  }
0x35: {  	[sflag:s18] =	ssyncset.done $0x0  }
0x36: {  	[sflag:s18] =	ssyncadd.s32 $0xFFFFF830  }
0x37: {  	[spmem:s9] =	stream.linear.scatter [tilespmem:s17], [sflag:$0x2], $0x7D0, $0x38;
	[tilespmem:$0x5B30] =	vst v63  }
0x38: {  	_ =	swait.ge [sflag:s18], $0x7D0  }
0x39: {  	[sflag:s18] =	ssyncset.done $0x0  }
0x3a: {  	[sflag:s18] =	ssyncadd.s32 $0xFFFFF830  }
0x3b: {  	[spmem:s10] =	stream.linear.scatter [tilespmem:s17], [sflag:$0x2], $0x7D0, $0x38;
	[tilespmem:$0x5B30] =	vst v63  }
0x3c: {  	_ =	swait.ge [sflag:s18], $0x7D0  }
0x3d: {  	[sflag:s18] =	ssyncset.done $0x0  }
0x3e: {  	[sflag:s18] =	ssyncadd.s32 $0xFFFFF830  }
0x3f: {  	[spmem:s11] =	stream.linear.scatter [tilespmem:s17], [sflag:$0x2], $0x7D0, $0x38;
	[tilespmem:$0x5B30] =	vst v63  }
0x40: {  	_ =	swait.ge [sflag:s18], $0x7D0  }
0x41: {  	[sflag:s18] =	ssyncset.done $0x0  }
0x42: {  	[sflag:s18] =	ssyncadd.s32 $0xFFFFF830  }
.LBB2_5:
0x43: {  	[tilespmem:$0x4E20] =	vst v1  }
0x44: {  	[tilespmem:$0x4E30] =	vst v1  }
0x45: {  	[tilespmem:$0x4E40] =	vst v1  }
0x46: {  	[tilespmem:$0x4E50] =	vst v1  }
0x47: {  	[tilespmem:$0x4E60] =	vst v1  }
0x48: {  	s0 =	simm.s32 $0x0;
	[bflag:$0x0] =	sbarrier.arrive $0xFFFF  }
0x49: {  	[tilespmem:s0], [sflag:$0x2] =	stream.linear.gather [hbm4b:s13+s0], $0x2710, $0x38;
	[tilespmem:$0x5B30] =	vst v63  }
0x4a: {  	_ =	swait.ge [sflag:s18], $0x2710  }
0x4b: {  	[sflag:s18] =	ssyncset.done $0x0  }
0x4c: {  	[sflag:s18] =	ssyncadd.s32 $0xFFFFD8F0  }
0x4d: {  	[tilespmem:s19], [sflag:$0x2] =	stream.linear.gather [hbm4b:s14+s0], $0x2710, $0x38;
	[tilespmem:$0x5B30] =	vst v63  }
0x4e: {  	_ =	swait.ge [sflag:s18], $0x2710  }
0x4f: {  	[sflag:s18] =	ssyncset.done $0x0  }
0x50: {  	[sflag:s18] =	ssyncadd.s32 $0xFFFFD8F0  }
0x51: {  	[spmem:s1] =	stream.indirect.scatter.add.f32 [tilespmem:s21], [sflag:$0x1], $0x1, s0, s20, $0xb8;
	[tilespmem:$0x5B30] =	vst v63  }
0x52: {  	_ = 	snop  }
0x53: {  	[spmem:s2] =	stream.indirect.scatter.add.f32 [tilespmem:s21], [sflag:$0x1], $0x1, s19, s20, $0xb8;
	[tilespmem:$0x5B30] =	vst v63  }
0x54: {  	_ = 	snop  }
0x55: {  	[spmem:s1] =	stream.indirect.scatter.add.f32 [tilespmem:s21], [sflag:$0x1], $0x1, s20, s20, $0xb8;
	[tilespmem:$0x5B30] =	vst v63  }
0x56: {  	_ = 	snop  }
0x57: {  	[spmem:s2] =	stream.indirect.scatter.add.f32 [tilespmem:s21], [sflag:$0x1], $0x1, s22, s20, $0xb8;
	[tilespmem:$0x5B30] =	vst v63  }
0x58: {  	_ = 	snop  }
0x59: {  	[spmem:s1] =	stream.indirect.scatter.add.f32 [tilespmem:s21], [sflag:$0x1], $0x1, s23, s20, $0xb8;
	[tilespmem:$0x5B30] =	vst v63  }
0x5a: {  	_ = 	snop  }
0x5b: {  	[spmem:s2] =	stream.indirect.scatter.add.f32 [tilespmem:s21], [sflag:$0x1], $0x1, s24, s20, $0xb8;
	[tilespmem:$0x5B30] =	vst v63  }
0x5c: {  	_ = 	snop  }
0x5d: {  	[spmem:s1] =	stream.indirect.scatter.add.f32 [tilespmem:s21], [sflag:$0x1], $0x1, s25, s20, $0xb8;
	[tilespmem:$0x5B30] =	vst v63  }
0x5e: {  	_ = 	snop  }
0x5f: {  	[spmem:s2] =	stream.indirect.scatter.add.f32 [tilespmem:s21], [sflag:$0x1], $0x1, s26, s20, $0xb8;
	[tilespmem:$0x5B30] =	vst v63  }
0x60: {  	_ = 	snop  }
0x61: {  	[spmem:s1] =	stream.indirect.scatter.add.f32 [tilespmem:s21], [sflag:$0x1], $0x1, s28, s20, $0xb8;
	[tilespmem:$0x5B30] =	vst v63  }
0x62: {  	_ = 	snop  }
0x63: {  	[spmem:s2] =	stream.indirect.scatter.add.f32 [tilespmem:s21], [sflag:$0x1], $0x1, s29, s20, $0xb8;
	[tilespmem:$0x5B30] =	vst v63  }
0x64: {  	s6 =	simm.s32 $0x190  }
0x65: {  	[spmem:s1] =	stream.indirect.scatter.add.f32 [tilespmem:s21], [sflag:$0x1], $0x1, s6, s20, $0xb8;
	[tilespmem:$0x5B30] =	vst v63  }
0x66: {  	s4 =	simm.s32 $0x28A0  }
0x67: {  	[spmem:s2] =	stream.indirect.scatter.add.f32 [tilespmem:s21], [sflag:$0x1], $0x1, s4, s20, $0xb8;
	[tilespmem:$0x5B30] =	vst v63  }
0x68: {  	s5 =	simm.s32 $0x1E0  }
0x69: {  	[spmem:s1] =	stream.indirect.scatter.add.f32 [tilespmem:s21], [sflag:$0x1], $0x1, s5, s20, $0xb8;
	[tilespmem:$0x5B30] =	vst v63  }
0x6a: {  	s6 =	simm.s32 $0x28F0  }
0x6b: {  	[spmem:s2] =	stream.indirect.scatter.add.f32 [tilespmem:s21], [sflag:$0x1], $0x1, s6, s20, $0xb8;
	[tilespmem:$0x5B30] =	vst v63  }
0x6c: {  	s4 =	simm.s32 $0x230  }
0x6d: {  	[spmem:s1] =	stream.indirect.scatter.add.f32 [tilespmem:s21], [sflag:$0x1], $0x1, s4, s20, $0xb8;
	[tilespmem:$0x5B30] =	vst v63  }
0x6e: {  	s5 =	simm.s32 $0x2940  }
0x6f: {  	[spmem:s2] =	stream.indirect.scatter.add.f32 [tilespmem:s21], [sflag:$0x1], $0x1, s5, s20, $0xb8;
	[tilespmem:$0x5B30] =	vst v63  }
0x70: {  	s6 =	simm.s32 $0x280  }
0x71: {  	[spmem:s1] =	stream.indirect.scatter.add.f32 [tilespmem:s21], [sflag:$0x1], $0x1, s6, s20, $0xb8;
	[tilespmem:$0x5B30] =	vst v63  }
0x72: {  	s4 =	simm.s32 $0x2990  }
0x73: {  	[spmem:s2] =	stream.indirect.scatter.add.f32 [tilespmem:s21], [sflag:$0x1], $0x1, s4, s20, $0xb8;
	[tilespmem:$0x5B30] =	vst v63  }
0x74: {  	s5 =	simm.s32 $0x2D0  }
0x75: {  	[spmem:s1] =	stream.indirect.scatter.add.f32 [tilespmem:s21], [sflag:$0x1], $0x1, s5, s20, $0xb8;
	[tilespmem:$0x5B30] =	vst v63  }
0x76: {  	s6 =	simm.s32 $0x29E0  }
0x77: {  	[spmem:s2] =	stream.indirect.scatter.add.f32 [tilespmem:s21], [sflag:$0x1], $0x1, s6, s20, $0xb8;
	[tilespmem:$0x5B30] =	vst v63  }
0x78: {  	_ =	swait.ge [sflag:s30], $0x50  }
0x79: {  	[sflag:s30] =	ssyncset.done $0x0  }
0x7a: {  	[sflag:s30] =	ssyncadd.s32 $0xFFFFFFB0  }
0x7b: {  	_ =	swait.ge [sflag:s30], $0x50  }
0x7c: {  	[sflag:s30] =	ssyncset.done $0x0  }
0x7d: {  	[sflag:s30] =	ssyncadd.s32 $0xFFFFFFB0  }
0x7e: {  	_ =	swait.ge [sflag:s30], $0x50  }
0x7f: {  	[sflag:s30] =	ssyncset.done $0x0  }
0x80: {  	[sflag:s30] =	ssyncadd.s32 $0xFFFFFFB0  }
0x81: {  	_ =	swait.ge [sflag:s30], $0x50  }
0x82: {  	[sflag:s30] =	ssyncset.done $0x0  }
0x83: {  	[sflag:s30] =	ssyncadd.s32 $0xFFFFFFB0  }
0x84: {  	_ =	swait.ge [sflag:s30], $0x50  }
0x85: {  	[sflag:s30] =	ssyncset.done $0x0  }
0x86: {  	[sflag:s30] =	ssyncadd.s32 $0xFFFFFFB0  }
0x87: {  	_ =	swait.ge [sflag:s30], $0x50  }
0x88: {  	[sflag:s30] =	ssyncset.done $0x0  }
0x89: {  	[sflag:s30] =	ssyncadd.s32 $0xFFFFFFB0  }
0x8a: {  	_ =	swait.ge [sflag:s30], $0x50  }
0x8b: {  	[sflag:s30] =	ssyncset.done $0x0  }
0x8c: {  	[sflag:s30] =	ssyncadd.s32 $0xFFFFFFB0  }
0x8d: {  	_ =	swait.ge [sflag:s30], $0x50  }
0x8e: {  	[sflag:s30] =	ssyncset.done $0x0  }
0x8f: {  	[sflag:s30] =	ssyncadd.s32 $0xFFFFFFB0  }
0x90: {  	_ =	swait.ge [sflag:s30], $0x50  }
0x91: {  	[sflag:s30] =	ssyncset.done $0x0  }
0x92: {  	[sflag:s30] =	ssyncadd.s32 $0xFFFFFFB0  }
0x93: {  	_ =	swait.ge [sflag:s30], $0x50  }
0x94: {  	s31 =	simm.s32 $0xC80;
	s4 =	simm.s32 $0x190;
	[sflag:s30] =	ssyncset.done $0x0  }
.LBB2_6:
0x95: {  	s6 =	sadd.s32 $0x190, s4  }
0x96: {  	[sflag:s30] =	ssyncadd.s32 $0xFFFFFFB0;
	s0 =	smov.u32 s31;
	s5 =	sadd.s32 $0x640, s31  }
0x97: {  	[spmem:s1] =	stream.indirect.scatter.add.f32 [tilespmem:s21], [sflag:$0x1], $0x1, s6, s20, $0xb8;
	[tilespmem:$0x5B30] =	vst v63  }
0x98: {  	p1 =	sne.s32 s31, $0x8FC0;
	s6 =	sadd.s32 $0x28A0, s4  }
0x99: {  	[spmem:s2] =	stream.indirect.scatter.add.f32 [tilespmem:s21], [sflag:$0x1], $0x1, s6, s20, $0xb8;
	[tilespmem:$0x5B30] =	vst v63  }
0x9a: {  	s6 =	sadd.s32 $0x1E0, s4  }
0x9b: {  	[spmem:s1] =	stream.indirect.scatter.add.f32 [tilespmem:s21], [sflag:$0x1], $0x1, s6, s20, $0xb8;
	[tilespmem:$0x5B30] =	vst v63  }
0x9c: {  	s6 =	sadd.s32 $0x28F0, s4  }
0x9d: {  	[spmem:s2] =	stream.indirect.scatter.add.f32 [tilespmem:s21], [sflag:$0x1], $0x1, s6, s20, $0xb8;
	[tilespmem:$0x5B30] =	vst v63  }
0x9e: {  	s6 =	sadd.s32 $0x230, s4  }
0x9f: {  	[spmem:s1] =	stream.indirect.scatter.add.f32 [tilespmem:s21], [sflag:$0x1], $0x1, s6, s20, $0xb8;
	[tilespmem:$0x5B30] =	vst v63  }
0xa0: {  	s6 =	sadd.s32 $0x2940, s4  }
0xa1: {  	[spmem:s2] =	stream.indirect.scatter.add.f32 [tilespmem:s21], [sflag:$0x1], $0x1, s6, s20, $0xb8;
	[tilespmem:$0x5B30] =	vst v63  }
0xa2: {  	s6 =	sadd.s32 $0x280, s4  }
0xa3: {  	[spmem:s1] =	stream.indirect.scatter.add.f32 [tilespmem:s21], [sflag:$0x1], $0x1, s6, s20, $0xb8;
	[tilespmem:$0x5B30] =	vst v63  }
0xa4: {  	s6 =	sadd.s32 $0x2990, s4  }
0xa5: {  	[spmem:s2] =	stream.indirect.scatter.add.f32 [tilespmem:s21], [sflag:$0x1], $0x1, s6, s20, $0xb8;
	[tilespmem:$0x5B30] =	vst v63  }
0xa6: {  	s6 =	sadd.s32 $0x2D0, s4  }
0xa7: {  	[spmem:s1] =	stream.indirect.scatter.add.f32 [tilespmem:s21], [sflag:$0x1], $0x1, s6, s20, $0xb8;
	[tilespmem:$0x5B30] =	vst v63  }
0xa8: {  	s4 =	sadd.s32 $0x29E0, s4  }
0xa9: {  	[spmem:s2] =	stream.indirect.scatter.add.f32 [tilespmem:s21], [sflag:$0x1], $0x1, s4, s20, $0xb8;
	[tilespmem:$0x5B30] =	vst v63  }
0xaa: {  	_ =	swait.ge [sflag:s30], $0x50  }
0xab: {  	[sflag:s30] =	ssyncset.done $0x0  }
0xac: {  	[sflag:s30] =	ssyncadd.s32 $0xFFFFFFB0  }
0xad: {  	_ =	swait.ge [sflag:s30], $0x50  }
0xae: {  	[sflag:s30] =	ssyncset.done $0x0  }
0xaf: {  	[sflag:s30] =	ssyncadd.s32 $0xFFFFFFB0  }
0xb0: {  	_ =	swait.ge [sflag:s30], $0x50  }
0xb1: {  	[sflag:s30] =	ssyncset.done $0x0  }
0xb2: {  	[sflag:s30] =	ssyncadd.s32 $0xFFFFFFB0  }
0xb3: {  	_ =	swait.ge [sflag:s30], $0x50  }
0xb4: {  	[sflag:s30] =	ssyncset.done $0x0  }
0xb5: {  	[sflag:s30] =	ssyncadd.s32 $0xFFFFFFB0  }
0xb6: {  	_ =	swait.ge [sflag:s30], $0x50  }
0xb7: {  	[sflag:s30] =	ssyncset.done $0x0  }
0xb8: {  	[sflag:s30] =	ssyncadd.s32 $0xFFFFFFB0  }
0xb9: {  	_ =	swait.ge [sflag:s30], $0x50  }
0xba: {  	[sflag:s30] =	ssyncset.done $0x0  }
0xbb: {  	[sflag:s30] =	ssyncadd.s32 $0xFFFFFFB0  }
0xbc: {  	_ =	swait.ge [sflag:s30], $0x50  }
0xbd: {  	[sflag:s30] =	ssyncset.done $0x0  }
0xbe: {  	[sflag:s30] =	ssyncadd.s32 $0xFFFFFFB0  }
0xbf: {  	_ =	swait.ge [sflag:s30], $0x50  }
0xc0: {  	[sflag:s30] =	ssyncset.done $0x0  }
0xc1: {  	[sflag:s30] =	ssyncadd.s32 $0xFFFFFFB0  }
.Ltmp2:
0xc2: {  	_ =	swait.ge [sflag:s30], $0x50;
	(pc) =	sbr.rel @p1 .LBB2_6-.Ltmp2, $4  }
0xc3: {  	[sflag:s30] =	ssyncset.done $0x0  }
0xc4: {  	[sflag:s30] =	ssyncadd.s32 $0xFFFFFFB0  }
0xc5: {  	_ =	swait.ge [sflag:s30], $0x50  }
0xc6: {  	s31 =	smov.u32 s5;
	s4 =	sshra.s32 s0, $0x2;
	[sflag:s30] =	ssyncset.done $0x0  }
0xc7: {  	s0 =	sadd.s32 $0x190, s4;
	[sflag:s30] =	ssyncadd.s32 $0xFFFFFFB0  }
0xc8: {  	[spmem:s1] =	stream.indirect.scatter.add.f32 [tilespmem:s21], [sflag:$0x1], $0x1, s0, s20, $0xb8;
	[tilespmem:$0x5B30] =	vst v63  }
0xc9: {  	s5 =	sadd.s32 $0x28A0, s4  }
0xca: {  	[spmem:s2] =	stream.indirect.scatter.add.f32 [tilespmem:s21], [sflag:$0x1], $0x1, s5, s20, $0xb8;
	[tilespmem:$0x5B30] =	vst v63  }
0xcb: {  	s6 =	sadd.s32 $0x1E0, s4  }
0xcc: {  	[spmem:s1] =	stream.indirect.scatter.add.f32 [tilespmem:s21], [sflag:$0x1], $0x1, s6, s20, $0xb8;
	[tilespmem:$0x5B30] =	vst v63  }
0xcd: {  	s31 =	sadd.s32 $0x28F0, s4  }
0xce: {  	[spmem:s2] =	stream.indirect.scatter.add.f32 [tilespmem:s21], [sflag:$0x1], $0x1, s31, s20, $0xb8;
	[tilespmem:$0x5B30] =	vst v63  }
0xcf: {  	s5 =	sadd.s32 $0x230, s4  }
0xd0: {  	[spmem:s1] =	stream.indirect.scatter.add.f32 [tilespmem:s21], [sflag:$0x1], $0x1, s5, s20, $0xb8;
	[tilespmem:$0x5B30] =	vst v63  }
0xd1: {  	s6 =	sadd.s32 $0x2940, s4  }
0xd2: {  	[spmem:s2] =	stream.indirect.scatter.add.f32 [tilespmem:s21], [sflag:$0x1], $0x1, s6, s20, $0xb8;
	[tilespmem:$0x5B30] =	vst v63  }
0xd3: {  	s31 =	sadd.s32 $0x280, s4  }
0xd4: {  	[spmem:s1] =	stream.indirect.scatter.add.f32 [tilespmem:s21], [sflag:$0x1], $0x1, s31, s20, $0xb8;
	[tilespmem:$0x5B30] =	vst v63  }
0xd5: {  	s5 =	sadd.s32 $0x2990, s4  }
0xd6: {  	[spmem:s2] =	stream.indirect.scatter.add.f32 [tilespmem:s21], [sflag:$0x1], $0x1, s5, s20, $0xb8;
	[tilespmem:$0x5B30] =	vst v63  }
0xd7: {  	s6 =	sadd.s32 $0x2D0, s4  }
0xd8: {  	[spmem:s1] =	stream.indirect.scatter.add.f32 [tilespmem:s21], [sflag:$0x1], $0x1, s6, s20, $0xb8;
	[tilespmem:$0x5B30] =	vst v63  }
0xd9: {  	s31 =	sadd.s32 $0x29E0, s4  }
0xda: {  	[spmem:s2] =	stream.indirect.scatter.add.f32 [tilespmem:s21], [sflag:$0x1], $0x1, s31, s20, $0xb8;
	[tilespmem:$0x5B30] =	vst v63  }
0xdb: {  	_ =	swait.ge [sflag:s30], $0x50  }
0xdc: {  	[sflag:s30] =	ssyncset.done $0x0  }
0xdd: {  	[sflag:s30] =	ssyncadd.s32 $0xFFFFFFB0  }
0xde: {  	_ =	swait.ge [sflag:s30], $0x50  }
0xdf: {  	[sflag:s30] =	ssyncset.done $0x0  }
0xe0: {  	[sflag:s30] =	ssyncadd.s32 $0xFFFFFFB0  }
0xe1: {  	_ =	swait.ge [sflag:s30], $0x50  }
0xe2: {  	[sflag:s30] =	ssyncset.done $0x0  }
0xe3: {  	[sflag:s30] =	ssyncadd.s32 $0xFFFFFFB0  }
0xe4: {  	_ =	swait.ge [sflag:s30], $0x50  }
0xe5: {  	[sflag:s30] =	ssyncset.done $0x0  }
0xe6: {  	[sflag:s30] =	ssyncadd.s32 $0xFFFFFFB0  }
0xe7: {  	_ =	swait.ge [sflag:s30], $0x50  }
0xe8: {  	[sflag:s30] =	ssyncset.done $0x0  }
0xe9: {  	[sflag:s30] =	ssyncadd.s32 $0xFFFFFFB0  }
0xea: {  	_ =	swait.ge [sflag:s30], $0x50  }
0xeb: {  	[sflag:s30] =	ssyncset.done $0x0  }
0xec: {  	[sflag:s30] =	ssyncadd.s32 $0xFFFFFFB0  }
0xed: {  	_ =	swait.ge [sflag:s30], $0x50  }
0xee: {  	[sflag:s30] =	ssyncset.done $0x0  }
0xef: {  	[sflag:s30] =	ssyncadd.s32 $0xFFFFFFB0  }
0xf0: {  	_ =	swait.ge [sflag:s30], $0x50  }
0xf1: {  	[sflag:s30] =	ssyncset.done $0x0  }
0xf2: {  	[sflag:s30] =	ssyncadd.s32 $0xFFFFFFB0  }
0xf3: {  	_ =	swait.ge [sflag:s30], $0x50  }
0xf4: {  	[sflag:s30] =	ssyncset.done $0x0  }
0xf5: {  	[sflag:s30] =	ssyncadd.s32 $0xFFFFFFB0  }
0xf6: {  	_ =	swait.ge [sflag:s30], $0x50  }
0xf7: {  	[sflag:s30] =	ssyncset.done $0x0  }
0xf8: {  	[sflag:s30] =	ssyncadd.s32 $0xFFFFFFB0  }
0xf9: {  	_ =	swait.ge [sflag:s30], $0x50  }
0xfa: {  	[sflag:s30] =	ssyncset.done $0x0  }
0xfb: {  	[sflag:s30] =	ssyncadd.s32 $0xFFFFFFB0  }
0xfc: {  	_ =	swait.ge [sflag:s30], $0x50  }
0xfd: {  	[sflag:s30] =	ssyncset.done $0x0  }
0xfe: {  	[sflag:s30] =	ssyncadd.s32 $0xFFFFFFB0  }
0xff: {  	_ =	swait.ge [sflag:s30], $0x50  }
0x100: {  	[sflag:s30] =	ssyncset.done $0x0  }
0x101: {  	[sflag:s30] =	ssyncadd.s32 $0xFFFFFFB0  }
0x102: {  	_ =	swait.ge [sflag:s30], $0x50  }
0x103: {  	[sflag:s30] =	ssyncset.done $0x0  }
0x104: {  	[sflag:s30] =	ssyncadd.s32 $0xFFFFFFB0  }
0x105: {  	_ =	swait.ge [sflag:s30], $0x50  }
0x106: {  	[sflag:s30] =	ssyncset.done $0x0  }
0x107: {  	[sflag:s30] =	ssyncadd.s32 $0xFFFFFFB0  }
0x108: {  	_ =	swait.ge [sflag:s30], $0x50  }
0x109: {  	[sflag:s30] =	ssyncset.done $0x0  }
0x10a: {  	[sflag:s30] =	ssyncadd.s32 $0xFFFFFFB0  }
0x10b: {  	_ =	swait.ge [sflag:s30], $0x50  }
0x10c: {  	[sflag:s30] =	ssyncset.done $0x0  }
0x10d: {  	[sflag:s30] =	ssyncadd.s32 $0xFFFFFFB0  }
0x10e: {  	_ =	swait.ge [sflag:s30], $0x50  }
0x10f: {  	[sflag:s30] =	ssyncset.done $0x0  }
0x110: {  	[sflag:s30] =	ssyncadd.s32 $0xFFFFFFB0  }
0x111: {  	_ =	swait.ge [sflag:s30], $0x50  }
0x112: {  	[sflag:s30] =	ssyncset.done $0x0  }
0x113: {  	[sflag:s30] =	ssyncadd.s32 $0xFFFFFFB0  }
0x114: {  	_ =	swait.ge [sflag:s30], $0x50  }
0x115: {  	[sflag:s30] =	ssyncset.done $0x0  }
0x116: {  	[sflag:s30] =	ssyncadd.s32 $0xFFFFFFB0  }
0x117: {  	s0 =	sshrl.u32 @!p0 s1, $0x3;
	s4 =	simm.s32 @!p0 $0x1C02;
	[bflag:$0x0] =	sbarrier.arrive $0xFFFF  }
0x118: {  	[hbm:s12], [sflag:s4] =	dma.local @!p0 [spmem:s0], $0x4E2  }
0x119: {  	s0 =	simm.s32 @!p0 $0x2  }
0x11a: {  	s3 =	sadd.s32 $0x1, s3;
	_ =	swait.ge @!p0 [sflag:s0], $0x4E2  }
0x11b: {  	p1 =	sne.s32 s3, s16;
	[sflag:s0] =	ssyncset.done @!p0 $0x0  }
.Ltmp3:
0x11c: {  	s5 =	sshrl.u32 @!p0 s2, $0x3;
	[sflag:s0] =	ssyncadd.s32 @!p0 $0xFFFFFB1E;
	(pc) =	sbr.rel @p1 .LBB2_1-.Ltmp3, $4  }
0x11d: {  	[hbm:s15], [sflag:s4] =	dma.local @!p0 [spmem:s5], $0x4E2  }
0x11e: {  	_ =	swait.ge @!p0 [sflag:s0], $0x4E2  }
0x11f: {  	[sflag:s0] =	ssyncset.done @!p0 $0x0  }
0x120: {  	[sflag:s0] =	ssyncadd.s32 @!p0 $0xFFFFFB1E  }
0x121: {  	_ =	sfence.sel $0x180000  }
0x122: {  	[bflag:$0x0] =	sbarrier.arrive $0xFFFF  }
0x123: {  	_ =	strace $0x90000047  }
0x124: {  	[bflag:$0x2] =	sbarrier.arrive $0xFFFF  }
0x125: {  	s0 =	rddreg [dreg:$0x4]  }
0x126: {  	s0 =	sadd.s32 @!p0 $0x100000, s0  }
0x127: {  	[sflag:s0] =	ssyncadd.tile.s32 @!p0 $0x1;
	_ =	shalt  }
.Lfunc_end2:
_tile_overlayer_lowered:
.L_overlay_start_2:
0x128: {  	(tag) =	ssettag $0x2  }
0x129: {  	s0 =	rddreg [dreg:$0x0];
	s2 =	stileid.u32  }
0x12a: {  	s1 =	rddreg [dreg:$0x1];
	p0 =	sne.s32 s2, $0x0  }
0x12b: {  	s3 =	rddreg [dreg:$0x2];
	[bflag:$0x3] =	sbarrier.arrive $0xFFFF;
	s2 =	simm.s32 @!p0 $0x1C02  }
0x12c: {  	[timem:s3], [sflag:s2] =	dma.local @!p0 [hbm:s0], s1  }
0x12d: {  	s0 =	simm.s32 @!p0 $0x2  }
0x12e: {  	_ =	swait.ge @!p0 [sflag:s0], s1  }
0x12f: {  	s1 =	ssub.s32 @!p0 $0x0, s1;
	[sflag:s0] =	ssyncset.done @!p0 $0x0  }
0x130: {  	[sflag:s0] =	ssyncadd.s32 @!p0 s1  }
0x131: {  	[bflag:$0x3] =	sbarrier.arrive $0xFFFF  }
0x132: {  	_ =	shalt  }

</sc_bundles>
